<compile_context>
chip_gen: v7x
topology: tpu7x:2x2x1
jax: 0.10.2.dev20260603
libtpu: 0.0.44.dev20260713+nightly
codegen_flags: <defaults>
</compile_context>

<pallas_src>
import functools

import jax
import jax.numpy as jnp
from jax import lax
from jax.experimental import pallas as pl
from jax.experimental.pallas import tpu as pltpu
from jax.experimental.pallas import tpu_sc as plsc

TOPK = 64
NC, NS, L = 2, 16, 16
NW = NC * NS



def _encode_body(x_ref, w_ref, b_ref, o_ref):
    o_ref[...] = (
        jnp.dot(x_ref[...], w_ref[...], preferred_element_type=jnp.float32)
        + b_ref[...]
    )


def _encode(xc, W_enc, b_enc):
    N, D = xc.shape
    F = W_enc.shape[1]
    BN, BF = 512, 2048
    grid = (N // BN, F // BF)
    return pl.pallas_call(
        _encode_body,
        grid=grid,
        in_specs=[
            pl.BlockSpec((BN, D), lambda i, j: (i, 0)),
            pl.BlockSpec((D, BF), lambda i, j: (0, j)),
            pl.BlockSpec((1, BF), lambda i, j: (0, j)),
        ],
        out_specs=pl.BlockSpec((BN, BF), lambda i, j: (i, j)),
        out_shape=jax.ShapeDtypeStruct((N, F), jnp.float32),
    )(xc, W_enc, b_enc.reshape(1, F))



NB = 512
CAND_CAP = 4096


def _popcnt(m):
    return plsc.all_reduce_population_count(m)[0]


def _sc_body(pre_hbm, wdec_hbm, bdec_hbm, xhat_hbm,
             row_v, hist_v, ck_v, ci_v, sk_v, si_v, sv_v, rows_v, acc_v,
             bdec_v, rsem, gsem0):
    n_tok = pre_hbm.shape[0]
    dict_size = pre_hbm.shape[1]
    dm = wdec_hbm.shape[1]
    vpr = dict_size // L
    rows_per_w = n_tok // NW

    wid = lax.axis_index("s") * NC + lax.axis_index("c")
    base_row = wid * rows_per_w

    pltpu.sync_copy(bdec_hbm, bdec_v)
    zeros16i = jnp.zeros((L,), jnp.int32)
    ones16i = jnp.ones((L,), jnp.int32)
    iota16 = lax.iota(jnp.int32, L)

    pltpu.async_copy(pre_hbm.at[base_row], row_v.at[0], rsem)

    def row_body(i, _):
        r = base_row + i
        par = lax.rem(i, 2)
        pltpu.make_async_copy(pre_hbm.at[r], row_v.at[par], rsem).wait()
        @pl.when(i + 1 < rows_per_w)
        def _():
            pltpu.async_copy(pre_hbm.at[r + 1], row_v.at[1 - par], rsem)

        def clr(g, _):
            hist_v[pl.ds(g * L, L)] = zeros16i
            return 0
        lax.fori_loop(0, 4 * NB // L, clr, 0, unroll=8)

        def p1(j, _):
            for u in range(4):
                k = plsc.bitcast(row_v[par, pl.ds((4 * j + u) * L, L)],
                                 jnp.int32)
                b = lax.shift_right_arithmetic(k, 22)
                plsc.addupdate_scatter(hist_v.at[pl.ds(u * NB, NB)], [b],
                                       ones16i, mask=k > 0)
            return 0
        lax.fori_loop(0, vpr // 4, p1, 0, unroll=2)

        def bs(t, carry):
            total, found_g, total_above = carry
            g = NB // L - 1 - t
            h = (hist_v[pl.ds(g * L, L)]
                 + hist_v[pl.ds(NB + g * L, L)]
                 + hist_v[pl.ds(2 * NB + g * L, L)]
                 + hist_v[pl.ds(3 * NB + g * L, L)])
            hist_v[pl.ds(g * L, L)] = h
            s = jnp.sum(h, axis=0)
            new_total = total + s
            hit = (total < TOPK) & (new_total >= TOPK)
            found_g = jnp.where(hit, g, found_g)
            total_above = jnp.where(hit, total, total_above)
            return (new_total, found_g, total_above)
        _, found_g, total_above = lax.fori_loop(
            0, NB // L, bs, (jnp.int32(0), jnp.int32(-1), jnp.int32(0)))

        g = jnp.maximum(found_g, 0)
        h = hist_v[pl.ds(g * L, L)]
        rc = lax.rev(jnp.cumsum(lax.rev(h, (0,))), (0,))
        nlane = _popcnt((total_above + rc) >= TOPK)
        bstar = g * L + jnp.maximum(nlane - 1, 0)
        lo = lax.shift_left(bstar, 22)

        lo_v = jnp.full((L,), 0, jnp.int32) + lo
        cap_v = jnp.full((L,), CAND_CAP - 1, jnp.int32)

        def p2(j, curv):
            k = plsc.bitcast(row_v[par, pl.ds(j * L, L)], jnp.int32)
            m = (k >= lo_v) & (k > 0)
            pos = curv + plsc.cumsum(m.astype(jnp.int32)) - 1
            m2 = m & (pos <= cap_v)
            plsc.store_scatter(ck_v, [pos], k, mask=m2)
            plsc.store_scatter(ci_v, [pos], iota16 + j * L, mask=m2)
            return curv + plsc.all_reduce_population_count(m)
        curv = lax.fori_loop(0, vpr, p2, zeros16i, unroll=8)
        mc = jnp.minimum(curv[0], CAND_CAP - L)
        ck_v[pl.ds(mc, L)] = zeros16i
        nv = (mc + L - 1) // L

        def cnt_ge(t):
            tv = jnp.full((L,), 0, jnp.int32) + t
            def cb(j, c):
                k = ck_v[pl.ds(j * L, L)]
                return c + plsc.all_reduce_population_count(k >= tv)
            return lax.fori_loop(0, nv, cb, zeros16i)[0]

        def bis(_, ab):
            a, b = ab
            mid = (a + b) // 2
            le = cnt_ge(lo + mid) <= TOPK
            return (jnp.where(le, a, mid), jnp.where(le, mid, b))
        a0 = jnp.int32(-1)
        b0 = jnp.int32(1 << 22)
        _, b_off = lax.fori_loop(0, 23, bis, (a0, b0))
        T = jnp.where(found_g < 0, jnp.int32(1), lo + b_off)

        def clrsel(c, _):
            sk_v[pl.ds(c * L, L)] = zeros16i
            si_v[pl.ds(c * L, L)] = zeros16i
            return 0
        lax.fori_loop(0, (TOPK + L) // L, clrsel, 0, unroll=5)

        T_v = jnp.full((L,), 0, jnp.int32) + T

        def p3(j, curv):
            k = ck_v[pl.ds(j * L, L)]
            idx = ci_v[pl.ds(j * L, L)]
            m = k >= T_v
            pos = curv + plsc.cumsum(m.astype(jnp.int32)) - 1
            plsc.store_scatter(sk_v, [pos], k, mask=m)
            plsc.store_scatter(si_v, [pos], idx, mask=m)
            return curv + plsc.all_reduce_population_count(m)
        lax.fori_loop(0, nv, p3, zeros16i)

        def cvt(c, _):
            sv_v[pl.ds(L + c * L, L)] = plsc.bitcast(sk_v[pl.ds(c * L, L)],
                                                     jnp.float32)
            return 0
        lax.fori_loop(0, TOPK // L, cvt, 0, unroll=4)

        pltpu.async_copy(wdec_hbm.at[si_v.at[pl.ds(0, TOPK)]], rows_v, gsem0)

        pltpu.make_async_copy(wdec_hbm.at[si_v.at[pl.ds(0, TOPK)]], rows_v,
                              gsem0).wait()

        def dj(j, accs):
            w = plsc.load_gather(sv_v, [jnp.full((L,), L, jnp.int32) + j])
            return tuple(a + w * rows_v[j, pl.ds(c * L, L)]
                         for c, a in enumerate(accs))
        accs0 = tuple(bdec_v[pl.ds(c * L, L)] for c in range(dm // L))
        accs = lax.fori_loop(0, TOPK, dj, accs0, unroll=2)
        for c in range(dm // L):
            acc_v[pl.ds(c * L, L)] = accs[c]

        pltpu.sync_copy(acc_v, xhat_hbm.at[r])
        return 0

    lax.fori_loop(0, rows_per_w, row_body, 0)


def _sc_topk_decode(pre, W_dec, b_dec):
    n_tok, dict_size = pre.shape
    dm = W_dec.shape[1]
    mesh = plsc.VectorSubcoreMesh(core_axis_name="c", subcore_axis_name="s")
    f = pl.kernel(
        _sc_body,
        out_type=jax.ShapeDtypeStruct((n_tok, dm), jnp.float32),
        mesh=mesh,
        compiler_params=pltpu.CompilerParams(needs_layout_passes=False),
        scratch_types=[
            pltpu.VMEM((2, dict_size), jnp.float32),
            pltpu.VMEM((4 * NB,), jnp.int32),
            pltpu.VMEM((CAND_CAP,), jnp.int32),
            pltpu.VMEM((CAND_CAP,), jnp.int32),
            pltpu.VMEM((TOPK + L,), jnp.int32),
            pltpu.VMEM((TOPK + L,), jnp.int32),
            pltpu.VMEM((TOPK + L,), jnp.float32),
            pltpu.VMEM((TOPK, dm), jnp.float32),
            pltpu.VMEM((dm,), jnp.float32),
            pltpu.VMEM((dm,), jnp.float32),
            pltpu.SemaphoreType.DMA,
            pltpu.SemaphoreType.DMA,
        ],
    )
    return f(pre, W_dec, b_dec)


def kernel(x, W_enc, b_enc, W_dec, b_dec):
    x = x.astype(jnp.float32)
    pre = _encode(x - b_dec, W_enc, b_enc)
    return _sc_topk_decode(pre, W_dec, b_dec)

# --- scband reference (transcript-rebuilt; emitter-appended) ---
"""Pipeline reference for scband-saewrapper-24343874633901 (READ-ONLY COPY).

The authoritative reference and input builder live on the scoring server;
editing this copy changes nothing except your own understanding.
"""

import jax, jax.numpy as jnp
import numpy as np

K = 64

def setup_inputs(seed: int = 0) -> dict:
    key = jax.random.key(seed)
    k1, k2, k3 = jax.random.split(key, 3)
    d_model, dict_size = 768, 24576
    n_tok = 8192
    x = jax.random.normal(k1, (n_tok, d_model), dtype=jnp.float32)
    W_enc = jax.random.normal(k2, (d_model, dict_size), dtype=jnp.float32) * (1.0 / np.sqrt(d_model))
    b_enc = jnp.zeros((dict_size,), dtype=jnp.float32)
    W_dec = jax.random.normal(k3, (dict_size, d_model), dtype=jnp.float32) * (1.0 / np.sqrt(dict_size))
    b_dec = jnp.zeros((d_model,), dtype=jnp.float32)
    return {"x": x, "W_enc": W_enc, "b_enc": b_enc, "W_dec": W_dec, "b_dec": b_dec}

def reference(x, W_enc, b_enc, W_dec, b_dec):
    # TopKSAE forward: encode -> keep top-k latents -> decode; wrapper returns x_hat
    x = x.astype(jnp.float32)
    pre = (x - b_dec) @ W_enc + b_enc                    # [N, dict_size]
    vals, idx = jax.lax.top_k(pre, K)                    # [N, K]
    rows = jnp.arange(pre.shape[0])[:, None]
    acts = jnp.zeros_like(pre).at[rows, idx].set(jnp.maximum(vals, 0.0))  # sparse latent codes
    x_hat = acts @ W_dec + b_dec                          # [N, d_model]
    return x_hat

if __name__ == "__main__":
    import jax
    _d = setup_inputs()
    print(jax.jit(kernel)(*tuple(_d.values())))

</pallas_src>

<mosaic_0001>
#map = affine_map<(d0, d1) -> (0, 0)>
#map1 = affine_map<(d0, d1) -> (0)>
module attributes {stable_mosaic.version = 14 : i64} {
  func.func @_sc_body(%arg0: i32, %arg1: i32, %arg2: memref<8192x24576xf32, #tpu.memory_space<hbm>>, %arg3: memref<24576x768xf32, #tpu.memory_space<hbm>>, %arg4: memref<768xf32, #tpu.memory_space<hbm>>, %arg5: memref<8192x768xf32, #tpu.memory_space<hbm>>, %arg6: memref<2x24576xf32, #tpu.memory_space<vmem>>, %arg7: memref<2048xi32, #tpu.memory_space<vmem>>, %arg8: memref<4096xi32, #tpu.memory_space<vmem>>, %arg9: memref<4096xi32, #tpu.memory_space<vmem>>, %arg10: memref<80xi32, #tpu.memory_space<vmem>>, %arg11: memref<80xi32, #tpu.memory_space<vmem>>, %arg12: memref<80xf32, #tpu.memory_space<vmem>>, %arg13: memref<64x768xf32, #tpu.memory_space<vmem>>, %arg14: memref<768xf32, #tpu.memory_space<vmem>>, %arg15: memref<768xf32, #tpu.memory_space<vmem>>, %arg16: memref<!tpu.dma_semaphore, #tpu.memory_space<semaphore_mem>>, %arg17: memref<!tpu.dma_semaphore, #tpu.memory_space<semaphore_mem>>) attributes {dimension_semantics = [#tpu.dimension_semantics<core_parallel>, #tpu.dimension_semantics<subcore_parallel>], iteration_bounds = array<i64: 2, 16>, scalar_prefetch = 0 : i64, scratch_operands = 12 : i64, tpu.core_type = #tpu.core_type<sc_vector_subcore>, window_params = [{transform_indices = #map}, {transform_indices = #map}, {transform_indices = #map1}, {transform_indices = #map}]} {
    %mul3A = arith.constant 2 : i32
    %mul3A_0 = arith.muli %arg1, %mul3A : i32
    %add3A = arith.addi %mul3A_0, %arg0 : i32
    %mul3A_1 = arith.constant 256 : i32
    %mul3A_2 = arith.muli %add3A, %mul3A_1 : i32
    "tpu.region"() ({
      %run_scoped3A = tpu.sem_alloc : memref<!tpu.dma_semaphore, #tpu.memory_space<semaphore_mem>>
      tpu.enqueue_dma source(%arg4 : memref<768xf32, #tpu.memory_space<hbm>>) target(%arg15 : memref<768xf32, #tpu.memory_space<vmem>>) target_semaphore(%run_scoped3A : memref<!tpu.dma_semaphore, #tpu.memory_space<semaphore_mem>>)
      tpu.wait_dma2 semaphore(%run_scoped3A : memref<!tpu.dma_semaphore, #tpu.memory_space<semaphore_mem>>) src(%arg4 : memref<768xf32, #tpu.memory_space<hbm>>) dst(%arg15 : memref<768xf32, #tpu.memory_space<vmem>>)
      tpu.yield
    }) : () -> ()
    %broadcast_in_dim3A = arith.constant 0 : i32
    %broadcast_in_dim3A_3 = vector.broadcast %broadcast_in_dim3A : i32 to vector<16xi32>
    %broadcast_in_dim3A_4 = arith.constant 1 : i32
    %broadcast_in_dim3A_5 = vector.broadcast %broadcast_in_dim3A_4 : i32 to vector<16xi32>
    %iota3A = tpu.iota {dimensions = array<i32: 0>} : vector<16xi32>
    %dma_start3A = arith.constant 0 : i32
    %dma_start3A_6 = arith.constant 0 : i32
    %dma_start3A_7 = tpu.memref_slice %arg6[%dma_start3A, %dma_start3A_6] : memref<2x24576xf32, #tpu.memory_space<vmem>> -> memref<1x24576xf32, #tpu.memory_space<vmem>>
    %dma_start3A_8 = tpu.memref_squeeze %dma_start3A_7 : memref<1x24576xf32, #tpu.memory_space<vmem>> -> memref<24576xf32, #tpu.memory_space<vmem>>
    %dma_start3A_9 = arith.constant 0 : i32
    %dma_start3A_10 = tpu.memref_slice %arg2[%mul3A_2, %dma_start3A_9] : memref<8192x24576xf32, #tpu.memory_space<hbm>> -> memref<1x24576xf32, #tpu.memory_space<hbm>>
    %dma_start3A_11 = tpu.memref_squeeze %dma_start3A_10 : memref<1x24576xf32, #tpu.memory_space<hbm>> -> memref<24576xf32, #tpu.memory_space<hbm>>
    %dma_start3A_12 = arith.constant 0 : i32
    %dma_start3A_13 = tpu.memref_slice %arg6[%dma_start3A, %dma_start3A_12] : memref<2x24576xf32, #tpu.memory_space<vmem>> -> memref<1x24576xf32, #tpu.memory_space<vmem>>
    %dma_start3A_14 = tpu.memref_squeeze %dma_start3A_13 : memref<1x24576xf32, #tpu.memory_space<vmem>> -> memref<24576xf32, #tpu.memory_space<vmem>>
    %dma_start3A_15 = arith.constant 0 : i32
    %dma_start3A_16 = tpu.memref_slice %arg2[%mul3A_2, %dma_start3A_15] : memref<8192x24576xf32, #tpu.memory_space<hbm>> -> memref<1x24576xf32, #tpu.memory_space<hbm>>
    %dma_start3A_17 = tpu.memref_squeeze %dma_start3A_16 : memref<1x24576xf32, #tpu.memory_space<hbm>> -> memref<24576xf32, #tpu.memory_space<hbm>>
    tpu.enqueue_dma source(%dma_start3A_17 : memref<24576xf32, #tpu.memory_space<hbm>>) target(%dma_start3A_14 : memref<24576xf32, #tpu.memory_space<vmem>>) target_semaphore(%arg16 : memref<!tpu.dma_semaphore, #tpu.memory_space<semaphore_mem>>)
    %scan3A = arith.constant 0 : i32
    %scan3A_18 = arith.constant 0 : i32
    %scan3A_19 = arith.constant 256 : i32
    %scan3A_20 = arith.addi %scan3A_18, %scan3A_19 : i32
    %scan3A_21 = arith.constant 1 : i32
    %scan3A_22 = scf.for %scan3A_24 = %scan3A_18 to %scan3A_20 step %scan3A_21 iter_args(%scan3A_25 = %scan3A) -> (i32)  : i32 {
      %add3A_26 = arith.addi %mul3A_2, %scan3A_24 : i32
      %rem3A = arith.constant 2 : i32
      %rem3A_27 = arith.remsi %scan3A_24, %rem3A : i32
      %dma_wait3A = arith.constant 0 : i32
      %dma_wait3A_28 = tpu.memref_slice %arg6[%rem3A_27, %dma_wait3A] : memref<2x24576xf32, #tpu.memory_space<vmem>> -> memref<1x24576xf32, #tpu.memory_space<vmem>>
      %dma_wait3A_29 = tpu.memref_squeeze %dma_wait3A_28 : memref<1x24576xf32, #tpu.memory_space<vmem>> -> memref<24576xf32, #tpu.memory_space<vmem>>
      %dma_wait3A_30 = arith.constant 0 : i32
      %dma_wait3A_31 = tpu.memref_slice %arg2[%add3A_26, %dma_wait3A_30] : memref<8192x24576xf32, #tpu.memory_space<hbm>> -> memref<1x24576xf32, #tpu.memory_space<hbm>>
      %dma_wait3A_32 = tpu.memref_squeeze %dma_wait3A_31 : memref<1x24576xf32, #tpu.memory_space<hbm>> -> memref<24576xf32, #tpu.memory_space<hbm>>
      %dma_wait3A_33 = arith.constant 0 : i32
      %dma_wait3A_34 = tpu.memref_slice %arg6[%rem3A_27, %dma_wait3A_33] : memref<2x24576xf32, #tpu.memory_space<vmem>> -> memref<1x24576xf32, #tpu.memory_space<vmem>>
      %dma_wait3A_35 = tpu.memref_squeeze %dma_wait3A_34 : memref<1x24576xf32, #tpu.memory_space<vmem>> -> memref<24576xf32, #tpu.memory_space<vmem>>
      %dma_wait3A_36 = arith.constant 0 : i32
      %dma_wait3A_37 = tpu.memref_slice %arg2[%add3A_26, %dma_wait3A_36] : memref<8192x24576xf32, #tpu.memory_space<hbm>> -> memref<1x24576xf32, #tpu.memory_space<hbm>>
      %dma_wait3A_38 = tpu.memref_squeeze %dma_wait3A_37 : memref<1x24576xf32, #tpu.memory_space<hbm>> -> memref<24576xf32, #tpu.memory_space<hbm>>
      tpu.wait_dma2 semaphore(%arg16 : memref<!tpu.dma_semaphore, #tpu.memory_space<semaphore_mem>>) src(%dma_wait3A_38 : memref<24576xf32, #tpu.memory_space<hbm>>) dst(%dma_wait3A_35 : memref<24576xf32, #tpu.memory_space<vmem>>)
      %add3A_39 = arith.constant 1 : i32
      %add3A_40 = arith.addi %scan3A_24, %add3A_39 : i32
      %lt3A = arith.constant 256 : i32
      %lt3A_41 = arith.cmpi slt, %add3A_40, %lt3A : i32
      %convert_element_type3A = arith.extui %lt3A_41 : i1 to i32
      %cond3A = arith.constant 0 : i32
      %cond3A_42 = arith.cmpi ne, %convert_element_type3A, %cond3A : i32
      scf.if %cond3A_42 {
        %add3A_471 = arith.constant 1 : i32
        %add3A_472 = arith.addi %add3A_26, %add3A_471 : i32
        %sub3A_473 = arith.constant 1 : i32
        %sub3A_474 = arith.subi %sub3A_473, %rem3A_27 : i32
        %dma_start3A_475 = arith.constant 0 : i32
        %dma_start3A_476 = tpu.memref_slice %arg6[%sub3A_474, %dma_start3A_475] : memref<2x24576xf32, #tpu.memory_space<vmem>> -> memref<1x24576xf32, #tpu.memory_space<vmem>>
        %dma_start3A_477 = tpu.memref_squeeze %dma_start3A_476 : memref<1x24576xf32, #tpu.memory_space<vmem>> -> memref<24576xf32, #tpu.memory_space<vmem>>
        %dma_start3A_478 = arith.constant 0 : i32
        %dma_start3A_479 = tpu.memref_slice %arg2[%add3A_472, %dma_start3A_478] : memref<8192x24576xf32, #tpu.memory_space<hbm>> -> memref<1x24576xf32, #tpu.memory_space<hbm>>
        %dma_start3A_480 = tpu.memref_squeeze %dma_start3A_479 : memref<1x24576xf32, #tpu.memory_space<hbm>> -> memref<24576xf32, #tpu.memory_space<hbm>>
        %dma_start3A_481 = arith.constant 0 : i32
        %dma_start3A_482 = tpu.memref_slice %arg6[%sub3A_474, %dma_start3A_481] : memref<2x24576xf32, #tpu.memory_space<vmem>> -> memref<1x24576xf32, #tpu.memory_space<vmem>>
        %dma_start3A_483 = tpu.memref_squeeze %dma_start3A_482 : memref<1x24576xf32, #tpu.memory_space<vmem>> -> memref<24576xf32, #tpu.memory_space<vmem>>
        %dma_start3A_484 = arith.constant 0 : i32
        %dma_start3A_485 = tpu.memref_slice %arg2[%add3A_472, %dma_start3A_484] : memref<8192x24576xf32, #tpu.memory_space<hbm>> -> memref<1x24576xf32, #tpu.memory_space<hbm>>
        %dma_start3A_486 = tpu.memref_squeeze %dma_start3A_485 : memref<1x24576xf32, #tpu.memory_space<hbm>> -> memref<24576xf32, #tpu.memory_space<hbm>>
        tpu.enqueue_dma source(%dma_start3A_486 : memref<24576xf32, #tpu.memory_space<hbm>>) target(%dma_start3A_483 : memref<24576xf32, #tpu.memory_space<vmem>>) target_semaphore(%arg16 : memref<!tpu.dma_semaphore, #tpu.memory_space<semaphore_mem>>)
      } else {
      }
      %scan3A_43 = arith.constant 0 : i32
      %scan3A_44 = arith.constant 0 : i32
      %scan3A_45 = arith.constant 128 : i32
      %scan3A_46 = arith.addi %scan3A_44, %scan3A_45 : i32
      %scan3A_47 = arith.constant 8 : i32
      %scan3A_48 = scf.for %scan3A_471 = %scan3A_44 to %scan3A_46 step %scan3A_47 iter_args(%scan3A_472 = %scan3A_43) -> (i32)  : i32 {
        %mul3A_473 = arith.constant 16 : i32
        %mul3A_474 = arith.muli %scan3A_471, %mul3A_473 : i32
        %swap3A_475 = arith.index_cast %mul3A_474 : i32 to index
        %swap3A_476 = tpu.vector_load %arg7[%swap3A_475] {strides = array<i32>} : memref<2048xi32, #tpu.memory_space<vmem>>, vector<16xi32>,
        tpu.vector_store %arg7[%swap3A_475], %broadcast_in_dim3A_3 {strides = array<i32>} : memref<2048xi32, #tpu.memory_space<vmem>>, vector<16xi32>,
        %scan3A_477 = arith.constant 0 : i32
        %scan3A_478 = arith.constant 1 : i32
        %scan3A_479 = arith.addi %scan3A_471, %scan3A_478 : i32
        %mul3A_480 = arith.constant 16 : i32
        %mul3A_481 = arith.muli %scan3A_479, %mul3A_480 : i32
        %swap3A_482 = arith.index_cast %mul3A_481 : i32 to index
        %swap3A_483 = tpu.vector_load %arg7[%swap3A_482] {strides = array<i32>} : memref<2048xi32, #tpu.memory_space<vmem>>, vector<16xi32>,
        tpu.vector_store %arg7[%swap3A_482], %broadcast_in_dim3A_3 {strides = array<i32>} : memref<2048xi32, #tpu.memory_space<vmem>>, vector<16xi32>,
        %scan3A_484 = arith.constant 0 : i32
        %scan3A_485 = arith.constant 2 : i32
        %scan3A_486 = arith.addi %scan3A_471, %scan3A_485 : i32
        %mul3A_487 = arith.constant 16 : i32
        %mul3A_488 = arith.muli %scan3A_486, %mul3A_487 : i32
        %swap3A_489 = arith.index_cast %mul3A_488 : i32 to index
        %swap3A_490 = tpu.vector_load %arg7[%swap3A_489] {strides = array<i32>} : memref<2048xi32, #tpu.memory_space<vmem>>, vector<16xi32>,
        tpu.vector_store %arg7[%swap3A_489], %broadcast_in_dim3A_3 {strides = array<i32>} : memref<2048xi32, #tpu.memory_space<vmem>>, vector<16xi32>,
        %scan3A_491 = arith.constant 0 : i32
        %scan3A_492 = arith.constant 3 : i32
        %scan3A_493 = arith.addi %scan3A_471, %scan3A_492 : i32
        %mul3A_494 = arith.constant 16 : i32
        %mul3A_495 = arith.muli %scan3A_493, %mul3A_494 : i32
        %swap3A_496 = arith.index_cast %mul3A_495 : i32 to index
        %swap3A_497 = tpu.vector_load %arg7[%swap3A_496] {strides = array<i32>} : memref<2048xi32, #tpu.memory_space<vmem>>, vector<16xi32>,
        tpu.vector_store %arg7[%swap3A_496], %broadcast_in_dim3A_3 {strides = array<i32>} : memref<2048xi32, #tpu.memory_space<vmem>>, vector<16xi32>,
        %scan3A_498 = arith.constant 0 : i32
        %scan3A_499 = arith.constant 4 : i32
        %scan3A_500 = arith.addi %scan3A_471, %scan3A_499 : i32
        %mul3A_501 = arith.constant 16 : i32
        %mul3A_502 = arith.muli %scan3A_500, %mul3A_501 : i32
        %swap3A_503 = arith.index_cast %mul3A_502 : i32 to index
        %swap3A_504 = tpu.vector_load %arg7[%swap3A_503] {strides = array<i32>} : memref<2048xi32, #tpu.memory_space<vmem>>, vector<16xi32>,
        tpu.vector_store %arg7[%swap3A_503], %broadcast_in_dim3A_3 {strides = array<i32>} : memref<2048xi32, #tpu.memory_space<vmem>>, vector<16xi32>,
        %scan3A_505 = arith.constant 0 : i32
        %scan3A_506 = arith.constant 5 : i32
        %scan3A_507 = arith.addi %scan3A_471, %scan3A_506 : i32
        %mul3A_508 = arith.constant 16 : i32
        %mul3A_509 = arith.muli %scan3A_507, %mul3A_508 : i32
        %swap3A_510 = arith.index_cast %mul3A_509 : i32 to index
        %swap3A_511 = tpu.vector_load %arg7[%swap3A_510] {strides = array<i32>} : memref<2048xi32, #tpu.memory_space<vmem>>, vector<16xi32>,
        tpu.vector_store %arg7[%swap3A_510], %broadcast_in_dim3A_3 {strides = array<i32>} : memref<2048xi32, #tpu.memory_space<vmem>>, vector<16xi32>,
        %scan3A_512 = arith.constant 0 : i32
        %scan3A_513 = arith.constant 6 : i32
        %scan3A_514 = arith.addi %scan3A_471, %scan3A_513 : i32
        %mul3A_515 = arith.constant 16 : i32
        %mul3A_516 = arith.muli %scan3A_514, %mul3A_515 : i32
        %swap3A_517 = arith.index_cast %mul3A_516 : i32 to index
        %swap3A_518 = tpu.vector_load %arg7[%swap3A_517] {strides = array<i32>} : memref<2048xi32, #tpu.memory_space<vmem>>, vector<16xi32>,
        tpu.vector_store %arg7[%swap3A_517], %broadcast_in_dim3A_3 {strides = array<i32>} : memref<2048xi32, #tpu.memory_space<vmem>>, vector<16xi32>,
        %scan3A_519 = arith.constant 0 : i32
        %scan3A_520 = arith.constant 7 : i32
        %scan3A_521 = arith.addi %scan3A_471, %scan3A_520 : i32
        %mul3A_522 = arith.constant 16 : i32
        %mul3A_523 = arith.muli %scan3A_521, %mul3A_522 : i32
        %swap3A_524 = arith.index_cast %mul3A_523 : i32 to index
        %swap3A_525 = tpu.vector_load %arg7[%swap3A_524] {strides = array<i32>} : memref<2048xi32, #tpu.memory_space<vmem>>, vector<16xi32>,
        tpu.vector_store %arg7[%swap3A_524], %broadcast_in_dim3A_3 {strides = array<i32>} : memref<2048xi32, #tpu.memory_space<vmem>>, vector<16xi32>,
        %scan3A_526 = arith.constant 0 : i32
        scf.yield %scan3A_526 : i32
      }
      %scan3A_49 = arith.constant 128 : i32
      %scan3A_50 = arith.constant 0 : i32
      %scan3A_51 = arith.constant 0 : i32
      %scan3A_52 = arith.constant 384 : i32
      %scan3A_53 = arith.addi %scan3A_51, %scan3A_52 : i32
      %scan3A_54 = arith.constant 2 : i32
      %scan3A_55 = scf.for %scan3A_471 = %scan3A_51 to %scan3A_53 step %scan3A_54 iter_args(%scan3A_472 = %scan3A_50) -> (i32)  : i32 {
        %mul3A_473 = arith.constant 4 : i32
        %mul3A_474 = arith.muli %mul3A_473, %scan3A_471 : i32
        %add3A_475 = arith.constant 0 : i32
        %add3A_476 = arith.addi %mul3A_474, %add3A_475 : i32
        %mul3A_477 = arith.constant 16 : i32
        %mul3A_478 = arith.muli %add3A_476, %mul3A_477 : i32
        %get3A_479 = arith.index_cast %rem3A_27 : i32 to index
        %get3A_480 = arith.index_cast %mul3A_478 : i32 to index
        %get3A_481 = tpu.vector_load %arg6[%get3A_479, %get3A_480] {strides = array<i32>} : memref<2x24576xf32, #tpu.memory_space<vmem>>, vector<16xf32>,
        %bitcast3A_482 = vector.bitcast %get3A_481 : vector<16xf32> to vector<16xi32>
        %shift_right_arithmetic3A = arith.constant 22 : i32
        %shift_right_arithmetic3A_483 = vector.broadcast %shift_right_arithmetic3A : i32 to vector<16xi32>
        %shift_right_arithmetic3A_484 = arith.shrsi %bitcast3A_482, %shift_right_arithmetic3A_483 : vector<16xi32>
        %gt3A = arith.constant 0 : i32
        %gt3A_485 = vector.broadcast %gt3A : i32 to vector<16xi32>
        %gt3A_486 = arith.cmpi sgt, %bitcast3A_482, %gt3A_485 : vector<16xi32>
        %scatter3A = arith.constant 0 : i32
        %scatter3A_487 = tpu.memref_slice %arg7[%scatter3A] : memref<2048xi32, #tpu.memory_space<vmem>> -> memref<512xi32, #tpu.memory_space<vmem>>
        tpu.vector_store_idx %scatter3A_487[%shift_right_arithmetic3A_484], %broadcast_in_dim3A_5 masked %gt3A_486 {add = true} : memref<512xi32, #tpu.memory_space<vmem>>[vector<16xi32>], vector<16xi32>, vector<16xi1>
        %mul3A_488 = arith.constant 4 : i32
        %mul3A_489 = arith.muli %mul3A_488, %scan3A_471 : i32
        %add3A_490 = arith.constant 1 : i32
        %add3A_491 = arith.addi %mul3A_489, %add3A_490 : i32
        %mul3A_492 = arith.constant 16 : i32
        %mul3A_493 = arith.muli %add3A_491, %mul3A_492 : i32
        %get3A_494 = arith.index_cast %rem3A_27 : i32 to index
        %get3A_495 = arith.index_cast %mul3A_493 : i32 to index
        %get3A_496 = tpu.vector_load %arg6[%get3A_494, %get3A_495] {strides = array<i32>} : memref<2x24576xf32, #tpu.memory_space<vmem>>, vector<16xf32>,
        %bitcast3A_497 = vector.bitcast %get3A_496 : vector<16xf32> to vector<16xi32>
        %shift_right_arithmetic3A_498 = arith.constant 22 : i32
        %shift_right_arithmetic3A_499 = vector.broadcast %shift_right_arithmetic3A_498 : i32 to vector<16xi32>
        %shift_right_arithmetic3A_500 = arith.shrsi %bitcast3A_497, %shift_right_arithmetic3A_499 : vector<16xi32>
        %gt3A_501 = arith.constant 0 : i32
        %gt3A_502 = vector.broadcast %gt3A_501 : i32 to vector<16xi32>
        %gt3A_503 = arith.cmpi sgt, %bitcast3A_497, %gt3A_502 : vector<16xi32>
        %scatter3A_504 = arith.constant 512 : i32
        %scatter3A_505 = tpu.memref_slice %arg7[%scatter3A_504] : memref<2048xi32, #tpu.memory_space<vmem>> -> memref<512xi32, #tpu.memory_space<vmem>>
        tpu.vector_store_idx %scatter3A_505[%shift_right_arithmetic3A_500], %broadcast_in_dim3A_5 masked %gt3A_503 {add = true} : memref<512xi32, #tpu.memory_space<vmem>>[vector<16xi32>], vector<16xi32>, vector<16xi1>
        %mul3A_506 = arith.constant 4 : i32
        %mul3A_507 = arith.muli %mul3A_506, %scan3A_471 : i32
        %add3A_508 = arith.constant 2 : i32
        %add3A_509 = arith.addi %mul3A_507, %add3A_508 : i32
        %mul3A_510 = arith.constant 16 : i32
        %mul3A_511 = arith.muli %add3A_509, %mul3A_510 : i32
        %get3A_512 = arith.index_cast %rem3A_27 : i32 to index
        %get3A_513 = arith.index_cast %mul3A_511 : i32 to index
        %get3A_514 = tpu.vector_load %arg6[%get3A_512, %get3A_513] {strides = array<i32>} : memref<2x24576xf32, #tpu.memory_space<vmem>>, vector<16xf32>,
        %bitcast3A_515 = vector.bitcast %get3A_514 : vector<16xf32> to vector<16xi32>
        %shift_right_arithmetic3A_516 = arith.constant 22 : i32
        %shift_right_arithmetic3A_517 = vector.broadcast %shift_right_arithmetic3A_516 : i32 to vector<16xi32>
        %shift_right_arithmetic3A_518 = arith.shrsi %bitcast3A_515, %shift_right_arithmetic3A_517 : vector<16xi32>
        %gt3A_519 = arith.constant 0 : i32
        %gt3A_520 = vector.broadcast %gt3A_519 : i32 to vector<16xi32>
        %gt3A_521 = arith.cmpi sgt, %bitcast3A_515, %gt3A_520 : vector<16xi32>
        %scatter3A_522 = arith.constant 1024 : i32
        %scatter3A_523 = tpu.memref_slice %arg7[%scatter3A_522] : memref<2048xi32, #tpu.memory_space<vmem>> -> memref<512xi32, #tpu.memory_space<vmem>>
        tpu.vector_store_idx %scatter3A_523[%shift_right_arithmetic3A_518], %broadcast_in_dim3A_5 masked %gt3A_521 {add = true} : memref<512xi32, #tpu.memory_space<vmem>>[vector<16xi32>], vector<16xi32>, vector<16xi1>
        %mul3A_524 = arith.constant 4 : i32
        %mul3A_525 = arith.muli %mul3A_524, %scan3A_471 : i32
        %add3A_526 = arith.constant 3 : i32
        %add3A_527 = arith.addi %mul3A_525, %add3A_526 : i32
        %mul3A_528 = arith.constant 16 : i32
        %mul3A_529 = arith.muli %add3A_527, %mul3A_528 : i32
        %get3A_530 = arith.index_cast %rem3A_27 : i32 to index
        %get3A_531 = arith.index_cast %mul3A_529 : i32 to index
        %get3A_532 = tpu.vector_load %arg6[%get3A_530, %get3A_531] {strides = array<i32>} : memref<2x24576xf32, #tpu.memory_space<vmem>>, vector<16xf32>,
        %bitcast3A_533 = vector.bitcast %get3A_532 : vector<16xf32> to vector<16xi32>
        %shift_right_arithmetic3A_534 = arith.constant 22 : i32
        %shift_right_arithmetic3A_535 = vector.broadcast %shift_right_arithmetic3A_534 : i32 to vector<16xi32>
        %shift_right_arithmetic3A_536 = arith.shrsi %bitcast3A_533, %shift_right_arithmetic3A_535 : vector<16xi32>
        %gt3A_537 = arith.constant 0 : i32
        %gt3A_538 = vector.broadcast %gt3A_537 : i32 to vector<16xi32>
        %gt3A_539 = arith.cmpi sgt, %bitcast3A_533, %gt3A_538 : vector<16xi32>
        %scatter3A_540 = arith.constant 1536 : i32
        %scatter3A_541 = tpu.memref_slice %arg7[%scatter3A_540] : memref<2048xi32, #tpu.memory_space<vmem>> -> memref<512xi32, #tpu.memory_space<vmem>>
        tpu.vector_store_idx %scatter3A_541[%shift_right_arithmetic3A_536], %broadcast_in_dim3A_5 masked %gt3A_539 {add = true} : memref<512xi32, #tpu.memory_space<vmem>>[vector<16xi32>], vector<16xi32>, vector<16xi1>
        %scan3A_542 = arith.constant 0 : i32
        %scan3A_543 = arith.constant 1 : i32
        %scan3A_544 = arith.addi %scan3A_471, %scan3A_543 : i32
        %mul3A_545 = arith.constant 4 : i32
        %mul3A_546 = arith.muli %mul3A_545, %scan3A_544 : i32
        %add3A_547 = arith.constant 0 : i32
        %add3A_548 = arith.addi %mul3A_546, %add3A_547 : i32
        %mul3A_549 = arith.constant 16 : i32
        %mul3A_550 = arith.muli %add3A_548, %mul3A_549 : i32
        %get3A_551 = arith.index_cast %rem3A_27 : i32 to index
        %get3A_552 = arith.index_cast %mul3A_550 : i32 to index
        %get3A_553 = tpu.vector_load %arg6[%get3A_551, %get3A_552] {strides = array<i32>} : memref<2x24576xf32, #tpu.memory_space<vmem>>, vector<16xf32>,
        %bitcast3A_554 = vector.bitcast %get3A_553 : vector<16xf32> to vector<16xi32>
        %shift_right_arithmetic3A_555 = arith.constant 22 : i32
        %shift_right_arithmetic3A_556 = vector.broadcast %shift_right_arithmetic3A_555 : i32 to vector<16xi32>
        %shift_right_arithmetic3A_557 = arith.shrsi %bitcast3A_554, %shift_right_arithmetic3A_556 : vector<16xi32>
        %gt3A_558 = arith.constant 0 : i32
        %gt3A_559 = vector.broadcast %gt3A_558 : i32 to vector<16xi32>
        %gt3A_560 = arith.cmpi sgt, %bitcast3A_554, %gt3A_559 : vector<16xi32>
        %scatter3A_561 = arith.constant 0 : i32
        %scatter3A_562 = tpu.memref_slice %arg7[%scatter3A_561] : memref<2048xi32, #tpu.memory_space<vmem>> -> memref<512xi32, #tpu.memory_space<vmem>>
        tpu.vector_store_idx %scatter3A_562[%shift_right_arithmetic3A_557], %broadcast_in_dim3A_5 masked %gt3A_560 {add = true} : memref<512xi32, #tpu.memory_space<vmem>>[vector<16xi32>], vector<16xi32>, vector<16xi1>
        %mul3A_563 = arith.constant 4 : i32
        %mul3A_564 = arith.muli %mul3A_563, %scan3A_544 : i32
        %add3A_565 = arith.constant 1 : i32
        %add3A_566 = arith.addi %mul3A_564, %add3A_565 : i32
        %mul3A_567 = arith.constant 16 : i32
        %mul3A_568 = arith.muli %add3A_566, %mul3A_567 : i32
        %get3A_569 = arith.index_cast %rem3A_27 : i32 to index
        %get3A_570 = arith.index_cast %mul3A_568 : i32 to index
        %get3A_571 = tpu.vector_load %arg6[%get3A_569, %get3A_570] {strides = array<i32>} : memref<2x24576xf32, #tpu.memory_space<vmem>>, vector<16xf32>,
        %bitcast3A_572 = vector.bitcast %get3A_571 : vector<16xf32> to vector<16xi32>
        %shift_right_arithmetic3A_573 = arith.constant 22 : i32
        %shift_right_arithmetic3A_574 = vector.broadcast %shift_right_arithmetic3A_573 : i32 to vector<16xi32>
        %shift_right_arithmetic3A_575 = arith.shrsi %bitcast3A_572, %shift_right_arithmetic3A_574 : vector<16xi32>
        %gt3A_576 = arith.constant 0 : i32
        %gt3A_577 = vector.broadcast %gt3A_576 : i32 to vector<16xi32>
        %gt3A_578 = arith.cmpi sgt, %bitcast3A_572, %gt3A_577 : vector<16xi32>
        %scatter3A_579 = arith.constant 512 : i32
        %scatter3A_580 = tpu.memref_slice %arg7[%scatter3A_579] : memref<2048xi32, #tpu.memory_space<vmem>> -> memref<512xi32, #tpu.memory_space<vmem>>
        tpu.vector_store_idx %scatter3A_580[%shift_right_arithmetic3A_575], %broadcast_in_dim3A_5 masked %gt3A_578 {add = true} : memref<512xi32, #tpu.memory_space<vmem>>[vector<16xi32>], vector<16xi32>, vector<16xi1>
        %mul3A_581 = arith.constant 4 : i32
        %mul3A_582 = arith.muli %mul3A_581, %scan3A_544 : i32
        %add3A_583 = arith.constant 2 : i32
        %add3A_584 = arith.addi %mul3A_582, %add3A_583 : i32
        %mul3A_585 = arith.constant 16 : i32
        %mul3A_586 = arith.muli %add3A_584, %mul3A_585 : i32
        %get3A_587 = arith.index_cast %rem3A_27 : i32 to index
        %get3A_588 = arith.index_cast %mul3A_586 : i32 to index
        %get3A_589 = tpu.vector_load %arg6[%get3A_587, %get3A_588] {strides = array<i32>} : memref<2x24576xf32, #tpu.memory_space<vmem>>, vector<16xf32>,
        %bitcast3A_590 = vector.bitcast %get3A_589 : vector<16xf32> to vector<16xi32>
        %shift_right_arithmetic3A_591 = arith.constant 22 : i32
        %shift_right_arithmetic3A_592 = vector.broadcast %shift_right_arithmetic3A_591 : i32 to vector<16xi32>
        %shift_right_arithmetic3A_593 = arith.shrsi %bitcast3A_590, %shift_right_arithmetic3A_592 : vector<16xi32>
        %gt3A_594 = arith.constant 0 : i32
        %gt3A_595 = vector.broadcast %gt3A_594 : i32 to vector<16xi32>
        %gt3A_596 = arith.cmpi sgt, %bitcast3A_590, %gt3A_595 : vector<16xi32>
        %scatter3A_597 = arith.constant 1024 : i32
        %scatter3A_598 = tpu.memref_slice %arg7[%scatter3A_597] : memref<2048xi32, #tpu.memory_space<vmem>> -> memref<512xi32, #tpu.memory_space<vmem>>
        tpu.vector_store_idx %scatter3A_598[%shift_right_arithmetic3A_593], %broadcast_in_dim3A_5 masked %gt3A_596 {add = true} : memref<512xi32, #tpu.memory_space<vmem>>[vector<16xi32>], vector<16xi32>, vector<16xi1>
        %mul3A_599 = arith.constant 4 : i32
        %mul3A_600 = arith.muli %mul3A_599, %scan3A_544 : i32
        %add3A_601 = arith.constant 3 : i32
        %add3A_602 = arith.addi %mul3A_600, %add3A_601 : i32
        %mul3A_603 = arith.constant 16 : i32
        %mul3A_604 = arith.muli %add3A_602, %mul3A_603 : i32
        %get3A_605 = arith.index_cast %rem3A_27 : i32 to index
        %get3A_606 = arith.index_cast %mul3A_604 : i32 to index
        %get3A_607 = tpu.vector_load %arg6[%get3A_605, %get3A_606] {strides = array<i32>} : memref<2x24576xf32, #tpu.memory_space<vmem>>, vector<16xf32>,
        %bitcast3A_608 = vector.bitcast %get3A_607 : vector<16xf32> to vector<16xi32>
        %shift_right_arithmetic3A_609 = arith.constant 22 : i32
        %shift_right_arithmetic3A_610 = vector.broadcast %shift_right_arithmetic3A_609 : i32 to vector<16xi32>
        %shift_right_arithmetic3A_611 = arith.shrsi %bitcast3A_608, %shift_right_arithmetic3A_610 : vector<16xi32>
        %gt3A_612 = arith.constant 0 : i32
        %gt3A_613 = vector.broadcast %gt3A_612 : i32 to vector<16xi32>
        %gt3A_614 = arith.cmpi sgt, %bitcast3A_608, %gt3A_613 : vector<16xi32>
        %scatter3A_615 = arith.constant 1536 : i32
        %scatter3A_616 = tpu.memref_slice %arg7[%scatter3A_615] : memref<2048xi32, #tpu.memory_space<vmem>> -> memref<512xi32, #tpu.memory_space<vmem>>
        tpu.vector_store_idx %scatter3A_616[%shift_right_arithmetic3A_611], %broadcast_in_dim3A_5 masked %gt3A_614 {add = true} : memref<512xi32, #tpu.memory_space<vmem>>[vector<16xi32>], vector<16xi32>, vector<16xi1>
        %scan3A_617 = arith.constant 0 : i32
        scf.yield %scan3A_617 : i32
      }
      %scan3A_56 = arith.constant 384 : i32
      %scan3A_57 = arith.constant 0 : i32
      %scan3A_58 = arith.constant -1 : i32
      %scan3A_59 = arith.constant 0 : i32
      %scan3A_60 = arith.constant 0 : i32
      %scan3A_61 = arith.constant 32 : i32
      %scan3A_62 = arith.addi %scan3A_60, %scan3A_61 : i32
      %scan3A_63 = arith.constant 1 : i32
      %scan3A_64:3 = scf.for %scan3A_471 = %scan3A_60 to %scan3A_62 step %scan3A_63 iter_args(%scan3A_472 = %scan3A_57, %scan3A_473 = %scan3A_58, %scan3A_474 = %scan3A_59) -> (i32, i32, i32)  : i32 {
        %sub3A_475 = arith.constant 31 : i32
        %sub3A_476 = arith.subi %sub3A_475, %scan3A_471 : i32
        %mul3A_477 = arith.constant 16 : i32
        %mul3A_478 = arith.muli %sub3A_476, %mul3A_477 : i32
        %get3A_479 = arith.index_cast %mul3A_478 : i32 to index
        %get3A_480 = tpu.vector_load %arg7[%get3A_479] {strides = array<i32>} : memref<2048xi32, #tpu.memory_space<vmem>>, vector<16xi32>,
        %mul3A_481 = arith.constant 16 : i32
        %mul3A_482 = arith.muli %sub3A_476, %mul3A_481 : i32
        %add3A_483 = arith.constant 512 : i32
        %add3A_484 = arith.addi %add3A_483, %mul3A_482 : i32
        %get3A_485 = arith.index_cast %add3A_484 : i32 to index
        %get3A_486 = tpu.vector_load %arg7[%get3A_485] {strides = array<i32>} : memref<2048xi32, #tpu.memory_space<vmem>>, vector<16xi32>,
        %add3A_487 = arith.addi %get3A_480, %get3A_486 : vector<16xi32>
        %mul3A_488 = arith.constant 16 : i32
        %mul3A_489 = arith.muli %sub3A_476, %mul3A_488 : i32
        %add3A_490 = arith.constant 1024 : i32
        %add3A_491 = arith.addi %add3A_490, %mul3A_489 : i32
        %get3A_492 = arith.index_cast %add3A_491 : i32 to index
        %get3A_493 = tpu.vector_load %arg7[%get3A_492] {strides = array<i32>} : memref<2048xi32, #tpu.memory_space<vmem>>, vector<16xi32>,
        %add3A_494 = arith.addi %add3A_487, %get3A_493 : vector<16xi32>
        %mul3A_495 = arith.constant 16 : i32
        %mul3A_496 = arith.muli %sub3A_476, %mul3A_495 : i32
        %add3A_497 = arith.constant 1536 : i32
        %add3A_498 = arith.addi %add3A_497, %mul3A_496 : i32
        %get3A_499 = arith.index_cast %add3A_498 : i32 to index
        %get3A_500 = tpu.vector_load %arg7[%get3A_499] {strides = array<i32>} : memref<2048xi32, #tpu.memory_space<vmem>>, vector<16xi32>,
        %add3A_501 = arith.addi %add3A_494, %get3A_500 : vector<16xi32>
        %mul3A_502 = arith.constant 16 : i32
        %mul3A_503 = arith.muli %sub3A_476, %mul3A_502 : i32
        %swap3A_504 = arith.index_cast %mul3A_503 : i32 to index
        %swap3A_505 = tpu.vector_load %arg7[%swap3A_504] {strides = array<i32>} : memref<2048xi32, #tpu.memory_space<vmem>>, vector<16xi32>,
        tpu.vector_store %arg7[%swap3A_504], %add3A_501 {strides = array<i32>} : memref<2048xi32, #tpu.memory_space<vmem>>, vector<16xi32>,
        %reduce_sum3A = arith.constant true
        %reduce_sum3A_506 = vector.broadcast %reduce_sum3A : i1 to vector<16xi1>
        %reduce_sum3A_507 = tpu.scan <sum>, %add3A_501 masked %reduce_sum3A_506 : vector<16xi32>, vector<16xi1> -> vector<16xi32>
        %reduce_sum3A_508 = vector.extract %reduce_sum3A_507[15] : i32 from vector<16xi32>
        %add3A_509 = arith.addi %scan3A_472, %reduce_sum3A_508 : i32
        %lt3A_510 = arith.constant 64 : i32
        %lt3A_511 = arith.cmpi slt, %scan3A_472, %lt3A_510 : i32
        %ge3A_512 = arith.constant 64 : i32
        %ge3A_513 = arith.cmpi sge, %add3A_509, %ge3A_512 : i32
        %and3A_514 = arith.andi %lt3A_511, %ge3A_513 : i1
        %select_n3A_515 = arith.select %and3A_514, %sub3A_476, %scan3A_473 : i32
        %select_n3A_516 = arith.select %and3A_514, %scan3A_472, %scan3A_474 : i32
        scf.yield %add3A_509, %select_n3A_515, %select_n3A_516 : i32, i32, i32
      }
      %scan3A_65 = arith.constant 32 : i32
      %max3A = arith.constant 0 : i32
      %max3A_66 = arith.maxsi %scan3A_64#1, %max3A : i32
      %mul3A_67 = arith.constant 16 : i32
      %mul3A_68 = arith.muli %max3A_66, %mul3A_67 : i32
      %get3A = arith.index_cast %mul3A_68 : i32 to index
      %get3A_69 = tpu.vector_load %arg7[%get3A] {strides = array<i32>} : memref<2048xi32, #tpu.memory_space<vmem>>, vector<16xi32>,
      %rev3A = arith.constant 15 : i32
      %rev3A_70 = vector.broadcast %rev3A : i32 to vector<16xi32>
      %rev3A_71 = tpu.iota {dimensions = array<i32: 0>} : vector<16xi32>
      %rev3A_72 = arith.subi %rev3A_70, %rev3A_71 : vector<16xi32>
      %rev3A_73 = tpu.dynamic_gather %get3A_69[%rev3A_72] in [0] : vector<16xi32>, vector<16xi32> -> vector<16xi32>
      %cumsum3A = arith.constant true
      %cumsum3A_74 = vector.broadcast %cumsum3A : i1 to vector<16xi1>
      %cumsum3A_75 = tpu.scan <sum>, %rev3A_73 masked %cumsum3A_74 : vector<16xi32>, vector<16xi1> -> vector<16xi32>
      %rev3A_76 = arith.constant 15 : i32
      %rev3A_77 = vector.broadcast %rev3A_76 : i32 to vector<16xi32>
      %rev3A_78 = tpu.iota {dimensions = array<i32: 0>} : vector<16xi32>
      %rev3A_79 = arith.subi %rev3A_77, %rev3A_78 : vector<16xi32>
      %rev3A_80 = tpu.dynamic_gather %cumsum3A_75[%rev3A_79] in [0] : vector<16xi32>, vector<16xi32> -> vector<16xi32>
      %add3A_81 = vector.broadcast %scan3A_64#2 : i32 to vector<16xi32>
      %add3A_82 = arith.addi %add3A_81, %rev3A_80 : vector<16xi32>
      %ge3A = arith.constant 64 : i32
      %ge3A_83 = vector.broadcast %ge3A : i32 to vector<16xi32>
      %ge3A_84 = arith.cmpi sge, %add3A_82, %ge3A_83 : vector<16xi32>
      %all_reduce_population_count3A = tpu.all_reduce %ge3A_84 {dim = 0 : i64, kind = #tpu.reduction_kind<sum>} : vector<16xi1> -> vector<16xi32>
      %slice3A = vector.extract_strided_slice %all_reduce_population_count3A {offsets = [0], sizes = [1], strides = [1]} : vector<16xi32> to vector<1xi32>
      %squeeze3A = vector.extract %slice3A[0] : i32 from vector<1xi32>
      %mul3A_85 = arith.constant 16 : i32
      %mul3A_86 = arith.muli %max3A_66, %mul3A_85 : i32
      %sub3A = arith.constant 1 : i32
      %sub3A_87 = arith.subi %squeeze3A, %sub3A : i32
      %max3A_88 = arith.constant 0 : i32
      %max3A_89 = arith.maxsi %sub3A_87, %max3A_88 : i32
      %add3A_90 = arith.addi %mul3A_86, %max3A_89 : i32
      %shift_left3A = arith.constant 22 : i32
      %shift_left3A_91 = arith.shli %add3A_90, %shift_left3A : i32
      %broadcast_in_dim3A_92 = arith.constant 0 : i32
      %broadcast_in_dim3A_93 = vector.broadcast %broadcast_in_dim3A_92 : i32 to vector<16xi32>
      %add3A_94 = vector.broadcast %shift_left3A_91 : i32 to vector<16xi32>
      %add3A_95 = arith.addi %broadcast_in_dim3A_93, %add3A_94 : vector<16xi32>
      %broadcast_in_dim3A_96 = arith.constant 4095 : i32
      %broadcast_in_dim3A_97 = vector.broadcast %broadcast_in_dim3A_96 : i32 to vector<16xi32>
      %scan3A_98 = arith.constant 0 : i32
      %scan3A_99 = arith.constant 1536 : i32
      %scan3A_100 = arith.addi %scan3A_98, %scan3A_99 : i32
      %scan3A_101 = arith.constant 8 : i32
      %scan3A_102 = scf.for %scan3A_471 = %scan3A_98 to %scan3A_100 step %scan3A_101 iter_args(%scan3A_472 = %broadcast_in_dim3A_3) -> (vector<16xi32>)  : i32 {
        %mul3A_473 = arith.constant 16 : i32
        %mul3A_474 = arith.muli %scan3A_471, %mul3A_473 : i32
        %get3A_475 = arith.index_cast %rem3A_27 : i32 to index
        %get3A_476 = arith.index_cast %mul3A_474 : i32 to index
        %get3A_477 = tpu.vector_load %arg6[%get3A_475, %get3A_476] {strides = array<i32>} : memref<2x24576xf32, #tpu.memory_space<vmem>>, vector<16xf32>,
        %bitcast3A_478 = vector.bitcast %get3A_477 : vector<16xf32> to vector<16xi32>
        %ge3A_479 = arith.cmpi sge, %bitcast3A_478, %add3A_95 : vector<16xi32>
        %gt3A = arith.constant 0 : i32
        %gt3A_480 = vector.broadcast %gt3A : i32 to vector<16xi32>
        %gt3A_481 = arith.cmpi sgt, %bitcast3A_478, %gt3A_480 : vector<16xi32>
        %and3A_482 = arith.andi %ge3A_479, %gt3A_481 : vector<16xi1>
        %convert_element_type3A_483 = arith.extui %and3A_482 : vector<16xi1> to vector<16xi32>
        %broadcast_in_dim3A_484 = arith.constant true
        %broadcast_in_dim3A_485 = vector.broadcast %broadcast_in_dim3A_484 : i1 to vector<16xi1>
        %masked_cumsum3A = tpu.scan <sum>, %convert_element_type3A_483 masked %broadcast_in_dim3A_485 : vector<16xi32>, vector<16xi1> -> vector<16xi32>
        %add3A_486 = arith.addi %scan3A_472, %masked_cumsum3A : vector<16xi32>
        %sub3A_487 = arith.constant 1 : i32
        %sub3A_488 = vector.broadcast %sub3A_487 : i32 to vector<16xi32>
        %sub3A_489 = arith.subi %add3A_486, %sub3A_488 : vector<16xi32>
        %le3A = arith.cmpi sle, %sub3A_489, %broadcast_in_dim3A_97 : vector<16xi32>
        %and3A_490 = arith.andi %and3A_482, %le3A : vector<16xi1>
        tpu.vector_store_idx %arg8[%sub3A_489], %bitcast3A_478 masked %and3A_490 : memref<4096xi32, #tpu.memory_space<vmem>>[vector<16xi32>], vector<16xi32>, vector<16xi1>
        %mul3A_491 = arith.constant 16 : i32
        %mul3A_492 = arith.muli %scan3A_471, %mul3A_491 : i32
        %add3A_493 = vector.broadcast %mul3A_492 : i32 to vector<16xi32>
        %add3A_494 = arith.addi %iota3A, %add3A_493 : vector<16xi32>
        tpu.vector_store_idx %arg9[%sub3A_489], %add3A_494 masked %and3A_490 : memref<4096xi32, #tpu.memory_space<vmem>>[vector<16xi32>], vector<16xi32>, vector<16xi1>
        %all_reduce_population_count3A_495 = tpu.all_reduce %and3A_482 {dim = 0 : i64, kind = #tpu.reduction_kind<sum>} : vector<16xi1> -> vector<16xi32>
        %add3A_496 = arith.addi %scan3A_472, %all_reduce_population_count3A_495 : vector<16xi32>
        %scan3A_497 = arith.constant 1 : i32
        %scan3A_498 = arith.addi %scan3A_471, %scan3A_497 : i32
        %mul3A_499 = arith.constant 16 : i32
        %mul3A_500 = arith.muli %scan3A_498, %mul3A_499 : i32
        %get3A_501 = arith.index_cast %rem3A_27 : i32 to index
        %get3A_502 = arith.index_cast %mul3A_500 : i32 to index
        %get3A_503 = tpu.vector_load %arg6[%get3A_501, %get3A_502] {strides = array<i32>} : memref<2x24576xf32, #tpu.memory_space<vmem>>, vector<16xf32>,
        %bitcast3A_504 = vector.bitcast %get3A_503 : vector<16xf32> to vector<16xi32>
        %ge3A_505 = arith.cmpi sge, %bitcast3A_504, %add3A_95 : vector<16xi32>
        %gt3A_506 = arith.constant 0 : i32
        %gt3A_507 = vector.broadcast %gt3A_506 : i32 to vector<16xi32>
        %gt3A_508 = arith.cmpi sgt, %bitcast3A_504, %gt3A_507 : vector<16xi32>
        %and3A_509 = arith.andi %ge3A_505, %gt3A_508 : vector<16xi1>
        %convert_element_type3A_510 = arith.extui %and3A_509 : vector<16xi1> to vector<16xi32>
        %broadcast_in_dim3A_511 = arith.constant true
        %broadcast_in_dim3A_512 = vector.broadcast %broadcast_in_dim3A_511 : i1 to vector<16xi1>
        %masked_cumsum3A_513 = tpu.scan <sum>, %convert_element_type3A_510 masked %broadcast_in_dim3A_512 : vector<16xi32>, vector<16xi1> -> vector<16xi32>
        %add3A_514 = arith.addi %add3A_496, %masked_cumsum3A_513 : vector<16xi32>
        %sub3A_515 = arith.constant 1 : i32
        %sub3A_516 = vector.broadcast %sub3A_515 : i32 to vector<16xi32>
        %sub3A_517 = arith.subi %add3A_514, %sub3A_516 : vector<16xi32>
        %le3A_518 = arith.cmpi sle, %sub3A_517, %broadcast_in_dim3A_97 : vector<16xi32>
        %and3A_519 = arith.andi %and3A_509, %le3A_518 : vector<16xi1>
        tpu.vector_store_idx %arg8[%sub3A_517], %bitcast3A_504 masked %and3A_519 : memref<4096xi32, #tpu.memory_space<vmem>>[vector<16xi32>], vector<16xi32>, vector<16xi1>
        %mul3A_520 = arith.constant 16 : i32
        %mul3A_521 = arith.muli %scan3A_498, %mul3A_520 : i32
        %add3A_522 = vector.broadcast %mul3A_521 : i32 to vector<16xi32>
        %add3A_523 = arith.addi %iota3A, %add3A_522 : vector<16xi32>
        tpu.vector_store_idx %arg9[%sub3A_517], %add3A_523 masked %and3A_519 : memref<4096xi32, #tpu.memory_space<vmem>>[vector<16xi32>], vector<16xi32>, vector<16xi1>
        %all_reduce_population_count3A_524 = tpu.all_reduce %and3A_509 {dim = 0 : i64, kind = #tpu.reduction_kind<sum>} : vector<16xi1> -> vector<16xi32>
        %add3A_525 = arith.addi %add3A_496, %all_reduce_population_count3A_524 : vector<16xi32>
        %scan3A_526 = arith.constant 2 : i32
        %scan3A_527 = arith.addi %scan3A_471, %scan3A_526 : i32
        %mul3A_528 = arith.constant 16 : i32
        %mul3A_529 = arith.muli %scan3A_527, %mul3A_528 : i32
        %get3A_530 = arith.index_cast %rem3A_27 : i32 to index
        %get3A_531 = arith.index_cast %mul3A_529 : i32 to index
        %get3A_532 = tpu.vector_load %arg6[%get3A_530, %get3A_531] {strides = array<i32>} : memref<2x24576xf32, #tpu.memory_space<vmem>>, vector<16xf32>,
        %bitcast3A_533 = vector.bitcast %get3A_532 : vector<16xf32> to vector<16xi32>
        %ge3A_534 = arith.cmpi sge, %bitcast3A_533, %add3A_95 : vector<16xi32>
        %gt3A_535 = arith.constant 0 : i32
        %gt3A_536 = vector.broadcast %gt3A_535 : i32 to vector<16xi32>
        %gt3A_537 = arith.cmpi sgt, %bitcast3A_533, %gt3A_536 : vector<16xi32>
        %and3A_538 = arith.andi %ge3A_534, %gt3A_537 : vector<16xi1>
        %convert_element_type3A_539 = arith.extui %and3A_538 : vector<16xi1> to vector<16xi32>
        %broadcast_in_dim3A_540 = arith.constant true
        %broadcast_in_dim3A_541 = vector.broadcast %broadcast_in_dim3A_540 : i1 to vector<16xi1>
        %masked_cumsum3A_542 = tpu.scan <sum>, %convert_element_type3A_539 masked %broadcast_in_dim3A_541 : vector<16xi32>, vector<16xi1> -> vector<16xi32>
        %add3A_543 = arith.addi %add3A_525, %masked_cumsum3A_542 : vector<16xi32>
        %sub3A_544 = arith.constant 1 : i32
        %sub3A_545 = vector.broadcast %sub3A_544 : i32 to vector<16xi32>
        %sub3A_546 = arith.subi %add3A_543, %sub3A_545 : vector<16xi32>
        %le3A_547 = arith.cmpi sle, %sub3A_546, %broadcast_in_dim3A_97 : vector<16xi32>
        %and3A_548 = arith.andi %and3A_538, %le3A_547 : vector<16xi1>
        tpu.vector_store_idx %arg8[%sub3A_546], %bitcast3A_533 masked %and3A_548 : memref<4096xi32, #tpu.memory_space<vmem>>[vector<16xi32>], vector<16xi32>, vector<16xi1>
        %mul3A_549 = arith.constant 16 : i32
        %mul3A_550 = arith.muli %scan3A_527, %mul3A_549 : i32
        %add3A_551 = vector.broadcast %mul3A_550 : i32 to vector<16xi32>
        %add3A_552 = arith.addi %iota3A, %add3A_551 : vector<16xi32>
        tpu.vector_store_idx %arg9[%sub3A_546], %add3A_552 masked %and3A_548 : memref<4096xi32, #tpu.memory_space<vmem>>[vector<16xi32>], vector<16xi32>, vector<16xi1>
        %all_reduce_population_count3A_553 = tpu.all_reduce %and3A_538 {dim = 0 : i64, kind = #tpu.reduction_kind<sum>} : vector<16xi1> -> vector<16xi32>
        %add3A_554 = arith.addi %add3A_525, %all_reduce_population_count3A_553 : vector<16xi32>
        %scan3A_555 = arith.constant 3 : i32
        %scan3A_556 = arith.addi %scan3A_471, %scan3A_555 : i32
        %mul3A_557 = arith.constant 16 : i32
        %mul3A_558 = arith.muli %scan3A_556, %mul3A_557 : i32
        %get3A_559 = arith.index_cast %rem3A_27 : i32 to index
        %get3A_560 = arith.index_cast %mul3A_558 : i32 to index
        %get3A_561 = tpu.vector_load %arg6[%get3A_559, %get3A_560] {strides = array<i32>} : memref<2x24576xf32, #tpu.memory_space<vmem>>, vector<16xf32>,
        %bitcast3A_562 = vector.bitcast %get3A_561 : vector<16xf32> to vector<16xi32>
        %ge3A_563 = arith.cmpi sge, %bitcast3A_562, %add3A_95 : vector<16xi32>
        %gt3A_564 = arith.constant 0 : i32
        %gt3A_565 = vector.broadcast %gt3A_564 : i32 to vector<16xi32>
        %gt3A_566 = arith.cmpi sgt, %bitcast3A_562, %gt3A_565 : vector<16xi32>
        %and3A_567 = arith.andi %ge3A_563, %gt3A_566 : vector<16xi1>
        %convert_element_type3A_568 = arith.extui %and3A_567 : vector<16xi1> to vector<16xi32>
        %broadcast_in_dim3A_569 = arith.constant true
        %broadcast_in_dim3A_570 = vector.broadcast %broadcast_in_dim3A_569 : i1 to vector<16xi1>
        %masked_cumsum3A_571 = tpu.scan <sum>, %convert_element_type3A_568 masked %broadcast_in_dim3A_570 : vector<16xi32>, vector<16xi1> -> vector<16xi32>
        %add3A_572 = arith.addi %add3A_554, %masked_cumsum3A_571 : vector<16xi32>
        %sub3A_573 = arith.constant 1 : i32
        %sub3A_574 = vector.broadcast %sub3A_573 : i32 to vector<16xi32>
        %sub3A_575 = arith.subi %add3A_572, %sub3A_574 : vector<16xi32>
        %le3A_576 = arith.cmpi sle, %sub3A_575, %broadcast_in_dim3A_97 : vector<16xi32>
        %and3A_577 = arith.andi %and3A_567, %le3A_576 : vector<16xi1>
        tpu.vector_store_idx %arg8[%sub3A_575], %bitcast3A_562 masked %and3A_577 : memref<4096xi32, #tpu.memory_space<vmem>>[vector<16xi32>], vector<16xi32>, vector<16xi1>
        %mul3A_578 = arith.constant 16 : i32
        %mul3A_579 = arith.muli %scan3A_556, %mul3A_578 : i32
        %add3A_580 = vector.broadcast %mul3A_579 : i32 to vector<16xi32>
        %add3A_581 = arith.addi %iota3A, %add3A_580 : vector<16xi32>
        tpu.vector_store_idx %arg9[%sub3A_575], %add3A_581 masked %and3A_577 : memref<4096xi32, #tpu.memory_space<vmem>>[vector<16xi32>], vector<16xi32>, vector<16xi1>
        %all_reduce_population_count3A_582 = tpu.all_reduce %and3A_567 {dim = 0 : i64, kind = #tpu.reduction_kind<sum>} : vector<16xi1> -> vector<16xi32>
        %add3A_583 = arith.addi %add3A_554, %all_reduce_population_count3A_582 : vector<16xi32>
        %scan3A_584 = arith.constant 4 : i32
        %scan3A_585 = arith.addi %scan3A_471, %scan3A_584 : i32
        %mul3A_586 = arith.constant 16 : i32
        %mul3A_587 = arith.muli %scan3A_585, %mul3A_586 : i32
        %get3A_588 = arith.index_cast %rem3A_27 : i32 to index
        %get3A_589 = arith.index_cast %mul3A_587 : i32 to index
        %get3A_590 = tpu.vector_load %arg6[%get3A_588, %get3A_589] {strides = array<i32>} : memref<2x24576xf32, #tpu.memory_space<vmem>>, vector<16xf32>,
        %bitcast3A_591 = vector.bitcast %get3A_590 : vector<16xf32> to vector<16xi32>
        %ge3A_592 = arith.cmpi sge, %bitcast3A_591, %add3A_95 : vector<16xi32>
        %gt3A_593 = arith.constant 0 : i32
        %gt3A_594 = vector.broadcast %gt3A_593 : i32 to vector<16xi32>
        %gt3A_595 = arith.cmpi sgt, %bitcast3A_591, %gt3A_594 : vector<16xi32>
        %and3A_596 = arith.andi %ge3A_592, %gt3A_595 : vector<16xi1>
        %convert_element_type3A_597 = arith.extui %and3A_596 : vector<16xi1> to vector<16xi32>
        %broadcast_in_dim3A_598 = arith.constant true
        %broadcast_in_dim3A_599 = vector.broadcast %broadcast_in_dim3A_598 : i1 to vector<16xi1>
        %masked_cumsum3A_600 = tpu.scan <sum>, %convert_element_type3A_597 masked %broadcast_in_dim3A_599 : vector<16xi32>, vector<16xi1> -> vector<16xi32>
        %add3A_601 = arith.addi %add3A_583, %masked_cumsum3A_600 : vector<16xi32>
        %sub3A_602 = arith.constant 1 : i32
        %sub3A_603 = vector.broadcast %sub3A_602 : i32 to vector<16xi32>
        %sub3A_604 = arith.subi %add3A_601, %sub3A_603 : vector<16xi32>
        %le3A_605 = arith.cmpi sle, %sub3A_604, %broadcast_in_dim3A_97 : vector<16xi32>
        %and3A_606 = arith.andi %and3A_596, %le3A_605 : vector<16xi1>
        tpu.vector_store_idx %arg8[%sub3A_604], %bitcast3A_591 masked %and3A_606 : memref<4096xi32, #tpu.memory_space<vmem>>[vector<16xi32>], vector<16xi32>, vector<16xi1>
        %mul3A_607 = arith.constant 16 : i32
        %mul3A_608 = arith.muli %scan3A_585, %mul3A_607 : i32
        %add3A_609 = vector.broadcast %mul3A_608 : i32 to vector<16xi32>
        %add3A_610 = arith.addi %iota3A, %add3A_609 : vector<16xi32>
        tpu.vector_store_idx %arg9[%sub3A_604], %add3A_610 masked %and3A_606 : memref<4096xi32, #tpu.memory_space<vmem>>[vector<16xi32>], vector<16xi32>, vector<16xi1>
        %all_reduce_population_count3A_611 = tpu.all_reduce %and3A_596 {dim = 0 : i64, kind = #tpu.reduction_kind<sum>} : vector<16xi1> -> vector<16xi32>
        %add3A_612 = arith.addi %add3A_583, %all_reduce_population_count3A_611 : vector<16xi32>
        %scan3A_613 = arith.constant 5 : i32
        %scan3A_614 = arith.addi %scan3A_471, %scan3A_613 : i32
        %mul3A_615 = arith.constant 16 : i32
        %mul3A_616 = arith.muli %scan3A_614, %mul3A_615 : i32
        %get3A_617 = arith.index_cast %rem3A_27 : i32 to index
        %get3A_618 = arith.index_cast %mul3A_616 : i32 to index
        %get3A_619 = tpu.vector_load %arg6[%get3A_617, %get3A_618] {strides = array<i32>} : memref<2x24576xf32, #tpu.memory_space<vmem>>, vector<16xf32>,
        %bitcast3A_620 = vector.bitcast %get3A_619 : vector<16xf32> to vector<16xi32>
        %ge3A_621 = arith.cmpi sge, %bitcast3A_620, %add3A_95 : vector<16xi32>
        %gt3A_622 = arith.constant 0 : i32
        %gt3A_623 = vector.broadcast %gt3A_622 : i32 to vector<16xi32>
        %gt3A_624 = arith.cmpi sgt, %bitcast3A_620, %gt3A_623 : vector<16xi32>
        %and3A_625 = arith.andi %ge3A_621, %gt3A_624 : vector<16xi1>
        %convert_element_type3A_626 = arith.extui %and3A_625 : vector<16xi1> to vector<16xi32>
        %broadcast_in_dim3A_627 = arith.constant true
        %broadcast_in_dim3A_628 = vector.broadcast %broadcast_in_dim3A_627 : i1 to vector<16xi1>
        %masked_cumsum3A_629 = tpu.scan <sum>, %convert_element_type3A_626 masked %broadcast_in_dim3A_628 : vector<16xi32>, vector<16xi1> -> vector<16xi32>
        %add3A_630 = arith.addi %add3A_612, %masked_cumsum3A_629 : vector<16xi32>
        %sub3A_631 = arith.constant 1 : i32
        %sub3A_632 = vector.broadcast %sub3A_631 : i32 to vector<16xi32>
        %sub3A_633 = arith.subi %add3A_630, %sub3A_632 : vector<16xi32>
        %le3A_634 = arith.cmpi sle, %sub3A_633, %broadcast_in_dim3A_97 : vector<16xi32>
        %and3A_635 = arith.andi %and3A_625, %le3A_634 : vector<16xi1>
        tpu.vector_store_idx %arg8[%sub3A_633], %bitcast3A_620 masked %and3A_635 : memref<4096xi32, #tpu.memory_space<vmem>>[vector<16xi32>], vector<16xi32>, vector<16xi1>
        %mul3A_636 = arith.constant 16 : i32
        %mul3A_637 = arith.muli %scan3A_614, %mul3A_636 : i32
        %add3A_638 = vector.broadcast %mul3A_637 : i32 to vector<16xi32>
        %add3A_639 = arith.addi %iota3A, %add3A_638 : vector<16xi32>
        tpu.vector_store_idx %arg9[%sub3A_633], %add3A_639 masked %and3A_635 : memref<4096xi32, #tpu.memory_space<vmem>>[vector<16xi32>], vector<16xi32>, vector<16xi1>
        %all_reduce_population_count3A_640 = tpu.all_reduce %and3A_625 {dim = 0 : i64, kind = #tpu.reduction_kind<sum>} : vector<16xi1> -> vector<16xi32>
        %add3A_641 = arith.addi %add3A_612, %all_reduce_population_count3A_640 : vector<16xi32>
        %scan3A_642 = arith.constant 6 : i32
        %scan3A_643 = arith.addi %scan3A_471, %scan3A_642 : i32
        %mul3A_644 = arith.constant 16 : i32
        %mul3A_645 = arith.muli %scan3A_643, %mul3A_644 : i32
        %get3A_646 = arith.index_cast %rem3A_27 : i32 to index
        %get3A_647 = arith.index_cast %mul3A_645 : i32 to index
        %get3A_648 = tpu.vector_load %arg6[%get3A_646, %get3A_647] {strides = array<i32>} : memref<2x24576xf32, #tpu.memory_space<vmem>>, vector<16xf32>,
        %bitcast3A_649 = vector.bitcast %get3A_648 : vector<16xf32> to vector<16xi32>
        %ge3A_650 = arith.cmpi sge, %bitcast3A_649, %add3A_95 : vector<16xi32>
        %gt3A_651 = arith.constant 0 : i32
        %gt3A_652 = vector.broadcast %gt3A_651 : i32 to vector<16xi32>
        %gt3A_653 = arith.cmpi sgt, %bitcast3A_649, %gt3A_652 : vector<16xi32>
        %and3A_654 = arith.andi %ge3A_650, %gt3A_653 : vector<16xi1>
        %convert_element_type3A_655 = arith.extui %and3A_654 : vector<16xi1> to vector<16xi32>
        %broadcast_in_dim3A_656 = arith.constant true
        %broadcast_in_dim3A_657 = vector.broadcast %broadcast_in_dim3A_656 : i1 to vector<16xi1>
        %masked_cumsum3A_658 = tpu.scan <sum>, %convert_element_type3A_655 masked %broadcast_in_dim3A_657 : vector<16xi32>, vector<16xi1> -> vector<16xi32>
        %add3A_659 = arith.addi %add3A_641, %masked_cumsum3A_658 : vector<16xi32>
        %sub3A_660 = arith.constant 1 : i32
        %sub3A_661 = vector.broadcast %sub3A_660 : i32 to vector<16xi32>
        %sub3A_662 = arith.subi %add3A_659, %sub3A_661 : vector<16xi32>
        %le3A_663 = arith.cmpi sle, %sub3A_662, %broadcast_in_dim3A_97 : vector<16xi32>
        %and3A_664 = arith.andi %and3A_654, %le3A_663 : vector<16xi1>
        tpu.vector_store_idx %arg8[%sub3A_662], %bitcast3A_649 masked %and3A_664 : memref<4096xi32, #tpu.memory_space<vmem>>[vector<16xi32>], vector<16xi32>, vector<16xi1>
        %mul3A_665 = arith.constant 16 : i32
        %mul3A_666 = arith.muli %scan3A_643, %mul3A_665 : i32
        %add3A_667 = vector.broadcast %mul3A_666 : i32 to vector<16xi32>
        %add3A_668 = arith.addi %iota3A, %add3A_667 : vector<16xi32>
        tpu.vector_store_idx %arg9[%sub3A_662], %add3A_668 masked %and3A_664 : memref<4096xi32, #tpu.memory_space<vmem>>[vector<16xi32>], vector<16xi32>, vector<16xi1>
        %all_reduce_population_count3A_669 = tpu.all_reduce %and3A_654 {dim = 0 : i64, kind = #tpu.reduction_kind<sum>} : vector<16xi1> -> vector<16xi32>
        %add3A_670 = arith.addi %add3A_641, %all_reduce_population_count3A_669 : vector<16xi32>
        %scan3A_671 = arith.constant 7 : i32
        %scan3A_672 = arith.addi %scan3A_471, %scan3A_671 : i32
        %mul3A_673 = arith.constant 16 : i32
        %mul3A_674 = arith.muli %scan3A_672, %mul3A_673 : i32
        %get3A_675 = arith.index_cast %rem3A_27 : i32 to index
        %get3A_676 = arith.index_cast %mul3A_674 : i32 to index
        %get3A_677 = tpu.vector_load %arg6[%get3A_675, %get3A_676] {strides = array<i32>} : memref<2x24576xf32, #tpu.memory_space<vmem>>, vector<16xf32>,
        %bitcast3A_678 = vector.bitcast %get3A_677 : vector<16xf32> to vector<16xi32>
        %ge3A_679 = arith.cmpi sge, %bitcast3A_678, %add3A_95 : vector<16xi32>
        %gt3A_680 = arith.constant 0 : i32
        %gt3A_681 = vector.broadcast %gt3A_680 : i32 to vector<16xi32>
        %gt3A_682 = arith.cmpi sgt, %bitcast3A_678, %gt3A_681 : vector<16xi32>
        %and3A_683 = arith.andi %ge3A_679, %gt3A_682 : vector<16xi1>
        %convert_element_type3A_684 = arith.extui %and3A_683 : vector<16xi1> to vector<16xi32>
        %broadcast_in_dim3A_685 = arith.constant true
        %broadcast_in_dim3A_686 = vector.broadcast %broadcast_in_dim3A_685 : i1 to vector<16xi1>
        %masked_cumsum3A_687 = tpu.scan <sum>, %convert_element_type3A_684 masked %broadcast_in_dim3A_686 : vector<16xi32>, vector<16xi1> -> vector<16xi32>
        %add3A_688 = arith.addi %add3A_670, %masked_cumsum3A_687 : vector<16xi32>
        %sub3A_689 = arith.constant 1 : i32
        %sub3A_690 = vector.broadcast %sub3A_689 : i32 to vector<16xi32>
        %sub3A_691 = arith.subi %add3A_688, %sub3A_690 : vector<16xi32>
        %le3A_692 = arith.cmpi sle, %sub3A_691, %broadcast_in_dim3A_97 : vector<16xi32>
        %and3A_693 = arith.andi %and3A_683, %le3A_692 : vector<16xi1>
        tpu.vector_store_idx %arg8[%sub3A_691], %bitcast3A_678 masked %and3A_693 : memref<4096xi32, #tpu.memory_space<vmem>>[vector<16xi32>], vector<16xi32>, vector<16xi1>
        %mul3A_694 = arith.constant 16 : i32
        %mul3A_695 = arith.muli %scan3A_672, %mul3A_694 : i32
        %add3A_696 = vector.broadcast %mul3A_695 : i32 to vector<16xi32>
        %add3A_697 = arith.addi %iota3A, %add3A_696 : vector<16xi32>
        tpu.vector_store_idx %arg9[%sub3A_691], %add3A_697 masked %and3A_693 : memref<4096xi32, #tpu.memory_space<vmem>>[vector<16xi32>], vector<16xi32>, vector<16xi1>
        %all_reduce_population_count3A_698 = tpu.all_reduce %and3A_683 {dim = 0 : i64, kind = #tpu.reduction_kind<sum>} : vector<16xi1> -> vector<16xi32>
        %add3A_699 = arith.addi %add3A_670, %all_reduce_population_count3A_698 : vector<16xi32>
        scf.yield %add3A_699 : vector<16xi32>
      }
      %scan3A_103 = arith.constant 1536 : i32
      %slice3A_104 = vector.extract_strided_slice %scan3A_102 {offsets = [0], sizes = [1], strides = [1]} : vector<16xi32> to vector<1xi32>
      %squeeze3A_105 = vector.extract %slice3A_104[0] : i32 from vector<1xi32>
      %min3A = arith.constant 4080 : i32
      %min3A_106 = arith.minsi %squeeze3A_105, %min3A : i32
      %swap3A = arith.index_cast %min3A_106 : i32 to index
      %swap3A_107 = tpu.vector_load %arg8[%swap3A] {strides = array<i32>} : memref<4096xi32, #tpu.memory_space<vmem>>, vector<16xi32>,
      tpu.vector_store %arg8[%swap3A], %broadcast_in_dim3A_3 {strides = array<i32>} : memref<4096xi32, #tpu.memory_space<vmem>>, vector<16xi32>,
      %add3A_108 = arith.constant 16 : i32
      %add3A_109 = arith.addi %min3A_106, %add3A_108 : i32
      %sub3A_110 = arith.constant 1 : i32
      %sub3A_111 = arith.subi %add3A_109, %sub3A_110 : i32
      %jit3A = arith.constant 16 : i32
      %div3A = arith.divsi %sub3A_111, %jit3A : i32
      %sign3A = arith.constant 0 : i32
      %sign3A_112 = arith.cmpi sgt, %sub3A_111, %sign3A : i32
      %sign3A_113 = arith.extui %sign3A_112 : i1 to i32
      %sign3A_114 = arith.constant 0 : i32
      %sign3A_115 = arith.cmpi slt, %sub3A_111, %sign3A_114 : i32
      %sign3A_116 = arith.extui %sign3A_115 : i1 to i32
      %sign3A_117 = arith.subi %sign3A_113, %sign3A_116 : i32
      %sign3A_118 = arith.constant 0 : i32
      %sign3A_119 = arith.cmpi sgt, %jit3A, %sign3A_118 : i32
      %sign3A_120 = arith.extui %sign3A_119 : i1 to i32
      %sign3A_121 = arith.constant 0 : i32
      %sign3A_122 = arith.cmpi slt, %jit3A, %sign3A_121 : i32
      %sign3A_123 = arith.extui %sign3A_122 : i1 to i32
      %sign3A_124 = arith.subi %sign3A_120, %sign3A_123 : i32
      %ne3A = arith.cmpi ne, %sign3A_117, %sign3A_124 : i32
      %rem3A_125 = arith.remsi %sub3A_111, %jit3A : i32
      %ne3A_126 = arith.constant 0 : i32
      %ne3A_127 = arith.cmpi ne, %rem3A_125, %ne3A_126 : i32
      %and3A = arith.andi %ne3A, %ne3A_127 : i1
      %sub3A_128 = arith.constant 1 : i32
      %sub3A_129 = arith.subi %div3A, %sub3A_128 : i32
      %select_n3A = arith.select %and3A, %sub3A_129, %div3A : i32
      %scan3A_130 = arith.constant -1 : i32
      %scan3A_131 = arith.constant 4194304 : i32
      %scan3A_132 = arith.constant 0 : i32
      %scan3A_133 = arith.constant 23 : i32
      %scan3A_134 = arith.addi %scan3A_132, %scan3A_133 : i32
      %scan3A_135 = arith.constant 1 : i32
      %scan3A_136:2 = scf.for %scan3A_471 = %scan3A_132 to %scan3A_134 step %scan3A_135 iter_args(%scan3A_472 = %scan3A_130, %scan3A_473 = %scan3A_131) -> (i32, i32)  : i32 {
        %add3A_474 = arith.addi %scan3A_472, %scan3A_473 : i32
        %jit3A_475 = arith.constant 2 : i32
        %div3A_476 = arith.divsi %add3A_474, %jit3A_475 : i32
        %sign3A_477 = arith.constant 0 : i32
        %sign3A_478 = arith.cmpi sgt, %add3A_474, %sign3A_477 : i32
        %sign3A_479 = arith.extui %sign3A_478 : i1 to i32
        %sign3A_480 = arith.constant 0 : i32
        %sign3A_481 = arith.cmpi slt, %add3A_474, %sign3A_480 : i32
        %sign3A_482 = arith.extui %sign3A_481 : i1 to i32
        %sign3A_483 = arith.subi %sign3A_479, %sign3A_482 : i32
        %sign3A_484 = arith.constant 0 : i32
        %sign3A_485 = arith.cmpi sgt, %jit3A_475, %sign3A_484 : i32
        %sign3A_486 = arith.extui %sign3A_485 : i1 to i32
        %sign3A_487 = arith.constant 0 : i32
        %sign3A_488 = arith.cmpi slt, %jit3A_475, %sign3A_487 : i32
        %sign3A_489 = arith.extui %sign3A_488 : i1 to i32
        %sign3A_490 = arith.subi %sign3A_486, %sign3A_489 : i32
        %ne3A_491 = arith.cmpi ne, %sign3A_483, %sign3A_490 : i32
        %rem3A_492 = arith.remsi %add3A_474, %jit3A_475 : i32
        %ne3A_493 = arith.constant 0 : i32
        %ne3A_494 = arith.cmpi ne, %rem3A_492, %ne3A_493 : i32
        %and3A_495 = arith.andi %ne3A_491, %ne3A_494 : i1
        %sub3A_496 = arith.constant 1 : i32
        %sub3A_497 = arith.subi %div3A_476, %sub3A_496 : i32
        %select_n3A_498 = arith.select %and3A_495, %sub3A_497, %div3A_476 : i32
        %add3A_499 = arith.addi %shift_left3A_91, %select_n3A_498 : i32
        %broadcast_in_dim3A_500 = arith.constant 0 : i32
        %broadcast_in_dim3A_501 = vector.broadcast %broadcast_in_dim3A_500 : i32 to vector<16xi32>
        %add3A_502 = vector.broadcast %add3A_499 : i32 to vector<16xi32>
        %add3A_503 = arith.addi %broadcast_in_dim3A_501, %add3A_502 : vector<16xi32>
        %while3A_504 = arith.constant 0 : i32
        %while3A_505 = arith.subi %select_n3A, %while3A_504 : i32
        %while3A_506 = arith.addi %while3A_504, %while3A_505 : i32
        %while3A_507 = arith.constant 1 : i32
        %while3A_508 = arith.divsi %while3A_505, %while3A_507 : i32
        %while3A_509 = arith.muli %while3A_508, %while3A_507 : i32
        %while3A_510 = arith.addi %while3A_504, %while3A_509 : i32
        %while3A_511 = arith.constant 1 : i32
        %while3A_512 = scf.for %while3A_520 = %while3A_504 to %while3A_510 step %while3A_511 iter_args(%while3A_521 = %broadcast_in_dim3A_3) -> (vector<16xi32>)  : i32 {
          %mul3A_522 = arith.constant 16 : i32
          %mul3A_523 = arith.muli %while3A_520, %mul3A_522 : i32
          %get3A_524 = arith.index_cast %mul3A_523 : i32 to index
          %get3A_525 = tpu.vector_load %arg8[%get3A_524] {strides = array<i32>} : memref<4096xi32, #tpu.memory_space<vmem>>, vector<16xi32>,
          %ge3A_526 = arith.cmpi sge, %get3A_525, %add3A_503 : vector<16xi32>
          %all_reduce_population_count3A_527 = tpu.all_reduce %ge3A_526 {dim = 0 : i64, kind = #tpu.reduction_kind<sum>} : vector<16xi1> -> vector<16xi32>
          %add3A_528 = arith.addi %while3A_521, %all_reduce_population_count3A_527 : vector<16xi32>
          scf.yield %add3A_528 : vector<16xi32>
        }
        %while3A_513 = arith.constant 1 : i32
        %while3A_514 = scf.for %while3A_520 = %while3A_510 to %while3A_506 step %while3A_513 iter_args(%while3A_521 = %while3A_512) -> (vector<16xi32>)  : i32 {
          %mul3A_522 = arith.constant 16 : i32
          %mul3A_523 = arith.muli %while3A_520, %mul3A_522 : i32
          %get3A_524 = arith.index_cast %mul3A_523 : i32 to index
          %get3A_525 = tpu.vector_load %arg8[%get3A_524] {strides = array<i32>} : memref<4096xi32, #tpu.memory_space<vmem>>, vector<16xi32>,
          %ge3A_526 = arith.cmpi sge, %get3A_525, %add3A_503 : vector<16xi32>
          %all_reduce_population_count3A_527 = tpu.all_reduce %ge3A_526 {dim = 0 : i64, kind = #tpu.reduction_kind<sum>} : vector<16xi1> -> vector<16xi32>
          %add3A_528 = arith.addi %while3A_521, %all_reduce_population_count3A_527 : vector<16xi32>
          scf.yield %add3A_528 : vector<16xi32>
        }
        %slice3A_515 = vector.extract_strided_slice %while3A_514 {offsets = [0], sizes = [1], strides = [1]} : vector<16xi32> to vector<1xi32>
        %squeeze3A_516 = vector.extract %slice3A_515[0] : i32 from vector<1xi32>
        %le3A = arith.constant 64 : i32
        %le3A_517 = arith.cmpi sle, %squeeze3A_516, %le3A : i32
        %select_n3A_518 = arith.select %le3A_517, %scan3A_472, %select_n3A_498 : i32
        %select_n3A_519 = arith.select %le3A_517, %select_n3A_498, %scan3A_473 : i32
        scf.yield %select_n3A_518, %select_n3A_519 : i32, i32
      }
      %scan3A_137 = arith.constant 23 : i32
      %lt3A_138 = arith.constant 0 : i32
      %lt3A_139 = arith.cmpi slt, %scan3A_64#1, %lt3A_138 : i32
      %add3A_140 = arith.addi %shift_left3A_91, %scan3A_136#1 : i32
      %jit3A_141 = arith.constant 1 : i32
      %select_n3A_142 = arith.select %lt3A_139, %jit3A_141, %add3A_140 : i32
      %scan3A_143 = arith.constant 0 : i32
      %scan3A_144 = arith.constant 0 : i32
      %mul3A_145 = arith.constant 16 : i32
      %mul3A_146 = arith.muli %scan3A_144, %mul3A_145 : i32
      %swap3A_147 = arith.index_cast %mul3A_146 : i32 to index
      %swap3A_148 = tpu.vector_load %arg10[%swap3A_147] {strides = array<i32>} : memref<80xi32, #tpu.memory_space<vmem>>, vector<16xi32>,
      tpu.vector_store %arg10[%swap3A_147], %broadcast_in_dim3A_3 {strides = array<i32>} : memref<80xi32, #tpu.memory_space<vmem>>, vector<16xi32>,
      %mul3A_149 = arith.constant 16 : i32
      %mul3A_150 = arith.muli %scan3A_144, %mul3A_149 : i32
      %swap3A_151 = arith.index_cast %mul3A_150 : i32 to index
      %swap3A_152 = tpu.vector_load %arg11[%swap3A_151] {strides = array<i32>} : memref<80xi32, #tpu.memory_space<vmem>>, vector<16xi32>,
      tpu.vector_store %arg11[%swap3A_151], %broadcast_in_dim3A_3 {strides = array<i32>} : memref<80xi32, #tpu.memory_space<vmem>>, vector<16xi32>,
      %scan3A_153 = arith.constant 0 : i32
      %scan3A_154 = arith.constant 1 : i32
      %mul3A_155 = arith.constant 16 : i32
      %mul3A_156 = arith.muli %scan3A_154, %mul3A_155 : i32
      %swap3A_157 = arith.index_cast %mul3A_156 : i32 to index
      %swap3A_158 = tpu.vector_load %arg10[%swap3A_157] {strides = array<i32>} : memref<80xi32, #tpu.memory_space<vmem>>, vector<16xi32>,
      tpu.vector_store %arg10[%swap3A_157], %broadcast_in_dim3A_3 {strides = array<i32>} : memref<80xi32, #tpu.memory_space<vmem>>, vector<16xi32>,
      %mul3A_159 = arith.constant 16 : i32
      %mul3A_160 = arith.muli %scan3A_154, %mul3A_159 : i32
      %swap3A_161 = arith.index_cast %mul3A_160 : i32 to index
      %swap3A_162 = tpu.vector_load %arg11[%swap3A_161] {strides = array<i32>} : memref<80xi32, #tpu.memory_space<vmem>>, vector<16xi32>,
      tpu.vector_store %arg11[%swap3A_161], %broadcast_in_dim3A_3 {strides = array<i32>} : memref<80xi32, #tpu.memory_space<vmem>>, vector<16xi32>,
      %scan3A_163 = arith.constant 0 : i32
      %scan3A_164 = arith.constant 2 : i32
      %mul3A_165 = arith.constant 16 : i32
      %mul3A_166 = arith.muli %scan3A_164, %mul3A_165 : i32
      %swap3A_167 = arith.index_cast %mul3A_166 : i32 to index
      %swap3A_168 = tpu.vector_load %arg10[%swap3A_167] {strides = array<i32>} : memref<80xi32, #tpu.memory_space<vmem>>, vector<16xi32>,
      tpu.vector_store %arg10[%swap3A_167], %broadcast_in_dim3A_3 {strides = array<i32>} : memref<80xi32, #tpu.memory_space<vmem>>, vector<16xi32>,
      %mul3A_169 = arith.constant 16 : i32
      %mul3A_170 = arith.muli %scan3A_164, %mul3A_169 : i32
      %swap3A_171 = arith.index_cast %mul3A_170 : i32 to index
      %swap3A_172 = tpu.vector_load %arg11[%swap3A_171] {strides = array<i32>} : memref<80xi32, #tpu.memory_space<vmem>>, vector<16xi32>,
      tpu.vector_store %arg11[%swap3A_171], %broadcast_in_dim3A_3 {strides = array<i32>} : memref<80xi32, #tpu.memory_space<vmem>>, vector<16xi32>,
      %scan3A_173 = arith.constant 0 : i32
      %scan3A_174 = arith.constant 3 : i32
      %mul3A_175 = arith.constant 16 : i32
      %mul3A_176 = arith.muli %scan3A_174, %mul3A_175 : i32
      %swap3A_177 = arith.index_cast %mul3A_176 : i32 to index
      %swap3A_178 = tpu.vector_load %arg10[%swap3A_177] {strides = array<i32>} : memref<80xi32, #tpu.memory_space<vmem>>, vector<16xi32>,
      tpu.vector_store %arg10[%swap3A_177], %broadcast_in_dim3A_3 {strides = array<i32>} : memref<80xi32, #tpu.memory_space<vmem>>, vector<16xi32>,
      %mul3A_179 = arith.constant 16 : i32
      %mul3A_180 = arith.muli %scan3A_174, %mul3A_179 : i32
      %swap3A_181 = arith.index_cast %mul3A_180 : i32 to index
      %swap3A_182 = tpu.vector_load %arg11[%swap3A_181] {strides = array<i32>} : memref<80xi32, #tpu.memory_space<vmem>>, vector<16xi32>,
      tpu.vector_store %arg11[%swap3A_181], %broadcast_in_dim3A_3 {strides = array<i32>} : memref<80xi32, #tpu.memory_space<vmem>>, vector<16xi32>,
      %scan3A_183 = arith.constant 0 : i32
      %scan3A_184 = arith.constant 4 : i32
      %mul3A_185 = arith.constant 16 : i32
      %mul3A_186 = arith.muli %scan3A_184, %mul3A_185 : i32
      %swap3A_187 = arith.index_cast %mul3A_186 : i32 to index
      %swap3A_188 = tpu.vector_load %arg10[%swap3A_187] {strides = array<i32>} : memref<80xi32, #tpu.memory_space<vmem>>, vector<16xi32>,
      tpu.vector_store %arg10[%swap3A_187], %broadcast_in_dim3A_3 {strides = array<i32>} : memref<80xi32, #tpu.memory_space<vmem>>, vector<16xi32>,
      %mul3A_189 = arith.constant 16 : i32
      %mul3A_190 = arith.muli %scan3A_184, %mul3A_189 : i32
      %swap3A_191 = arith.index_cast %mul3A_190 : i32 to index
      %swap3A_192 = tpu.vector_load %arg11[%swap3A_191] {strides = array<i32>} : memref<80xi32, #tpu.memory_space<vmem>>, vector<16xi32>,
      tpu.vector_store %arg11[%swap3A_191], %broadcast_in_dim3A_3 {strides = array<i32>} : memref<80xi32, #tpu.memory_space<vmem>>, vector<16xi32>,
      %scan3A_193 = arith.constant 0 : i32
      %scan3A_194 = arith.constant 5 : i32
      %broadcast_in_dim3A_195 = arith.constant 0 : i32
      %broadcast_in_dim3A_196 = vector.broadcast %broadcast_in_dim3A_195 : i32 to vector<16xi32>
      %add3A_197 = vector.broadcast %select_n3A_142 : i32 to vector<16xi32>
      %add3A_198 = arith.addi %broadcast_in_dim3A_196, %add3A_197 : vector<16xi32>
      %while3A = arith.constant 0 : i32
      %while3A_199 = arith.subi %select_n3A, %while3A : i32
      %while3A_200 = arith.addi %while3A, %while3A_199 : i32
      %while3A_201 = arith.constant 1 : i32
      %while3A_202 = arith.divsi %while3A_199, %while3A_201 : i32
      %while3A_203 = arith.muli %while3A_202, %while3A_201 : i32
      %while3A_204 = arith.addi %while3A, %while3A_203 : i32
      %while3A_205 = arith.constant 1 : i32
      %while3A_206 = scf.for %while3A_471 = %while3A to %while3A_204 step %while3A_205 iter_args(%while3A_472 = %broadcast_in_dim3A_3) -> (vector<16xi32>)  : i32 {
        %mul3A_473 = arith.constant 16 : i32
        %mul3A_474 = arith.muli %while3A_471, %mul3A_473 : i32
        %get3A_475 = arith.index_cast %mul3A_474 : i32 to index
        %get3A_476 = tpu.vector_load %arg8[%get3A_475] {strides = array<i32>} : memref<4096xi32, #tpu.memory_space<vmem>>, vector<16xi32>,
        %mul3A_477 = arith.constant 16 : i32
        %mul3A_478 = arith.muli %while3A_471, %mul3A_477 : i32
        %get3A_479 = arith.index_cast %mul3A_478 : i32 to index
        %get3A_480 = tpu.vector_load %arg9[%get3A_479] {strides = array<i32>} : memref<4096xi32, #tpu.memory_space<vmem>>, vector<16xi32>,
        %ge3A_481 = arith.cmpi sge, %get3A_476, %add3A_198 : vector<16xi32>
        %convert_element_type3A_482 = arith.extui %ge3A_481 : vector<16xi1> to vector<16xi32>
        %broadcast_in_dim3A_483 = arith.constant true
        %broadcast_in_dim3A_484 = vector.broadcast %broadcast_in_dim3A_483 : i1 to vector<16xi1>
        %masked_cumsum3A = tpu.scan <sum>, %convert_element_type3A_482 masked %broadcast_in_dim3A_484 : vector<16xi32>, vector<16xi1> -> vector<16xi32>
        %add3A_485 = arith.addi %while3A_472, %masked_cumsum3A : vector<16xi32>
        %sub3A_486 = arith.constant 1 : i32
        %sub3A_487 = vector.broadcast %sub3A_486 : i32 to vector<16xi32>
        %sub3A_488 = arith.subi %add3A_485, %sub3A_487 : vector<16xi32>
        tpu.vector_store_idx %arg10[%sub3A_488], %get3A_476 masked %ge3A_481 : memref<80xi32, #tpu.memory_space<vmem>>[vector<16xi32>], vector<16xi32>, vector<16xi1>
        tpu.vector_store_idx %arg11[%sub3A_488], %get3A_480 masked %ge3A_481 : memref<80xi32, #tpu.memory_space<vmem>>[vector<16xi32>], vector<16xi32>, vector<16xi1>
        %all_reduce_population_count3A_489 = tpu.all_reduce %ge3A_481 {dim = 0 : i64, kind = #tpu.reduction_kind<sum>} : vector<16xi1> -> vector<16xi32>
        %add3A_490 = arith.addi %while3A_472, %all_reduce_population_count3A_489 : vector<16xi32>
        scf.yield %add3A_490 : vector<16xi32>
      }
      %while3A_207 = arith.constant 1 : i32
      %while3A_208 = scf.for %while3A_471 = %while3A_204 to %while3A_200 step %while3A_207 iter_args(%while3A_472 = %while3A_206) -> (vector<16xi32>)  : i32 {
        %mul3A_473 = arith.constant 16 : i32
        %mul3A_474 = arith.muli %while3A_471, %mul3A_473 : i32
        %get3A_475 = arith.index_cast %mul3A_474 : i32 to index
        %get3A_476 = tpu.vector_load %arg8[%get3A_475] {strides = array<i32>} : memref<4096xi32, #tpu.memory_space<vmem>>, vector<16xi32>,
        %mul3A_477 = arith.constant 16 : i32
        %mul3A_478 = arith.muli %while3A_471, %mul3A_477 : i32
        %get3A_479 = arith.index_cast %mul3A_478 : i32 to index
        %get3A_480 = tpu.vector_load %arg9[%get3A_479] {strides = array<i32>} : memref<4096xi32, #tpu.memory_space<vmem>>, vector<16xi32>,
        %ge3A_481 = arith.cmpi sge, %get3A_476, %add3A_198 : vector<16xi32>
        %convert_element_type3A_482 = arith.extui %ge3A_481 : vector<16xi1> to vector<16xi32>
        %broadcast_in_dim3A_483 = arith.constant true
        %broadcast_in_dim3A_484 = vector.broadcast %broadcast_in_dim3A_483 : i1 to vector<16xi1>
        %masked_cumsum3A = tpu.scan <sum>, %convert_element_type3A_482 masked %broadcast_in_dim3A_484 : vector<16xi32>, vector<16xi1> -> vector<16xi32>
        %add3A_485 = arith.addi %while3A_472, %masked_cumsum3A : vector<16xi32>
        %sub3A_486 = arith.constant 1 : i32
        %sub3A_487 = vector.broadcast %sub3A_486 : i32 to vector<16xi32>
        %sub3A_488 = arith.subi %add3A_485, %sub3A_487 : vector<16xi32>
        tpu.vector_store_idx %arg10[%sub3A_488], %get3A_476 masked %ge3A_481 : memref<80xi32, #tpu.memory_space<vmem>>[vector<16xi32>], vector<16xi32>, vector<16xi1>
        tpu.vector_store_idx %arg11[%sub3A_488], %get3A_480 masked %ge3A_481 : memref<80xi32, #tpu.memory_space<vmem>>[vector<16xi32>], vector<16xi32>, vector<16xi1>
        %all_reduce_population_count3A_489 = tpu.all_reduce %ge3A_481 {dim = 0 : i64, kind = #tpu.reduction_kind<sum>} : vector<16xi1> -> vector<16xi32>
        %add3A_490 = arith.addi %while3A_472, %all_reduce_population_count3A_489 : vector<16xi32>
        scf.yield %add3A_490 : vector<16xi32>
      }
      %scan3A_209 = arith.constant 0 : i32
      %scan3A_210 = arith.constant 0 : i32
      %mul3A_211 = arith.constant 16 : i32
      %mul3A_212 = arith.muli %scan3A_210, %mul3A_211 : i32
      %get3A_213 = arith.index_cast %mul3A_212 : i32 to index
      %get3A_214 = tpu.vector_load %arg10[%get3A_213] {strides = array<i32>} : memref<80xi32, #tpu.memory_space<vmem>>, vector<16xi32>,
      %bitcast3A = vector.bitcast %get3A_214 : vector<16xi32> to vector<16xf32>
      %mul3A_215 = arith.constant 16 : i32
      %mul3A_216 = arith.muli %scan3A_210, %mul3A_215 : i32
      %add3A_217 = arith.constant 16 : i32
      %add3A_218 = arith.addi %add3A_217, %mul3A_216 : i32
      %swap3A_219 = arith.index_cast %add3A_218 : i32 to index
      %swap3A_220 = tpu.vector_load %arg12[%swap3A_219] {strides = array<i32>} : memref<80xf32, #tpu.memory_space<vmem>>, vector<16xf32>,
      tpu.vector_store %arg12[%swap3A_219], %bitcast3A {strides = array<i32>} : memref<80xf32, #tpu.memory_space<vmem>>, vector<16xf32>,
      %scan3A_221 = arith.constant 0 : i32
      %scan3A_222 = arith.constant 1 : i32
      %mul3A_223 = arith.constant 16 : i32
      %mul3A_224 = arith.muli %scan3A_222, %mul3A_223 : i32
      %get3A_225 = arith.index_cast %mul3A_224 : i32 to index
      %get3A_226 = tpu.vector_load %arg10[%get3A_225] {strides = array<i32>} : memref<80xi32, #tpu.memory_space<vmem>>, vector<16xi32>,
      %bitcast3A_227 = vector.bitcast %get3A_226 : vector<16xi32> to vector<16xf32>
      %mul3A_228 = arith.constant 16 : i32
      %mul3A_229 = arith.muli %scan3A_222, %mul3A_228 : i32
      %add3A_230 = arith.constant 16 : i32
      %add3A_231 = arith.addi %add3A_230, %mul3A_229 : i32
      %swap3A_232 = arith.index_cast %add3A_231 : i32 to index
      %swap3A_233 = tpu.vector_load %arg12[%swap3A_232] {strides = array<i32>} : memref<80xf32, #tpu.memory_space<vmem>>, vector<16xf32>,
      tpu.vector_store %arg12[%swap3A_232], %bitcast3A_227 {strides = array<i32>} : memref<80xf32, #tpu.memory_space<vmem>>, vector<16xf32>,
      %scan3A_234 = arith.constant 0 : i32
      %scan3A_235 = arith.constant 2 : i32
      %mul3A_236 = arith.constant 16 : i32
      %mul3A_237 = arith.muli %scan3A_235, %mul3A_236 : i32
      %get3A_238 = arith.index_cast %mul3A_237 : i32 to index
      %get3A_239 = tpu.vector_load %arg10[%get3A_238] {strides = array<i32>} : memref<80xi32, #tpu.memory_space<vmem>>, vector<16xi32>,
      %bitcast3A_240 = vector.bitcast %get3A_239 : vector<16xi32> to vector<16xf32>
      %mul3A_241 = arith.constant 16 : i32
      %mul3A_242 = arith.muli %scan3A_235, %mul3A_241 : i32
      %add3A_243 = arith.constant 16 : i32
      %add3A_244 = arith.addi %add3A_243, %mul3A_242 : i32
      %swap3A_245 = arith.index_cast %add3A_244 : i32 to index
      %swap3A_246 = tpu.vector_load %arg12[%swap3A_245] {strides = array<i32>} : memref<80xf32, #tpu.memory_space<vmem>>, vector<16xf32>,
      tpu.vector_store %arg12[%swap3A_245], %bitcast3A_240 {strides = array<i32>} : memref<80xf32, #tpu.memory_space<vmem>>, vector<16xf32>,
      %scan3A_247 = arith.constant 0 : i32
      %scan3A_248 = arith.constant 3 : i32
      %mul3A_249 = arith.constant 16 : i32
      %mul3A_250 = arith.muli %scan3A_248, %mul3A_249 : i32
      %get3A_251 = arith.index_cast %mul3A_250 : i32 to index
      %get3A_252 = tpu.vector_load %arg10[%get3A_251] {strides = array<i32>} : memref<80xi32, #tpu.memory_space<vmem>>, vector<16xi32>,
      %bitcast3A_253 = vector.bitcast %get3A_252 : vector<16xi32> to vector<16xf32>
      %mul3A_254 = arith.constant 16 : i32
      %mul3A_255 = arith.muli %scan3A_248, %mul3A_254 : i32
      %add3A_256 = arith.constant 16 : i32
      %add3A_257 = arith.addi %add3A_256, %mul3A_255 : i32
      %swap3A_258 = arith.index_cast %add3A_257 : i32 to index
      %swap3A_259 = tpu.vector_load %arg12[%swap3A_258] {strides = array<i32>} : memref<80xf32, #tpu.memory_space<vmem>>, vector<16xf32>,
      tpu.vector_store %arg12[%swap3A_258], %bitcast3A_253 {strides = array<i32>} : memref<80xf32, #tpu.memory_space<vmem>>, vector<16xf32>,
      %scan3A_260 = arith.constant 0 : i32
      %scan3A_261 = arith.constant 4 : i32
      %dma_start3A_262 = arith.constant 0 : i32
      %dma_start3A_263 = tpu.memref_slice %arg11[%dma_start3A_262] : memref<80xi32, #tpu.memory_space<vmem>> -> memref<64xi32, #tpu.memory_space<vmem>>
      %dma_start3A_264 = arith.constant 0 : i32
      %dma_start3A_265 = arith.constant 0 : i32
      %dma_start3A_266 = tpu.memref_slice %arg3[%dma_start3A_264, %dma_start3A_265] : memref<24576x768xf32, #tpu.memory_space<hbm>> -> memref<24576x768xf32, #tpu.memory_space<hbm>>
      tpu.enqueue_indirect_dma source(%dma_start3A_266 : memref<24576x768xf32, #tpu.memory_space<hbm>>) target(%arg13 : memref<64x768xf32, #tpu.memory_space<vmem>>) offsets(%dma_start3A_263 : memref<64xi32, #tpu.memory_space<vmem>>) semaphore(%arg17 : memref<!tpu.dma_semaphore, #tpu.memory_space<semaphore_mem>>)
      %dma_wait3A_267 = arith.constant 0 : i32
      %dma_wait3A_268 = tpu.memref_slice %arg11[%dma_wait3A_267] : memref<80xi32, #tpu.memory_space<vmem>> -> memref<64xi32, #tpu.memory_space<vmem>>
      %dma_wait3A_269 = arith.constant 0 : i32
      %dma_wait3A_270 = arith.constant 0 : i32
      %dma_wait3A_271 = tpu.memref_slice %arg3[%dma_wait3A_269, %dma_wait3A_270] : memref<24576x768xf32, #tpu.memory_space<hbm>> -> memref<24576x768xf32, #tpu.memory_space<hbm>>
      tpu.wait_indirect_dma semaphore(%arg17 : memref<!tpu.dma_semaphore, #tpu.memory_space<semaphore_mem>>) src(%dma_wait3A_271 : memref<24576x768xf32, #tpu.memory_space<hbm>>) dst(%arg13 : memref<64x768xf32, #tpu.memory_space<vmem>>)
      %get3A_272 = arith.constant 0 : index
      %get3A_273 = tpu.vector_load %arg15[%get3A_272] {strides = array<i32>} : memref<768xf32, #tpu.memory_space<vmem>>, vector<16xf32>,
      %get3A_274 = arith.constant 16 : index
      %get3A_275 = tpu.vector_load %arg15[%get3A_274] {strides = array<i32>} : memref<768xf32, #tpu.memory_space<vmem>>, vector<16xf32>,
      %get3A_276 = arith.constant 32 : index
      %get3A_277 = tpu.vector_load %arg15[%get3A_276] {strides = array<i32>} : memref<768xf32, #tpu.memory_space<vmem>>, vector<16xf32>,
      %get3A_278 = arith.constant 48 : index
      %get3A_279 = tpu.vector_load %arg15[%get3A_278] {strides = array<i32>} : memref<768xf32, #tpu.memory_space<vmem>>, vector<16xf32>,
      %get3A_280 = arith.constant 64 : index
      %get3A_281 = tpu.vector_load %arg15[%get3A_280] {strides = array<i32>} : memref<768xf32, #tpu.memory_space<vmem>>, vector<16xf32>,
      %get3A_282 = arith.constant 80 : index
      %get3A_283 = tpu.vector_load %arg15[%get3A_282] {strides = array<i32>} : memref<768xf32, #tpu.memory_space<vmem>>, vector<16xf32>,
      %get3A_284 = arith.constant 96 : index
      %get3A_285 = tpu.vector_load %arg15[%get3A_284] {strides = array<i32>} : memref<768xf32, #tpu.memory_space<vmem>>, vector<16xf32>,
      %get3A_286 = arith.constant 112 : index
      %get3A_287 = tpu.vector_load %arg15[%get3A_286] {strides = array<i32>} : memref<768xf32, #tpu.memory_space<vmem>>, vector<16xf32>,
      %get3A_288 = arith.constant 128 : index
      %get3A_289 = tpu.vector_load %arg15[%get3A_288] {strides = array<i32>} : memref<768xf32, #tpu.memory_space<vmem>>, vector<16xf32>,
      %get3A_290 = arith.constant 144 : index
      %get3A_291 = tpu.vector_load %arg15[%get3A_290] {strides = array<i32>} : memref<768xf32, #tpu.memory_space<vmem>>, vector<16xf32>,
      %get3A_292 = arith.constant 160 : index
      %get3A_293 = tpu.vector_load %arg15[%get3A_292] {strides = array<i32>} : memref<768xf32, #tpu.memory_space<vmem>>, vector<16xf32>,
      %get3A_294 = arith.constant 176 : index
      %get3A_295 = tpu.vector_load %arg15[%get3A_294] {strides = array<i32>} : memref<768xf32, #tpu.memory_space<vmem>>, vector<16xf32>,
      %get3A_296 = arith.constant 192 : index
      %get3A_297 = tpu.vector_load %arg15[%get3A_296] {strides = array<i32>} : memref<768xf32, #tpu.memory_space<vmem>>, vector<16xf32>,
      %get3A_298 = arith.constant 208 : index
      %get3A_299 = tpu.vector_load %arg15[%get3A_298] {strides = array<i32>} : memref<768xf32, #tpu.memory_space<vmem>>, vector<16xf32>,
      %get3A_300 = arith.constant 224 : index
      %get3A_301 = tpu.vector_load %arg15[%get3A_300] {strides = array<i32>} : memref<768xf32, #tpu.memory_space<vmem>>, vector<16xf32>,
      %get3A_302 = arith.constant 240 : index
      %get3A_303 = tpu.vector_load %arg15[%get3A_302] {strides = array<i32>} : memref<768xf32, #tpu.memory_space<vmem>>, vector<16xf32>,
      %get3A_304 = arith.constant 256 : index
      %get3A_305 = tpu.vector_load %arg15[%get3A_304] {strides = array<i32>} : memref<768xf32, #tpu.memory_space<vmem>>, vector<16xf32>,
      %get3A_306 = arith.constant 272 : index
      %get3A_307 = tpu.vector_load %arg15[%get3A_306] {strides = array<i32>} : memref<768xf32, #tpu.memory_space<vmem>>, vector<16xf32>,
      %get3A_308 = arith.constant 288 : index
      %get3A_309 = tpu.vector_load %arg15[%get3A_308] {strides = array<i32>} : memref<768xf32, #tpu.memory_space<vmem>>, vector<16xf32>,
      %get3A_310 = arith.constant 304 : index
      %get3A_311 = tpu.vector_load %arg15[%get3A_310] {strides = array<i32>} : memref<768xf32, #tpu.memory_space<vmem>>, vector<16xf32>,
      %get3A_312 = arith.constant 320 : index
      %get3A_313 = tpu.vector_load %arg15[%get3A_312] {strides = array<i32>} : memref<768xf32, #tpu.memory_space<vmem>>, vector<16xf32>,
      %get3A_314 = arith.constant 336 : index
      %get3A_315 = tpu.vector_load %arg15[%get3A_314] {strides = array<i32>} : memref<768xf32, #tpu.memory_space<vmem>>, vector<16xf32>,
      %get3A_316 = arith.constant 352 : index
      %get3A_317 = tpu.vector_load %arg15[%get3A_316] {strides = array<i32>} : memref<768xf32, #tpu.memory_space<vmem>>, vector<16xf32>,
      %get3A_318 = arith.constant 368 : index
      %get3A_319 = tpu.vector_load %arg15[%get3A_318] {strides = array<i32>} : memref<768xf32, #tpu.memory_space<vmem>>, vector<16xf32>,
      %get3A_320 = arith.constant 384 : index
      %get3A_321 = tpu.vector_load %arg15[%get3A_320] {strides = array<i32>} : memref<768xf32, #tpu.memory_space<vmem>>, vector<16xf32>,
      %get3A_322 = arith.constant 400 : index
      %get3A_323 = tpu.vector_load %arg15[%get3A_322] {strides = array<i32>} : memref<768xf32, #tpu.memory_space<vmem>>, vector<16xf32>,
      %get3A_324 = arith.constant 416 : index
      %get3A_325 = tpu.vector_load %arg15[%get3A_324] {strides = array<i32>} : memref<768xf32, #tpu.memory_space<vmem>>, vector<16xf32>,
      %get3A_326 = arith.constant 432 : index
      %get3A_327 = tpu.vector_load %arg15[%get3A_326] {strides = array<i32>} : memref<768xf32, #tpu.memory_space<vmem>>, vector<16xf32>,
      %get3A_328 = arith.constant 448 : index
      %get3A_329 = tpu.vector_load %arg15[%get3A_328] {strides = array<i32>} : memref<768xf32, #tpu.memory_space<vmem>>, vector<16xf32>,
      %get3A_330 = arith.constant 464 : index
      %get3A_331 = tpu.vector_load %arg15[%get3A_330] {strides = array<i32>} : memref<768xf32, #tpu.memory_space<vmem>>, vector<16xf32>,
      %get3A_332 = arith.constant 480 : index
      %get3A_333 = tpu.vector_load %arg15[%get3A_332] {strides = array<i32>} : memref<768xf32, #tpu.memory_space<vmem>>, vector<16xf32>,
      %get3A_334 = arith.constant 496 : index
      %get3A_335 = tpu.vector_load %arg15[%get3A_334] {strides = array<i32>} : memref<768xf32, #tpu.memory_space<vmem>>, vector<16xf32>,
      %get3A_336 = arith.constant 512 : index
      %get3A_337 = tpu.vector_load %arg15[%get3A_336] {strides = array<i32>} : memref<768xf32, #tpu.memory_space<vmem>>, vector<16xf32>,
      %get3A_338 = arith.constant 528 : index
      %get3A_339 = tpu.vector_load %arg15[%get3A_338] {strides = array<i32>} : memref<768xf32, #tpu.memory_space<vmem>>, vector<16xf32>,
      %get3A_340 = arith.constant 544 : index
      %get3A_341 = tpu.vector_load %arg15[%get3A_340] {strides = array<i32>} : memref<768xf32, #tpu.memory_space<vmem>>, vector<16xf32>,
      %get3A_342 = arith.constant 560 : index
      %get3A_343 = tpu.vector_load %arg15[%get3A_342] {strides = array<i32>} : memref<768xf32, #tpu.memory_space<vmem>>, vector<16xf32>,
      %get3A_344 = arith.constant 576 : index
      %get3A_345 = tpu.vector_load %arg15[%get3A_344] {strides = array<i32>} : memref<768xf32, #tpu.memory_space<vmem>>, vector<16xf32>,
      %get3A_346 = arith.constant 592 : index
      %get3A_347 = tpu.vector_load %arg15[%get3A_346] {strides = array<i32>} : memref<768xf32, #tpu.memory_space<vmem>>, vector<16xf32>,
      %get3A_348 = arith.constant 608 : index
      %get3A_349 = tpu.vector_load %arg15[%get3A_348] {strides = array<i32>} : memref<768xf32, #tpu.memory_space<vmem>>, vector<16xf32>,
      %get3A_350 = arith.constant 624 : index
      %get3A_351 = tpu.vector_load %arg15[%get3A_350] {strides = array<i32>} : memref<768xf32, #tpu.memory_space<vmem>>, vector<16xf32>,
      %get3A_352 = arith.constant 640 : index
      %get3A_353 = tpu.vector_load %arg15[%get3A_352] {strides = array<i32>} : memref<768xf32, #tpu.memory_space<vmem>>, vector<16xf32>,
      %get3A_354 = arith.constant 656 : index
      %get3A_355 = tpu.vector_load %arg15[%get3A_354] {strides = array<i32>} : memref<768xf32, #tpu.memory_space<vmem>>, vector<16xf32>,
      %get3A_356 = arith.constant 672 : index
      %get3A_357 = tpu.vector_load %arg15[%get3A_356] {strides = array<i32>} : memref<768xf32, #tpu.memory_space<vmem>>, vector<16xf32>,
      %get3A_358 = arith.constant 688 : index
      %get3A_359 = tpu.vector_load %arg15[%get3A_358] {strides = array<i32>} : memref<768xf32, #tpu.memory_space<vmem>>, vector<16xf32>,
      %get3A_360 = arith.constant 704 : index
      %get3A_361 = tpu.vector_load %arg15[%get3A_360] {strides = array<i32>} : memref<768xf32, #tpu.memory_space<vmem>>, vector<16xf32>,
      %get3A_362 = arith.constant 720 : index
      %get3A_363 = tpu.vector_load %arg15[%get3A_362] {strides = array<i32>} : memref<768xf32, #tpu.memory_space<vmem>>, vector<16xf32>,
      %get3A_364 = arith.constant 736 : index
      %get3A_365 = tpu.vector_load %arg15[%get3A_364] {strides = array<i32>} : memref<768xf32, #tpu.memory_space<vmem>>, vector<16xf32>,
      %get3A_366 = arith.constant 752 : index
      %get3A_367 = tpu.vector_load %arg15[%get3A_366] {strides = array<i32>} : memref<768xf32, #tpu.memory_space<vmem>>, vector<16xf32>,
      %scan3A_368 = arith.constant 0 : i32
      %scan3A_369 = arith.constant 64 : i32
      %scan3A_370 = arith.addi %scan3A_368, %scan3A_369 : i32
      %scan3A_371 = arith.constant 2 : i32
      %scan3A_372:48 = scf.for %scan3A_471 = %scan3A_368 to %scan3A_370 step %scan3A_371 iter_args(%scan3A_472 = %get3A_273, %scan3A_473 = %get3A_275, %scan3A_474 = %get3A_277, %scan3A_475 = %get3A_279, %scan3A_476 = %get3A_281, %scan3A_477 = %get3A_283, %scan3A_478 = %get3A_285, %scan3A_479 = %get3A_287, %scan3A_480 = %get3A_289, %scan3A_481 = %get3A_291, %scan3A_482 = %get3A_293, %scan3A_483 = %get3A_295, %scan3A_484 = %get3A_297, %scan3A_485 = %get3A_299, %scan3A_486 = %get3A_301, %scan3A_487 = %get3A_303, %scan3A_488 = %get3A_305, %scan3A_489 = %get3A_307, %scan3A_490 = %get3A_309, %scan3A_491 = %get3A_311, %scan3A_492 = %get3A_313, %scan3A_493 = %get3A_315, %scan3A_494 = %get3A_317, %scan3A_495 = %get3A_319, %scan3A_496 = %get3A_321, %scan3A_497 = %get3A_323, %scan3A_498 = %get3A_325, %scan3A_499 = %get3A_327, %scan3A_500 = %get3A_329, %scan3A_501 = %get3A_331, %scan3A_502 = %get3A_333, %scan3A_503 = %get3A_335, %scan3A_504 = %get3A_337, %scan3A_505 = %get3A_339, %scan3A_506 = %get3A_341, %scan3A_507 = %get3A_343, %scan3A_508 = %get3A_345, %scan3A_509 = %get3A_347, %scan3A_510 = %get3A_349, %scan3A_511 = %get3A_351, %scan3A_512 = %get3A_353, %scan3A_513 = %get3A_355, %scan3A_514 = %get3A_357, %scan3A_515 = %get3A_359, %scan3A_516 = %get3A_361, %scan3A_517 = %get3A_363, %scan3A_518 = %get3A_365, %scan3A_519 = %get3A_367) -> (vector<16xf32>, vector<16xf32>, vector<16xf32>, vector<16xf32>, vector<16xf32>, vector<16xf32>, vector<16xf32>, vector<16xf32>, vector<16xf32>, vector<16xf32>, vector<16xf32>, vector<16xf32>, vector<16xf32>, vector<16xf32>, vector<16xf32>, vector<16xf32>, vector<16xf32>, vector<16xf32>, vector<16xf32>, vector<16xf32>, vector<16xf32>, vector<16xf32>, vector<16xf32>, vector<16xf32>, vector<16xf32>, vector<16xf32>, vector<16xf32>, vector<16xf32>, vector<16xf32>, vector<16xf32>, vector<16xf32>, vector<16xf32>, vector<16xf32>, vector<16xf32>, vector<16xf32>, vector<16xf32>, vector<16xf32>, vector<16xf32>, vector<16xf32>, vector<16xf32>, vector<16xf32>, vector<16xf32>, vector<16xf32>, vector<16xf32>, vector<16xf32>, vector<16xf32>, vector<16xf32>, vector<16xf32>)  : i32 {
        %broadcast_in_dim3A_520 = arith.constant 16 : i32
        %broadcast_in_dim3A_521 = vector.broadcast %broadcast_in_dim3A_520 : i32 to vector<16xi32>
        %add3A_522 = vector.broadcast %scan3A_471 : i32 to vector<16xi32>
        %add3A_523 = arith.addi %broadcast_in_dim3A_521, %add3A_522 : vector<16xi32>
        %gather3A = tpu.vector_load_idx %arg12[%add3A_523] : memref<80xf32, #tpu.memory_space<vmem>>[vector<16xi32>], vector<16xf32>,
        %get3A_524 = arith.index_cast %scan3A_471 : i32 to index
        %get3A_525 = arith.constant 0 : index
        %get3A_526 = tpu.vector_load %arg13[%get3A_524, %get3A_525] {strides = array<i32>} : memref<64x768xf32, #tpu.memory_space<vmem>>, vector<16xf32>,
        %mul3A_527 = arith.mulf %gather3A, %get3A_526 : vector<16xf32>
        %add3A_528 = arith.addf %scan3A_472, %mul3A_527 : vector<16xf32>
        %get3A_529 = arith.index_cast %scan3A_471 : i32 to index
        %get3A_530 = arith.constant 16 : index
        %get3A_531 = tpu.vector_load %arg13[%get3A_529, %get3A_530] {strides = array<i32>} : memref<64x768xf32, #tpu.memory_space<vmem>>, vector<16xf32>,
        %mul3A_532 = arith.mulf %gather3A, %get3A_531 : vector<16xf32>
        %add3A_533 = arith.addf %scan3A_473, %mul3A_532 : vector<16xf32>
        %get3A_534 = arith.index_cast %scan3A_471 : i32 to index
        %get3A_535 = arith.constant 32 : index
        %get3A_536 = tpu.vector_load %arg13[%get3A_534, %get3A_535] {strides = array<i32>} : memref<64x768xf32, #tpu.memory_space<vmem>>, vector<16xf32>,
        %mul3A_537 = arith.mulf %gather3A, %get3A_536 : vector<16xf32>
        %add3A_538 = arith.addf %scan3A_474, %mul3A_537 : vector<16xf32>
        %get3A_539 = arith.index_cast %scan3A_471 : i32 to index
        %get3A_540 = arith.constant 48 : index
        %get3A_541 = tpu.vector_load %arg13[%get3A_539, %get3A_540] {strides = array<i32>} : memref<64x768xf32, #tpu.memory_space<vmem>>, vector<16xf32>,
        %mul3A_542 = arith.mulf %gather3A, %get3A_541 : vector<16xf32>
        %add3A_543 = arith.addf %scan3A_475, %mul3A_542 : vector<16xf32>
        %get3A_544 = arith.index_cast %scan3A_471 : i32 to index
        %get3A_545 = arith.constant 64 : index
        %get3A_546 = tpu.vector_load %arg13[%get3A_544, %get3A_545] {strides = array<i32>} : memref<64x768xf32, #tpu.memory_space<vmem>>, vector<16xf32>,
        %mul3A_547 = arith.mulf %gather3A, %get3A_546 : vector<16xf32>
        %add3A_548 = arith.addf %scan3A_476, %mul3A_547 : vector<16xf32>
        %get3A_549 = arith.index_cast %scan3A_471 : i32 to index
        %get3A_550 = arith.constant 80 : index
        %get3A_551 = tpu.vector_load %arg13[%get3A_549, %get3A_550] {strides = array<i32>} : memref<64x768xf32, #tpu.memory_space<vmem>>, vector<16xf32>,
        %mul3A_552 = arith.mulf %gather3A, %get3A_551 : vector<16xf32>
        %add3A_553 = arith.addf %scan3A_477, %mul3A_552 : vector<16xf32>
        %get3A_554 = arith.index_cast %scan3A_471 : i32 to index
        %get3A_555 = arith.constant 96 : index
        %get3A_556 = tpu.vector_load %arg13[%get3A_554, %get3A_555] {strides = array<i32>} : memref<64x768xf32, #tpu.memory_space<vmem>>, vector<16xf32>,
        %mul3A_557 = arith.mulf %gather3A, %get3A_556 : vector<16xf32>
        %add3A_558 = arith.addf %scan3A_478, %mul3A_557 : vector<16xf32>
        %get3A_559 = arith.index_cast %scan3A_471 : i32 to index
        %get3A_560 = arith.constant 112 : index
        %get3A_561 = tpu.vector_load %arg13[%get3A_559, %get3A_560] {strides = array<i32>} : memref<64x768xf32, #tpu.memory_space<vmem>>, vector<16xf32>,
        %mul3A_562 = arith.mulf %gather3A, %get3A_561 : vector<16xf32>
        %add3A_563 = arith.addf %scan3A_479, %mul3A_562 : vector<16xf32>
        %get3A_564 = arith.index_cast %scan3A_471 : i32 to index
        %get3A_565 = arith.constant 128 : index
        %get3A_566 = tpu.vector_load %arg13[%get3A_564, %get3A_565] {strides = array<i32>} : memref<64x768xf32, #tpu.memory_space<vmem>>, vector<16xf32>,
        %mul3A_567 = arith.mulf %gather3A, %get3A_566 : vector<16xf32>
        %add3A_568 = arith.addf %scan3A_480, %mul3A_567 : vector<16xf32>
        %get3A_569 = arith.index_cast %scan3A_471 : i32 to index
        %get3A_570 = arith.constant 144 : index
        %get3A_571 = tpu.vector_load %arg13[%get3A_569, %get3A_570] {strides = array<i32>} : memref<64x768xf32, #tpu.memory_space<vmem>>, vector<16xf32>,
        %mul3A_572 = arith.mulf %gather3A, %get3A_571 : vector<16xf32>
        %add3A_573 = arith.addf %scan3A_481, %mul3A_572 : vector<16xf32>
        %get3A_574 = arith.index_cast %scan3A_471 : i32 to index
        %get3A_575 = arith.constant 160 : index
        %get3A_576 = tpu.vector_load %arg13[%get3A_574, %get3A_575] {strides = array<i32>} : memref<64x768xf32, #tpu.memory_space<vmem>>, vector<16xf32>,
        %mul3A_577 = arith.mulf %gather3A, %get3A_576 : vector<16xf32>
        %add3A_578 = arith.addf %scan3A_482, %mul3A_577 : vector<16xf32>
        %get3A_579 = arith.index_cast %scan3A_471 : i32 to index
        %get3A_580 = arith.constant 176 : index
        %get3A_581 = tpu.vector_load %arg13[%get3A_579, %get3A_580] {strides = array<i32>} : memref<64x768xf32, #tpu.memory_space<vmem>>, vector<16xf32>,
        %mul3A_582 = arith.mulf %gather3A, %get3A_581 : vector<16xf32>
        %add3A_583 = arith.addf %scan3A_483, %mul3A_582 : vector<16xf32>
        %get3A_584 = arith.index_cast %scan3A_471 : i32 to index
        %get3A_585 = arith.constant 192 : index
        %get3A_586 = tpu.vector_load %arg13[%get3A_584, %get3A_585] {strides = array<i32>} : memref<64x768xf32, #tpu.memory_space<vmem>>, vector<16xf32>,
        %mul3A_587 = arith.mulf %gather3A, %get3A_586 : vector<16xf32>
        %add3A_588 = arith.addf %scan3A_484, %mul3A_587 : vector<16xf32>
        %get3A_589 = arith.index_cast %scan3A_471 : i32 to index
        %get3A_590 = arith.constant 208 : index
        %get3A_591 = tpu.vector_load %arg13[%get3A_589, %get3A_590] {strides = array<i32>} : memref<64x768xf32, #tpu.memory_space<vmem>>, vector<16xf32>,
        %mul3A_592 = arith.mulf %gather3A, %get3A_591 : vector<16xf32>
        %add3A_593 = arith.addf %scan3A_485, %mul3A_592 : vector<16xf32>
        %get3A_594 = arith.index_cast %scan3A_471 : i32 to index
        %get3A_595 = arith.constant 224 : index
        %get3A_596 = tpu.vector_load %arg13[%get3A_594, %get3A_595] {strides = array<i32>} : memref<64x768xf32, #tpu.memory_space<vmem>>, vector<16xf32>,
        %mul3A_597 = arith.mulf %gather3A, %get3A_596 : vector<16xf32>
        %add3A_598 = arith.addf %scan3A_486, %mul3A_597 : vector<16xf32>
        %get3A_599 = arith.index_cast %scan3A_471 : i32 to index
        %get3A_600 = arith.constant 240 : index
        %get3A_601 = tpu.vector_load %arg13[%get3A_599, %get3A_600] {strides = array<i32>} : memref<64x768xf32, #tpu.memory_space<vmem>>, vector<16xf32>,
        %mul3A_602 = arith.mulf %gather3A, %get3A_601 : vector<16xf32>
        %add3A_603 = arith.addf %scan3A_487, %mul3A_602 : vector<16xf32>
        %get3A_604 = arith.index_cast %scan3A_471 : i32 to index
        %get3A_605 = arith.constant 256 : index
        %get3A_606 = tpu.vector_load %arg13[%get3A_604, %get3A_605] {strides = array<i32>} : memref<64x768xf32, #tpu.memory_space<vmem>>, vector<16xf32>,
        %mul3A_607 = arith.mulf %gather3A, %get3A_606 : vector<16xf32>
        %add3A_608 = arith.addf %scan3A_488, %mul3A_607 : vector<16xf32>
        %get3A_609 = arith.index_cast %scan3A_471 : i32 to index
        %get3A_610 = arith.constant 272 : index
        %get3A_611 = tpu.vector_load %arg13[%get3A_609, %get3A_610] {strides = array<i32>} : memref<64x768xf32, #tpu.memory_space<vmem>>, vector<16xf32>,
        %mul3A_612 = arith.mulf %gather3A, %get3A_611 : vector<16xf32>
        %add3A_613 = arith.addf %scan3A_489, %mul3A_612 : vector<16xf32>
        %get3A_614 = arith.index_cast %scan3A_471 : i32 to index
        %get3A_615 = arith.constant 288 : index
        %get3A_616 = tpu.vector_load %arg13[%get3A_614, %get3A_615] {strides = array<i32>} : memref<64x768xf32, #tpu.memory_space<vmem>>, vector<16xf32>,
        %mul3A_617 = arith.mulf %gather3A, %get3A_616 : vector<16xf32>
        %add3A_618 = arith.addf %scan3A_490, %mul3A_617 : vector<16xf32>
        %get3A_619 = arith.index_cast %scan3A_471 : i32 to index
        %get3A_620 = arith.constant 304 : index
        %get3A_621 = tpu.vector_load %arg13[%get3A_619, %get3A_620] {strides = array<i32>} : memref<64x768xf32, #tpu.memory_space<vmem>>, vector<16xf32>,
        %mul3A_622 = arith.mulf %gather3A, %get3A_621 : vector<16xf32>
        %add3A_623 = arith.addf %scan3A_491, %mul3A_622 : vector<16xf32>
        %get3A_624 = arith.index_cast %scan3A_471 : i32 to index
        %get3A_625 = arith.constant 320 : index
        %get3A_626 = tpu.vector_load %arg13[%get3A_624, %get3A_625] {strides = array<i32>} : memref<64x768xf32, #tpu.memory_space<vmem>>, vector<16xf32>,
        %mul3A_627 = arith.mulf %gather3A, %get3A_626 : vector<16xf32>
        %add3A_628 = arith.addf %scan3A_492, %mul3A_627 : vector<16xf32>
        %get3A_629 = arith.index_cast %scan3A_471 : i32 to index
        %get3A_630 = arith.constant 336 : index
        %get3A_631 = tpu.vector_load %arg13[%get3A_629, %get3A_630] {strides = array<i32>} : memref<64x768xf32, #tpu.memory_space<vmem>>, vector<16xf32>,
        %mul3A_632 = arith.mulf %gather3A, %get3A_631 : vector<16xf32>
        %add3A_633 = arith.addf %scan3A_493, %mul3A_632 : vector<16xf32>
        %get3A_634 = arith.index_cast %scan3A_471 : i32 to index
        %get3A_635 = arith.constant 352 : index
        %get3A_636 = tpu.vector_load %arg13[%get3A_634, %get3A_635] {strides = array<i32>} : memref<64x768xf32, #tpu.memory_space<vmem>>, vector<16xf32>,
        %mul3A_637 = arith.mulf %gather3A, %get3A_636 : vector<16xf32>
        %add3A_638 = arith.addf %scan3A_494, %mul3A_637 : vector<16xf32>
        %get3A_639 = arith.index_cast %scan3A_471 : i32 to index
        %get3A_640 = arith.constant 368 : index
        %get3A_641 = tpu.vector_load %arg13[%get3A_639, %get3A_640] {strides = array<i32>} : memref<64x768xf32, #tpu.memory_space<vmem>>, vector<16xf32>,
        %mul3A_642 = arith.mulf %gather3A, %get3A_641 : vector<16xf32>
        %add3A_643 = arith.addf %scan3A_495, %mul3A_642 : vector<16xf32>
        %get3A_644 = arith.index_cast %scan3A_471 : i32 to index
        %get3A_645 = arith.constant 384 : index
        %get3A_646 = tpu.vector_load %arg13[%get3A_644, %get3A_645] {strides = array<i32>} : memref<64x768xf32, #tpu.memory_space<vmem>>, vector<16xf32>,
        %mul3A_647 = arith.mulf %gather3A, %get3A_646 : vector<16xf32>
        %add3A_648 = arith.addf %scan3A_496, %mul3A_647 : vector<16xf32>
        %get3A_649 = arith.index_cast %scan3A_471 : i32 to index
        %get3A_650 = arith.constant 400 : index
        %get3A_651 = tpu.vector_load %arg13[%get3A_649, %get3A_650] {strides = array<i32>} : memref<64x768xf32, #tpu.memory_space<vmem>>, vector<16xf32>,
        %mul3A_652 = arith.mulf %gather3A, %get3A_651 : vector<16xf32>
        %add3A_653 = arith.addf %scan3A_497, %mul3A_652 : vector<16xf32>
        %get3A_654 = arith.index_cast %scan3A_471 : i32 to index
        %get3A_655 = arith.constant 416 : index
        %get3A_656 = tpu.vector_load %arg13[%get3A_654, %get3A_655] {strides = array<i32>} : memref<64x768xf32, #tpu.memory_space<vmem>>, vector<16xf32>,
        %mul3A_657 = arith.mulf %gather3A, %get3A_656 : vector<16xf32>
        %add3A_658 = arith.addf %scan3A_498, %mul3A_657 : vector<16xf32>
        %get3A_659 = arith.index_cast %scan3A_471 : i32 to index
        %get3A_660 = arith.constant 432 : index
        %get3A_661 = tpu.vector_load %arg13[%get3A_659, %get3A_660] {strides = array<i32>} : memref<64x768xf32, #tpu.memory_space<vmem>>, vector<16xf32>,
        %mul3A_662 = arith.mulf %gather3A, %get3A_661 : vector<16xf32>
        %add3A_663 = arith.addf %scan3A_499, %mul3A_662 : vector<16xf32>
        %get3A_664 = arith.index_cast %scan3A_471 : i32 to index
        %get3A_665 = arith.constant 448 : index
        %get3A_666 = tpu.vector_load %arg13[%get3A_664, %get3A_665] {strides = array<i32>} : memref<64x768xf32, #tpu.memory_space<vmem>>, vector<16xf32>,
        %mul3A_667 = arith.mulf %gather3A, %get3A_666 : vector<16xf32>
        %add3A_668 = arith.addf %scan3A_500, %mul3A_667 : vector<16xf32>
        %get3A_669 = arith.index_cast %scan3A_471 : i32 to index
        %get3A_670 = arith.constant 464 : index
        %get3A_671 = tpu.vector_load %arg13[%get3A_669, %get3A_670] {strides = array<i32>} : memref<64x768xf32, #tpu.memory_space<vmem>>, vector<16xf32>,
        %mul3A_672 = arith.mulf %gather3A, %get3A_671 : vector<16xf32>
        %add3A_673 = arith.addf %scan3A_501, %mul3A_672 : vector<16xf32>
        %get3A_674 = arith.index_cast %scan3A_471 : i32 to index
        %get3A_675 = arith.constant 480 : index
        %get3A_676 = tpu.vector_load %arg13[%get3A_674, %get3A_675] {strides = array<i32>} : memref<64x768xf32, #tpu.memory_space<vmem>>, vector<16xf32>,
        %mul3A_677 = arith.mulf %gather3A, %get3A_676 : vector<16xf32>
        %add3A_678 = arith.addf %scan3A_502, %mul3A_677 : vector<16xf32>
        %get3A_679 = arith.index_cast %scan3A_471 : i32 to index
        %get3A_680 = arith.constant 496 : index
        %get3A_681 = tpu.vector_load %arg13[%get3A_679, %get3A_680] {strides = array<i32>} : memref<64x768xf32, #tpu.memory_space<vmem>>, vector<16xf32>,
        %mul3A_682 = arith.mulf %gather3A, %get3A_681 : vector<16xf32>
        %add3A_683 = arith.addf %scan3A_503, %mul3A_682 : vector<16xf32>
        %get3A_684 = arith.index_cast %scan3A_471 : i32 to index
        %get3A_685 = arith.constant 512 : index
        %get3A_686 = tpu.vector_load %arg13[%get3A_684, %get3A_685] {strides = array<i32>} : memref<64x768xf32, #tpu.memory_space<vmem>>, vector<16xf32>,
        %mul3A_687 = arith.mulf %gather3A, %get3A_686 : vector<16xf32>
        %add3A_688 = arith.addf %scan3A_504, %mul3A_687 : vector<16xf32>
        %get3A_689 = arith.index_cast %scan3A_471 : i32 to index
        %get3A_690 = arith.constant 528 : index
        %get3A_691 = tpu.vector_load %arg13[%get3A_689, %get3A_690] {strides = array<i32>} : memref<64x768xf32, #tpu.memory_space<vmem>>, vector<16xf32>,
        %mul3A_692 = arith.mulf %gather3A, %get3A_691 : vector<16xf32>
        %add3A_693 = arith.addf %scan3A_505, %mul3A_692 : vector<16xf32>
        %get3A_694 = arith.index_cast %scan3A_471 : i32 to index
        %get3A_695 = arith.constant 544 : index
        %get3A_696 = tpu.vector_load %arg13[%get3A_694, %get3A_695] {strides = array<i32>} : memref<64x768xf32, #tpu.memory_space<vmem>>, vector<16xf32>,
        %mul3A_697 = arith.mulf %gather3A, %get3A_696 : vector<16xf32>
        %add3A_698 = arith.addf %scan3A_506, %mul3A_697 : vector<16xf32>
        %get3A_699 = arith.index_cast %scan3A_471 : i32 to index
        %get3A_700 = arith.constant 560 : index
        %get3A_701 = tpu.vector_load %arg13[%get3A_699, %get3A_700] {strides = array<i32>} : memref<64x768xf32, #tpu.memory_space<vmem>>, vector<16xf32>,
        %mul3A_702 = arith.mulf %gather3A, %get3A_701 : vector<16xf32>
        %add3A_703 = arith.addf %scan3A_507, %mul3A_702 : vector<16xf32>
        %get3A_704 = arith.index_cast %scan3A_471 : i32 to index
        %get3A_705 = arith.constant 576 : index
        %get3A_706 = tpu.vector_load %arg13[%get3A_704, %get3A_705] {strides = array<i32>} : memref<64x768xf32, #tpu.memory_space<vmem>>, vector<16xf32>,
        %mul3A_707 = arith.mulf %gather3A, %get3A_706 : vector<16xf32>
        %add3A_708 = arith.addf %scan3A_508, %mul3A_707 : vector<16xf32>
        %get3A_709 = arith.index_cast %scan3A_471 : i32 to index
        %get3A_710 = arith.constant 592 : index
        %get3A_711 = tpu.vector_load %arg13[%get3A_709, %get3A_710] {strides = array<i32>} : memref<64x768xf32, #tpu.memory_space<vmem>>, vector<16xf32>,
        %mul3A_712 = arith.mulf %gather3A, %get3A_711 : vector<16xf32>
        %add3A_713 = arith.addf %scan3A_509, %mul3A_712 : vector<16xf32>
        %get3A_714 = arith.index_cast %scan3A_471 : i32 to index
        %get3A_715 = arith.constant 608 : index
        %get3A_716 = tpu.vector_load %arg13[%get3A_714, %get3A_715] {strides = array<i32>} : memref<64x768xf32, #tpu.memory_space<vmem>>, vector<16xf32>,
        %mul3A_717 = arith.mulf %gather3A, %get3A_716 : vector<16xf32>
        %add3A_718 = arith.addf %scan3A_510, %mul3A_717 : vector<16xf32>
        %get3A_719 = arith.index_cast %scan3A_471 : i32 to index
        %get3A_720 = arith.constant 624 : index
        %get3A_721 = tpu.vector_load %arg13[%get3A_719, %get3A_720] {strides = array<i32>} : memref<64x768xf32, #tpu.memory_space<vmem>>, vector<16xf32>,
        %mul3A_722 = arith.mulf %gather3A, %get3A_721 : vector<16xf32>
        %add3A_723 = arith.addf %scan3A_511, %mul3A_722 : vector<16xf32>
        %get3A_724 = arith.index_cast %scan3A_471 : i32 to index
        %get3A_725 = arith.constant 640 : index
        %get3A_726 = tpu.vector_load %arg13[%get3A_724, %get3A_725] {strides = array<i32>} : memref<64x768xf32, #tpu.memory_space<vmem>>, vector<16xf32>,
        %mul3A_727 = arith.mulf %gather3A, %get3A_726 : vector<16xf32>
        %add3A_728 = arith.addf %scan3A_512, %mul3A_727 : vector<16xf32>
        %get3A_729 = arith.index_cast %scan3A_471 : i32 to index
        %get3A_730 = arith.constant 656 : index
        %get3A_731 = tpu.vector_load %arg13[%get3A_729, %get3A_730] {strides = array<i32>} : memref<64x768xf32, #tpu.memory_space<vmem>>, vector<16xf32>,
        %mul3A_732 = arith.mulf %gather3A, %get3A_731 : vector<16xf32>
        %add3A_733 = arith.addf %scan3A_513, %mul3A_732 : vector<16xf32>
        %get3A_734 = arith.index_cast %scan3A_471 : i32 to index
        %get3A_735 = arith.constant 672 : index
        %get3A_736 = tpu.vector_load %arg13[%get3A_734, %get3A_735] {strides = array<i32>} : memref<64x768xf32, #tpu.memory_space<vmem>>, vector<16xf32>,
        %mul3A_737 = arith.mulf %gather3A, %get3A_736 : vector<16xf32>
        %add3A_738 = arith.addf %scan3A_514, %mul3A_737 : vector<16xf32>
        %get3A_739 = arith.index_cast %scan3A_471 : i32 to index
        %get3A_740 = arith.constant 688 : index
        %get3A_741 = tpu.vector_load %arg13[%get3A_739, %get3A_740] {strides = array<i32>} : memref<64x768xf32, #tpu.memory_space<vmem>>, vector<16xf32>,
        %mul3A_742 = arith.mulf %gather3A, %get3A_741 : vector<16xf32>
        %add3A_743 = arith.addf %scan3A_515, %mul3A_742 : vector<16xf32>
        %get3A_744 = arith.index_cast %scan3A_471 : i32 to index
        %get3A_745 = arith.constant 704 : index
        %get3A_746 = tpu.vector_load %arg13[%get3A_744, %get3A_745] {strides = array<i32>} : memref<64x768xf32, #tpu.memory_space<vmem>>, vector<16xf32>,
        %mul3A_747 = arith.mulf %gather3A, %get3A_746 : vector<16xf32>
        %add3A_748 = arith.addf %scan3A_516, %mul3A_747 : vector<16xf32>
        %get3A_749 = arith.index_cast %scan3A_471 : i32 to index
        %get3A_750 = arith.constant 720 : index
        %get3A_751 = tpu.vector_load %arg13[%get3A_749, %get3A_750] {strides = array<i32>} : memref<64x768xf32, #tpu.memory_space<vmem>>, vector<16xf32>,
        %mul3A_752 = arith.mulf %gather3A, %get3A_751 : vector<16xf32>
        %add3A_753 = arith.addf %scan3A_517, %mul3A_752 : vector<16xf32>
        %get3A_754 = arith.index_cast %scan3A_471 : i32 to index
        %get3A_755 = arith.constant 736 : index
        %get3A_756 = tpu.vector_load %arg13[%get3A_754, %get3A_755] {strides = array<i32>} : memref<64x768xf32, #tpu.memory_space<vmem>>, vector<16xf32>,
        %mul3A_757 = arith.mulf %gather3A, %get3A_756 : vector<16xf32>
        %add3A_758 = arith.addf %scan3A_518, %mul3A_757 : vector<16xf32>
        %get3A_759 = arith.index_cast %scan3A_471 : i32 to index
        %get3A_760 = arith.constant 752 : index
        %get3A_761 = tpu.vector_load %arg13[%get3A_759, %get3A_760] {strides = array<i32>} : memref<64x768xf32, #tpu.memory_space<vmem>>, vector<16xf32>,
        %mul3A_762 = arith.mulf %gather3A, %get3A_761 : vector<16xf32>
        %add3A_763 = arith.addf %scan3A_519, %mul3A_762 : vector<16xf32>
        %scan3A_764 = arith.constant 1 : i32
        %scan3A_765 = arith.addi %scan3A_471, %scan3A_764 : i32
        %broadcast_in_dim3A_766 = arith.constant 16 : i32
        %broadcast_in_dim3A_767 = vector.broadcast %broadcast_in_dim3A_766 : i32 to vector<16xi32>
        %add3A_768 = vector.broadcast %scan3A_765 : i32 to vector<16xi32>
        %add3A_769 = arith.addi %broadcast_in_dim3A_767, %add3A_768 : vector<16xi32>
        %gather3A_770 = tpu.vector_load_idx %arg12[%add3A_769] : memref<80xf32, #tpu.memory_space<vmem>>[vector<16xi32>], vector<16xf32>,
        %get3A_771 = arith.index_cast %scan3A_765 : i32 to index
        %get3A_772 = arith.constant 0 : index
        %get3A_773 = tpu.vector_load %arg13[%get3A_771, %get3A_772] {strides = array<i32>} : memref<64x768xf32, #tpu.memory_space<vmem>>, vector<16xf32>,
        %mul3A_774 = arith.mulf %gather3A_770, %get3A_773 : vector<16xf32>
        %add3A_775 = arith.addf %add3A_528, %mul3A_774 : vector<16xf32>
        %get3A_776 = arith.index_cast %scan3A_765 : i32 to index
        %get3A_777 = arith.constant 16 : index
        %get3A_778 = tpu.vector_load %arg13[%get3A_776, %get3A_777] {strides = array<i32>} : memref<64x768xf32, #tpu.memory_space<vmem>>, vector<16xf32>,
        %mul3A_779 = arith.mulf %gather3A_770, %get3A_778 : vector<16xf32>
        %add3A_780 = arith.addf %add3A_533, %mul3A_779 : vector<16xf32>
        %get3A_781 = arith.index_cast %scan3A_765 : i32 to index
        %get3A_782 = arith.constant 32 : index
        %get3A_783 = tpu.vector_load %arg13[%get3A_781, %get3A_782] {strides = array<i32>} : memref<64x768xf32, #tpu.memory_space<vmem>>, vector<16xf32>,
        %mul3A_784 = arith.mulf %gather3A_770, %get3A_783 : vector<16xf32>
        %add3A_785 = arith.addf %add3A_538, %mul3A_784 : vector<16xf32>
        %get3A_786 = arith.index_cast %scan3A_765 : i32 to index
        %get3A_787 = arith.constant 48 : index
        %get3A_788 = tpu.vector_load %arg13[%get3A_786, %get3A_787] {strides = array<i32>} : memref<64x768xf32, #tpu.memory_space<vmem>>, vector<16xf32>,
        %mul3A_789 = arith.mulf %gather3A_770, %get3A_788 : vector<16xf32>
        %add3A_790 = arith.addf %add3A_543, %mul3A_789 : vector<16xf32>
        %get3A_791 = arith.index_cast %scan3A_765 : i32 to index
        %get3A_792 = arith.constant 64 : index
        %get3A_793 = tpu.vector_load %arg13[%get3A_791, %get3A_792] {strides = array<i32>} : memref<64x768xf32, #tpu.memory_space<vmem>>, vector<16xf32>,
        %mul3A_794 = arith.mulf %gather3A_770, %get3A_793 : vector<16xf32>
        %add3A_795 = arith.addf %add3A_548, %mul3A_794 : vector<16xf32>
        %get3A_796 = arith.index_cast %scan3A_765 : i32 to index
        %get3A_797 = arith.constant 80 : index
        %get3A_798 = tpu.vector_load %arg13[%get3A_796, %get3A_797] {strides = array<i32>} : memref<64x768xf32, #tpu.memory_space<vmem>>, vector<16xf32>,
        %mul3A_799 = arith.mulf %gather3A_770, %get3A_798 : vector<16xf32>
        %add3A_800 = arith.addf %add3A_553, %mul3A_799 : vector<16xf32>
        %get3A_801 = arith.index_cast %scan3A_765 : i32 to index
        %get3A_802 = arith.constant 96 : index
        %get3A_803 = tpu.vector_load %arg13[%get3A_801, %get3A_802] {strides = array<i32>} : memref<64x768xf32, #tpu.memory_space<vmem>>, vector<16xf32>,
        %mul3A_804 = arith.mulf %gather3A_770, %get3A_803 : vector<16xf32>
        %add3A_805 = arith.addf %add3A_558, %mul3A_804 : vector<16xf32>
        %get3A_806 = arith.index_cast %scan3A_765 : i32 to index
        %get3A_807 = arith.constant 112 : index
        %get3A_808 = tpu.vector_load %arg13[%get3A_806, %get3A_807] {strides = array<i32>} : memref<64x768xf32, #tpu.memory_space<vmem>>, vector<16xf32>,
        %mul3A_809 = arith.mulf %gather3A_770, %get3A_808 : vector<16xf32>
        %add3A_810 = arith.addf %add3A_563, %mul3A_809 : vector<16xf32>
        %get3A_811 = arith.index_cast %scan3A_765 : i32 to index
        %get3A_812 = arith.constant 128 : index
        %get3A_813 = tpu.vector_load %arg13[%get3A_811, %get3A_812] {strides = array<i32>} : memref<64x768xf32, #tpu.memory_space<vmem>>, vector<16xf32>,
        %mul3A_814 = arith.mulf %gather3A_770, %get3A_813 : vector<16xf32>
        %add3A_815 = arith.addf %add3A_568, %mul3A_814 : vector<16xf32>
        %get3A_816 = arith.index_cast %scan3A_765 : i32 to index
        %get3A_817 = arith.constant 144 : index
        %get3A_818 = tpu.vector_load %arg13[%get3A_816, %get3A_817] {strides = array<i32>} : memref<64x768xf32, #tpu.memory_space<vmem>>, vector<16xf32>,
        %mul3A_819 = arith.mulf %gather3A_770, %get3A_818 : vector<16xf32>
        %add3A_820 = arith.addf %add3A_573, %mul3A_819 : vector<16xf32>
        %get3A_821 = arith.index_cast %scan3A_765 : i32 to index
        %get3A_822 = arith.constant 160 : index
        %get3A_823 = tpu.vector_load %arg13[%get3A_821, %get3A_822] {strides = array<i32>} : memref<64x768xf32, #tpu.memory_space<vmem>>, vector<16xf32>,
        %mul3A_824 = arith.mulf %gather3A_770, %get3A_823 : vector<16xf32>
        %add3A_825 = arith.addf %add3A_578, %mul3A_824 : vector<16xf32>
        %get3A_826 = arith.index_cast %scan3A_765 : i32 to index
        %get3A_827 = arith.constant 176 : index
        %get3A_828 = tpu.vector_load %arg13[%get3A_826, %get3A_827] {strides = array<i32>} : memref<64x768xf32, #tpu.memory_space<vmem>>, vector<16xf32>,
        %mul3A_829 = arith.mulf %gather3A_770, %get3A_828 : vector<16xf32>
        %add3A_830 = arith.addf %add3A_583, %mul3A_829 : vector<16xf32>
        %get3A_831 = arith.index_cast %scan3A_765 : i32 to index
        %get3A_832 = arith.constant 192 : index
        %get3A_833 = tpu.vector_load %arg13[%get3A_831, %get3A_832] {strides = array<i32>} : memref<64x768xf32, #tpu.memory_space<vmem>>, vector<16xf32>,
        %mul3A_834 = arith.mulf %gather3A_770, %get3A_833 : vector<16xf32>
        %add3A_835 = arith.addf %add3A_588, %mul3A_834 : vector<16xf32>
        %get3A_836 = arith.index_cast %scan3A_765 : i32 to index
        %get3A_837 = arith.constant 208 : index
        %get3A_838 = tpu.vector_load %arg13[%get3A_836, %get3A_837] {strides = array<i32>} : memref<64x768xf32, #tpu.memory_space<vmem>>, vector<16xf32>,
        %mul3A_839 = arith.mulf %gather3A_770, %get3A_838 : vector<16xf32>
        %add3A_840 = arith.addf %add3A_593, %mul3A_839 : vector<16xf32>
        %get3A_841 = arith.index_cast %scan3A_765 : i32 to index
        %get3A_842 = arith.constant 224 : index
        %get3A_843 = tpu.vector_load %arg13[%get3A_841, %get3A_842] {strides = array<i32>} : memref<64x768xf32, #tpu.memory_space<vmem>>, vector<16xf32>,
        %mul3A_844 = arith.mulf %gather3A_770, %get3A_843 : vector<16xf32>
        %add3A_845 = arith.addf %add3A_598, %mul3A_844 : vector<16xf32>
        %get3A_846 = arith.index_cast %scan3A_765 : i32 to index
        %get3A_847 = arith.constant 240 : index
        %get3A_848 = tpu.vector_load %arg13[%get3A_846, %get3A_847] {strides = array<i32>} : memref<64x768xf32, #tpu.memory_space<vmem>>, vector<16xf32>,
        %mul3A_849 = arith.mulf %gather3A_770, %get3A_848 : vector<16xf32>
        %add3A_850 = arith.addf %add3A_603, %mul3A_849 : vector<16xf32>
        %get3A_851 = arith.index_cast %scan3A_765 : i32 to index
        %get3A_852 = arith.constant 256 : index
        %get3A_853 = tpu.vector_load %arg13[%get3A_851, %get3A_852] {strides = array<i32>} : memref<64x768xf32, #tpu.memory_space<vmem>>, vector<16xf32>,
        %mul3A_854 = arith.mulf %gather3A_770, %get3A_853 : vector<16xf32>
        %add3A_855 = arith.addf %add3A_608, %mul3A_854 : vector<16xf32>
        %get3A_856 = arith.index_cast %scan3A_765 : i32 to index
        %get3A_857 = arith.constant 272 : index
        %get3A_858 = tpu.vector_load %arg13[%get3A_856, %get3A_857] {strides = array<i32>} : memref<64x768xf32, #tpu.memory_space<vmem>>, vector<16xf32>,
        %mul3A_859 = arith.mulf %gather3A_770, %get3A_858 : vector<16xf32>
        %add3A_860 = arith.addf %add3A_613, %mul3A_859 : vector<16xf32>
        %get3A_861 = arith.index_cast %scan3A_765 : i32 to index
        %get3A_862 = arith.constant 288 : index
        %get3A_863 = tpu.vector_load %arg13[%get3A_861, %get3A_862] {strides = array<i32>} : memref<64x768xf32, #tpu.memory_space<vmem>>, vector<16xf32>,
        %mul3A_864 = arith.mulf %gather3A_770, %get3A_863 : vector<16xf32>
        %add3A_865 = arith.addf %add3A_618, %mul3A_864 : vector<16xf32>
        %get3A_866 = arith.index_cast %scan3A_765 : i32 to index
        %get3A_867 = arith.constant 304 : index
        %get3A_868 = tpu.vector_load %arg13[%get3A_866, %get3A_867] {strides = array<i32>} : memref<64x768xf32, #tpu.memory_space<vmem>>, vector<16xf32>,
        %mul3A_869 = arith.mulf %gather3A_770, %get3A_868 : vector<16xf32>
        %add3A_870 = arith.addf %add3A_623, %mul3A_869 : vector<16xf32>
        %get3A_871 = arith.index_cast %scan3A_765 : i32 to index
        %get3A_872 = arith.constant 320 : index
        %get3A_873 = tpu.vector_load %arg13[%get3A_871, %get3A_872] {strides = array<i32>} : memref<64x768xf32, #tpu.memory_space<vmem>>, vector<16xf32>,
        %mul3A_874 = arith.mulf %gather3A_770, %get3A_873 : vector<16xf32>
        %add3A_875 = arith.addf %add3A_628, %mul3A_874 : vector<16xf32>
        %get3A_876 = arith.index_cast %scan3A_765 : i32 to index
        %get3A_877 = arith.constant 336 : index
        %get3A_878 = tpu.vector_load %arg13[%get3A_876, %get3A_877] {strides = array<i32>} : memref<64x768xf32, #tpu.memory_space<vmem>>, vector<16xf32>,
        %mul3A_879 = arith.mulf %gather3A_770, %get3A_878 : vector<16xf32>
        %add3A_880 = arith.addf %add3A_633, %mul3A_879 : vector<16xf32>
        %get3A_881 = arith.index_cast %scan3A_765 : i32 to index
        %get3A_882 = arith.constant 352 : index
        %get3A_883 = tpu.vector_load %arg13[%get3A_881, %get3A_882] {strides = array<i32>} : memref<64x768xf32, #tpu.memory_space<vmem>>, vector<16xf32>,
        %mul3A_884 = arith.mulf %gather3A_770, %get3A_883 : vector<16xf32>
        %add3A_885 = arith.addf %add3A_638, %mul3A_884 : vector<16xf32>
        %get3A_886 = arith.index_cast %scan3A_765 : i32 to index
        %get3A_887 = arith.constant 368 : index
        %get3A_888 = tpu.vector_load %arg13[%get3A_886, %get3A_887] {strides = array<i32>} : memref<64x768xf32, #tpu.memory_space<vmem>>, vector<16xf32>,
        %mul3A_889 = arith.mulf %gather3A_770, %get3A_888 : vector<16xf32>
        %add3A_890 = arith.addf %add3A_643, %mul3A_889 : vector<16xf32>
        %get3A_891 = arith.index_cast %scan3A_765 : i32 to index
        %get3A_892 = arith.constant 384 : index
        %get3A_893 = tpu.vector_load %arg13[%get3A_891, %get3A_892] {strides = array<i32>} : memref<64x768xf32, #tpu.memory_space<vmem>>, vector<16xf32>,
        %mul3A_894 = arith.mulf %gather3A_770, %get3A_893 : vector<16xf32>
        %add3A_895 = arith.addf %add3A_648, %mul3A_894 : vector<16xf32>
        %get3A_896 = arith.index_cast %scan3A_765 : i32 to index
        %get3A_897 = arith.constant 400 : index
        %get3A_898 = tpu.vector_load %arg13[%get3A_896, %get3A_897] {strides = array<i32>} : memref<64x768xf32, #tpu.memory_space<vmem>>, vector<16xf32>,
        %mul3A_899 = arith.mulf %gather3A_770, %get3A_898 : vector<16xf32>
        %add3A_900 = arith.addf %add3A_653, %mul3A_899 : vector<16xf32>
        %get3A_901 = arith.index_cast %scan3A_765 : i32 to index
        %get3A_902 = arith.constant 416 : index
        %get3A_903 = tpu.vector_load %arg13[%get3A_901, %get3A_902] {strides = array<i32>} : memref<64x768xf32, #tpu.memory_space<vmem>>, vector<16xf32>,
        %mul3A_904 = arith.mulf %gather3A_770, %get3A_903 : vector<16xf32>
        %add3A_905 = arith.addf %add3A_658, %mul3A_904 : vector<16xf32>
        %get3A_906 = arith.index_cast %scan3A_765 : i32 to index
        %get3A_907 = arith.constant 432 : index
        %get3A_908 = tpu.vector_load %arg13[%get3A_906, %get3A_907] {strides = array<i32>} : memref<64x768xf32, #tpu.memory_space<vmem>>, vector<16xf32>,
        %mul3A_909 = arith.mulf %gather3A_770, %get3A_908 : vector<16xf32>
        %add3A_910 = arith.addf %add3A_663, %mul3A_909 : vector<16xf32>
        %get3A_911 = arith.index_cast %scan3A_765 : i32 to index
        %get3A_912 = arith.constant 448 : index
        %get3A_913 = tpu.vector_load %arg13[%get3A_911, %get3A_912] {strides = array<i32>} : memref<64x768xf32, #tpu.memory_space<vmem>>, vector<16xf32>,
        %mul3A_914 = arith.mulf %gather3A_770, %get3A_913 : vector<16xf32>
        %add3A_915 = arith.addf %add3A_668, %mul3A_914 : vector<16xf32>
        %get3A_916 = arith.index_cast %scan3A_765 : i32 to index
        %get3A_917 = arith.constant 464 : index
        %get3A_918 = tpu.vector_load %arg13[%get3A_916, %get3A_917] {strides = array<i32>} : memref<64x768xf32, #tpu.memory_space<vmem>>, vector<16xf32>,
        %mul3A_919 = arith.mulf %gather3A_770, %get3A_918 : vector<16xf32>
        %add3A_920 = arith.addf %add3A_673, %mul3A_919 : vector<16xf32>
        %get3A_921 = arith.index_cast %scan3A_765 : i32 to index
        %get3A_922 = arith.constant 480 : index
        %get3A_923 = tpu.vector_load %arg13[%get3A_921, %get3A_922] {strides = array<i32>} : memref<64x768xf32, #tpu.memory_space<vmem>>, vector<16xf32>,
        %mul3A_924 = arith.mulf %gather3A_770, %get3A_923 : vector<16xf32>
        %add3A_925 = arith.addf %add3A_678, %mul3A_924 : vector<16xf32>
        %get3A_926 = arith.index_cast %scan3A_765 : i32 to index
        %get3A_927 = arith.constant 496 : index
        %get3A_928 = tpu.vector_load %arg13[%get3A_926, %get3A_927] {strides = array<i32>} : memref<64x768xf32, #tpu.memory_space<vmem>>, vector<16xf32>,
        %mul3A_929 = arith.mulf %gather3A_770, %get3A_928 : vector<16xf32>
        %add3A_930 = arith.addf %add3A_683, %mul3A_929 : vector<16xf32>
        %get3A_931 = arith.index_cast %scan3A_765 : i32 to index
        %get3A_932 = arith.constant 512 : index
        %get3A_933 = tpu.vector_load %arg13[%get3A_931, %get3A_932] {strides = array<i32>} : memref<64x768xf32, #tpu.memory_space<vmem>>, vector<16xf32>,
        %mul3A_934 = arith.mulf %gather3A_770, %get3A_933 : vector<16xf32>
        %add3A_935 = arith.addf %add3A_688, %mul3A_934 : vector<16xf32>
        %get3A_936 = arith.index_cast %scan3A_765 : i32 to index
        %get3A_937 = arith.constant 528 : index
        %get3A_938 = tpu.vector_load %arg13[%get3A_936, %get3A_937] {strides = array<i32>} : memref<64x768xf32, #tpu.memory_space<vmem>>, vector<16xf32>,
        %mul3A_939 = arith.mulf %gather3A_770, %get3A_938 : vector<16xf32>
        %add3A_940 = arith.addf %add3A_693, %mul3A_939 : vector<16xf32>
        %get3A_941 = arith.index_cast %scan3A_765 : i32 to index
        %get3A_942 = arith.constant 544 : index
        %get3A_943 = tpu.vector_load %arg13[%get3A_941, %get3A_942] {strides = array<i32>} : memref<64x768xf32, #tpu.memory_space<vmem>>, vector<16xf32>,
        %mul3A_944 = arith.mulf %gather3A_770, %get3A_943 : vector<16xf32>
        %add3A_945 = arith.addf %add3A_698, %mul3A_944 : vector<16xf32>
        %get3A_946 = arith.index_cast %scan3A_765 : i32 to index
        %get3A_947 = arith.constant 560 : index
        %get3A_948 = tpu.vector_load %arg13[%get3A_946, %get3A_947] {strides = array<i32>} : memref<64x768xf32, #tpu.memory_space<vmem>>, vector<16xf32>,
        %mul3A_949 = arith.mulf %gather3A_770, %get3A_948 : vector<16xf32>
        %add3A_950 = arith.addf %add3A_703, %mul3A_949 : vector<16xf32>
        %get3A_951 = arith.index_cast %scan3A_765 : i32 to index
        %get3A_952 = arith.constant 576 : index
        %get3A_953 = tpu.vector_load %arg13[%get3A_951, %get3A_952] {strides = array<i32>} : memref<64x768xf32, #tpu.memory_space<vmem>>, vector<16xf32>,
        %mul3A_954 = arith.mulf %gather3A_770, %get3A_953 : vector<16xf32>
        %add3A_955 = arith.addf %add3A_708, %mul3A_954 : vector<16xf32>
        %get3A_956 = arith.index_cast %scan3A_765 : i32 to index
        %get3A_957 = arith.constant 592 : index
        %get3A_958 = tpu.vector_load %arg13[%get3A_956, %get3A_957] {strides = array<i32>} : memref<64x768xf32, #tpu.memory_space<vmem>>, vector<16xf32>,
        %mul3A_959 = arith.mulf %gather3A_770, %get3A_958 : vector<16xf32>
        %add3A_960 = arith.addf %add3A_713, %mul3A_959 : vector<16xf32>
        %get3A_961 = arith.index_cast %scan3A_765 : i32 to index
        %get3A_962 = arith.constant 608 : index
        %get3A_963 = tpu.vector_load %arg13[%get3A_961, %get3A_962] {strides = array<i32>} : memref<64x768xf32, #tpu.memory_space<vmem>>, vector<16xf32>,
        %mul3A_964 = arith.mulf %gather3A_770, %get3A_963 : vector<16xf32>
        %add3A_965 = arith.addf %add3A_718, %mul3A_964 : vector<16xf32>
        %get3A_966 = arith.index_cast %scan3A_765 : i32 to index
        %get3A_967 = arith.constant 624 : index
        %get3A_968 = tpu.vector_load %arg13[%get3A_966, %get3A_967] {strides = array<i32>} : memref<64x768xf32, #tpu.memory_space<vmem>>, vector<16xf32>,
        %mul3A_969 = arith.mulf %gather3A_770, %get3A_968 : vector<16xf32>
        %add3A_970 = arith.addf %add3A_723, %mul3A_969 : vector<16xf32>
        %get3A_971 = arith.index_cast %scan3A_765 : i32 to index
        %get3A_972 = arith.constant 640 : index
        %get3A_973 = tpu.vector_load %arg13[%get3A_971, %get3A_972] {strides = array<i32>} : memref<64x768xf32, #tpu.memory_space<vmem>>, vector<16xf32>,
        %mul3A_974 = arith.mulf %gather3A_770, %get3A_973 : vector<16xf32>
        %add3A_975 = arith.addf %add3A_728, %mul3A_974 : vector<16xf32>
        %get3A_976 = arith.index_cast %scan3A_765 : i32 to index
        %get3A_977 = arith.constant 656 : index
        %get3A_978 = tpu.vector_load %arg13[%get3A_976, %get3A_977] {strides = array<i32>} : memref<64x768xf32, #tpu.memory_space<vmem>>, vector<16xf32>,
        %mul3A_979 = arith.mulf %gather3A_770, %get3A_978 : vector<16xf32>
        %add3A_980 = arith.addf %add3A_733, %mul3A_979 : vector<16xf32>
        %get3A_981 = arith.index_cast %scan3A_765 : i32 to index
        %get3A_982 = arith.constant 672 : index
        %get3A_983 = tpu.vector_load %arg13[%get3A_981, %get3A_982] {strides = array<i32>} : memref<64x768xf32, #tpu.memory_space<vmem>>, vector<16xf32>,
        %mul3A_984 = arith.mulf %gather3A_770, %get3A_983 : vector<16xf32>
        %add3A_985 = arith.addf %add3A_738, %mul3A_984 : vector<16xf32>
        %get3A_986 = arith.index_cast %scan3A_765 : i32 to index
        %get3A_987 = arith.constant 688 : index
        %get3A_988 = tpu.vector_load %arg13[%get3A_986, %get3A_987] {strides = array<i32>} : memref<64x768xf32, #tpu.memory_space<vmem>>, vector<16xf32>,
        %mul3A_989 = arith.mulf %gather3A_770, %get3A_988 : vector<16xf32>
        %add3A_990 = arith.addf %add3A_743, %mul3A_989 : vector<16xf32>
        %get3A_991 = arith.index_cast %scan3A_765 : i32 to index
        %get3A_992 = arith.constant 704 : index
        %get3A_993 = tpu.vector_load %arg13[%get3A_991, %get3A_992] {strides = array<i32>} : memref<64x768xf32, #tpu.memory_space<vmem>>, vector<16xf32>,
        %mul3A_994 = arith.mulf %gather3A_770, %get3A_993 : vector<16xf32>
        %add3A_995 = arith.addf %add3A_748, %mul3A_994 : vector<16xf32>
        %get3A_996 = arith.index_cast %scan3A_765 : i32 to index
        %get3A_997 = arith.constant 720 : index
        %get3A_998 = tpu.vector_load %arg13[%get3A_996, %get3A_997] {strides = array<i32>} : memref<64x768xf32, #tpu.memory_space<vmem>>, vector<16xf32>,
        %mul3A_999 = arith.mulf %gather3A_770, %get3A_998 : vector<16xf32>
        %add3A_1000 = arith.addf %add3A_753, %mul3A_999 : vector<16xf32>
        %get3A_1001 = arith.index_cast %scan3A_765 : i32 to index
        %get3A_1002 = arith.constant 736 : index
        %get3A_1003 = tpu.vector_load %arg13[%get3A_1001, %get3A_1002] {strides = array<i32>} : memref<64x768xf32, #tpu.memory_space<vmem>>, vector<16xf32>,
        %mul3A_1004 = arith.mulf %gather3A_770, %get3A_1003 : vector<16xf32>
        %add3A_1005 = arith.addf %add3A_758, %mul3A_1004 : vector<16xf32>
        %get3A_1006 = arith.index_cast %scan3A_765 : i32 to index
        %get3A_1007 = arith.constant 752 : index
        %get3A_1008 = tpu.vector_load %arg13[%get3A_1006, %get3A_1007] {strides = array<i32>} : memref<64x768xf32, #tpu.memory_space<vmem>>, vector<16xf32>,
        %mul3A_1009 = arith.mulf %gather3A_770, %get3A_1008 : vector<16xf32>
        %add3A_1010 = arith.addf %add3A_763, %mul3A_1009 : vector<16xf32>
        scf.yield %add3A_775, %add3A_780, %add3A_785, %add3A_790, %add3A_795, %add3A_800, %add3A_805, %add3A_810, %add3A_815, %add3A_820, %add3A_825, %add3A_830, %add3A_835, %add3A_840, %add3A_845, %add3A_850, %add3A_855, %add3A_860, %add3A_865, %add3A_870, %add3A_875, %add3A_880, %add3A_885, %add3A_890, %add3A_895, %add3A_900, %add3A_905, %add3A_910, %add3A_915, %add3A_920, %add3A_925, %add3A_930, %add3A_935, %add3A_940, %add3A_945, %add3A_950, %add3A_955, %add3A_960, %add3A_965, %add3A_970, %add3A_975, %add3A_980, %add3A_985, %add3A_990, %add3A_995, %add3A_1000, %add3A_1005, %add3A_1010 : vector<16xf32>, vector<16xf32>, vector<16xf32>, vector<16xf32>, vector<16xf32>, vector<16xf32>, vector<16xf32>, vector<16xf32>, vector<16xf32>, vector<16xf32>, vector<16xf32>, vector<16xf32>, vector<16xf32>, vector<16xf32>, vector<16xf32>, vector<16xf32>, vector<16xf32>, vector<16xf32>, vector<16xf32>, vector<16xf32>, vector<16xf32>, vector<16xf32>, vector<16xf32>, vector<16xf32>, vector<16xf32>, vector<16xf32>, vector<16xf32>, vector<16xf32>, vector<16xf32>, vector<16xf32>, vector<16xf32>, vector<16xf32>, vector<16xf32>, vector<16xf32>, vector<16xf32>, vector<16xf32>, vector<16xf32>, vector<16xf32>, vector<16xf32>, vector<16xf32>, vector<16xf32>, vector<16xf32>, vector<16xf32>, vector<16xf32>, vector<16xf32>, vector<16xf32>, vector<16xf32>, vector<16xf32>
      }
      %scan3A_373 = arith.constant 64 : i32
      %swap3A_374 = arith.constant 0 : index
      %swap3A_375 = tpu.vector_load %arg14[%swap3A_374] {strides = array<i32>} : memref<768xf32, #tpu.memory_space<vmem>>, vector<16xf32>,
      tpu.vector_store %arg14[%swap3A_374], %scan3A_372#0 {strides = array<i32>} : memref<768xf32, #tpu.memory_space<vmem>>, vector<16xf32>,
      %swap3A_376 = arith.constant 16 : index
      %swap3A_377 = tpu.vector_load %arg14[%swap3A_376] {strides = array<i32>} : memref<768xf32, #tpu.memory_space<vmem>>, vector<16xf32>,
      tpu.vector_store %arg14[%swap3A_376], %scan3A_372#1 {strides = array<i32>} : memref<768xf32, #tpu.memory_space<vmem>>, vector<16xf32>,
      %swap3A_378 = arith.constant 32 : index
      %swap3A_379 = tpu.vector_load %arg14[%swap3A_378] {strides = array<i32>} : memref<768xf32, #tpu.memory_space<vmem>>, vector<16xf32>,
      tpu.vector_store %arg14[%swap3A_378], %scan3A_372#2 {strides = array<i32>} : memref<768xf32, #tpu.memory_space<vmem>>, vector<16xf32>,
      %swap3A_380 = arith.constant 48 : index
      %swap3A_381 = tpu.vector_load %arg14[%swap3A_380] {strides = array<i32>} : memref<768xf32, #tpu.memory_space<vmem>>, vector<16xf32>,
      tpu.vector_store %arg14[%swap3A_380], %scan3A_372#3 {strides = array<i32>} : memref<768xf32, #tpu.memory_space<vmem>>, vector<16xf32>,
      %swap3A_382 = arith.constant 64 : index
      %swap3A_383 = tpu.vector_load %arg14[%swap3A_382] {strides = array<i32>} : memref<768xf32, #tpu.memory_space<vmem>>, vector<16xf32>,
      tpu.vector_store %arg14[%swap3A_382], %scan3A_372#4 {strides = array<i32>} : memref<768xf32, #tpu.memory_space<vmem>>, vector<16xf32>,
      %swap3A_384 = arith.constant 80 : index
      %swap3A_385 = tpu.vector_load %arg14[%swap3A_384] {strides = array<i32>} : memref<768xf32, #tpu.memory_space<vmem>>, vector<16xf32>,
      tpu.vector_store %arg14[%swap3A_384], %scan3A_372#5 {strides = array<i32>} : memref<768xf32, #tpu.memory_space<vmem>>, vector<16xf32>,
      %swap3A_386 = arith.constant 96 : index
      %swap3A_387 = tpu.vector_load %arg14[%swap3A_386] {strides = array<i32>} : memref<768xf32, #tpu.memory_space<vmem>>, vector<16xf32>,
      tpu.vector_store %arg14[%swap3A_386], %scan3A_372#6 {strides = array<i32>} : memref<768xf32, #tpu.memory_space<vmem>>, vector<16xf32>,
      %swap3A_388 = arith.constant 112 : index
      %swap3A_389 = tpu.vector_load %arg14[%swap3A_388] {strides = array<i32>} : memref<768xf32, #tpu.memory_space<vmem>>, vector<16xf32>,
      tpu.vector_store %arg14[%swap3A_388], %scan3A_372#7 {strides = array<i32>} : memref<768xf32, #tpu.memory_space<vmem>>, vector<16xf32>,
      %swap3A_390 = arith.constant 128 : index
      %swap3A_391 = tpu.vector_load %arg14[%swap3A_390] {strides = array<i32>} : memref<768xf32, #tpu.memory_space<vmem>>, vector<16xf32>,
      tpu.vector_store %arg14[%swap3A_390], %scan3A_372#8 {strides = array<i32>} : memref<768xf32, #tpu.memory_space<vmem>>, vector<16xf32>,
      %swap3A_392 = arith.constant 144 : index
      %swap3A_393 = tpu.vector_load %arg14[%swap3A_392] {strides = array<i32>} : memref<768xf32, #tpu.memory_space<vmem>>, vector<16xf32>,
      tpu.vector_store %arg14[%swap3A_392], %scan3A_372#9 {strides = array<i32>} : memref<768xf32, #tpu.memory_space<vmem>>, vector<16xf32>,
      %swap3A_394 = arith.constant 160 : index
      %swap3A_395 = tpu.vector_load %arg14[%swap3A_394] {strides = array<i32>} : memref<768xf32, #tpu.memory_space<vmem>>, vector<16xf32>,
      tpu.vector_store %arg14[%swap3A_394], %scan3A_372#10 {strides = array<i32>} : memref<768xf32, #tpu.memory_space<vmem>>, vector<16xf32>,
      %swap3A_396 = arith.constant 176 : index
      %swap3A_397 = tpu.vector_load %arg14[%swap3A_396] {strides = array<i32>} : memref<768xf32, #tpu.memory_space<vmem>>, vector<16xf32>,
      tpu.vector_store %arg14[%swap3A_396], %scan3A_372#11 {strides = array<i32>} : memref<768xf32, #tpu.memory_space<vmem>>, vector<16xf32>,
      %swap3A_398 = arith.constant 192 : index
      %swap3A_399 = tpu.vector_load %arg14[%swap3A_398] {strides = array<i32>} : memref<768xf32, #tpu.memory_space<vmem>>, vector<16xf32>,
      tpu.vector_store %arg14[%swap3A_398], %scan3A_372#12 {strides = array<i32>} : memref<768xf32, #tpu.memory_space<vmem>>, vector<16xf32>,
      %swap3A_400 = arith.constant 208 : index
      %swap3A_401 = tpu.vector_load %arg14[%swap3A_400] {strides = array<i32>} : memref<768xf32, #tpu.memory_space<vmem>>, vector<16xf32>,
      tpu.vector_store %arg14[%swap3A_400], %scan3A_372#13 {strides = array<i32>} : memref<768xf32, #tpu.memory_space<vmem>>, vector<16xf32>,
      %swap3A_402 = arith.constant 224 : index
      %swap3A_403 = tpu.vector_load %arg14[%swap3A_402] {strides = array<i32>} : memref<768xf32, #tpu.memory_space<vmem>>, vector<16xf32>,
      tpu.vector_store %arg14[%swap3A_402], %scan3A_372#14 {strides = array<i32>} : memref<768xf32, #tpu.memory_space<vmem>>, vector<16xf32>,
      %swap3A_404 = arith.constant 240 : index
      %swap3A_405 = tpu.vector_load %arg14[%swap3A_404] {strides = array<i32>} : memref<768xf32, #tpu.memory_space<vmem>>, vector<16xf32>,
      tpu.vector_store %arg14[%swap3A_404], %scan3A_372#15 {strides = array<i32>} : memref<768xf32, #tpu.memory_space<vmem>>, vector<16xf32>,
      %swap3A_406 = arith.constant 256 : index
      %swap3A_407 = tpu.vector_load %arg14[%swap3A_406] {strides = array<i32>} : memref<768xf32, #tpu.memory_space<vmem>>, vector<16xf32>,
      tpu.vector_store %arg14[%swap3A_406], %scan3A_372#16 {strides = array<i32>} : memref<768xf32, #tpu.memory_space<vmem>>, vector<16xf32>,
      %swap3A_408 = arith.constant 272 : index
      %swap3A_409 = tpu.vector_load %arg14[%swap3A_408] {strides = array<i32>} : memref<768xf32, #tpu.memory_space<vmem>>, vector<16xf32>,
      tpu.vector_store %arg14[%swap3A_408], %scan3A_372#17 {strides = array<i32>} : memref<768xf32, #tpu.memory_space<vmem>>, vector<16xf32>,
      %swap3A_410 = arith.constant 288 : index
      %swap3A_411 = tpu.vector_load %arg14[%swap3A_410] {strides = array<i32>} : memref<768xf32, #tpu.memory_space<vmem>>, vector<16xf32>,
      tpu.vector_store %arg14[%swap3A_410], %scan3A_372#18 {strides = array<i32>} : memref<768xf32, #tpu.memory_space<vmem>>, vector<16xf32>,
      %swap3A_412 = arith.constant 304 : index
      %swap3A_413 = tpu.vector_load %arg14[%swap3A_412] {strides = array<i32>} : memref<768xf32, #tpu.memory_space<vmem>>, vector<16xf32>,
      tpu.vector_store %arg14[%swap3A_412], %scan3A_372#19 {strides = array<i32>} : memref<768xf32, #tpu.memory_space<vmem>>, vector<16xf32>,
      %swap3A_414 = arith.constant 320 : index
      %swap3A_415 = tpu.vector_load %arg14[%swap3A_414] {strides = array<i32>} : memref<768xf32, #tpu.memory_space<vmem>>, vector<16xf32>,
      tpu.vector_store %arg14[%swap3A_414], %scan3A_372#20 {strides = array<i32>} : memref<768xf32, #tpu.memory_space<vmem>>, vector<16xf32>,
      %swap3A_416 = arith.constant 336 : index
      %swap3A_417 = tpu.vector_load %arg14[%swap3A_416] {strides = array<i32>} : memref<768xf32, #tpu.memory_space<vmem>>, vector<16xf32>,
      tpu.vector_store %arg14[%swap3A_416], %scan3A_372#21 {strides = array<i32>} : memref<768xf32, #tpu.memory_space<vmem>>, vector<16xf32>,
      %swap3A_418 = arith.constant 352 : index
      %swap3A_419 = tpu.vector_load %arg14[%swap3A_418] {strides = array<i32>} : memref<768xf32, #tpu.memory_space<vmem>>, vector<16xf32>,
      tpu.vector_store %arg14[%swap3A_418], %scan3A_372#22 {strides = array<i32>} : memref<768xf32, #tpu.memory_space<vmem>>, vector<16xf32>,
      %swap3A_420 = arith.constant 368 : index
      %swap3A_421 = tpu.vector_load %arg14[%swap3A_420] {strides = array<i32>} : memref<768xf32, #tpu.memory_space<vmem>>, vector<16xf32>,
      tpu.vector_store %arg14[%swap3A_420], %scan3A_372#23 {strides = array<i32>} : memref<768xf32, #tpu.memory_space<vmem>>, vector<16xf32>,
      %swap3A_422 = arith.constant 384 : index
      %swap3A_423 = tpu.vector_load %arg14[%swap3A_422] {strides = array<i32>} : memref<768xf32, #tpu.memory_space<vmem>>, vector<16xf32>,
      tpu.vector_store %arg14[%swap3A_422], %scan3A_372#24 {strides = array<i32>} : memref<768xf32, #tpu.memory_space<vmem>>, vector<16xf32>,
      %swap3A_424 = arith.constant 400 : index
      %swap3A_425 = tpu.vector_load %arg14[%swap3A_424] {strides = array<i32>} : memref<768xf32, #tpu.memory_space<vmem>>, vector<16xf32>,
      tpu.vector_store %arg14[%swap3A_424], %scan3A_372#25 {strides = array<i32>} : memref<768xf32, #tpu.memory_space<vmem>>, vector<16xf32>,
      %swap3A_426 = arith.constant 416 : index
      %swap3A_427 = tpu.vector_load %arg14[%swap3A_426] {strides = array<i32>} : memref<768xf32, #tpu.memory_space<vmem>>, vector<16xf32>,
      tpu.vector_store %arg14[%swap3A_426], %scan3A_372#26 {strides = array<i32>} : memref<768xf32, #tpu.memory_space<vmem>>, vector<16xf32>,
      %swap3A_428 = arith.constant 432 : index
      %swap3A_429 = tpu.vector_load %arg14[%swap3A_428] {strides = array<i32>} : memref<768xf32, #tpu.memory_space<vmem>>, vector<16xf32>,
      tpu.vector_store %arg14[%swap3A_428], %scan3A_372#27 {strides = array<i32>} : memref<768xf32, #tpu.memory_space<vmem>>, vector<16xf32>,
      %swap3A_430 = arith.constant 448 : index
      %swap3A_431 = tpu.vector_load %arg14[%swap3A_430] {strides = array<i32>} : memref<768xf32, #tpu.memory_space<vmem>>, vector<16xf32>,
      tpu.vector_store %arg14[%swap3A_430], %scan3A_372#28 {strides = array<i32>} : memref<768xf32, #tpu.memory_space<vmem>>, vector<16xf32>,
      %swap3A_432 = arith.constant 464 : index
      %swap3A_433 = tpu.vector_load %arg14[%swap3A_432] {strides = array<i32>} : memref<768xf32, #tpu.memory_space<vmem>>, vector<16xf32>,
      tpu.vector_store %arg14[%swap3A_432], %scan3A_372#29 {strides = array<i32>} : memref<768xf32, #tpu.memory_space<vmem>>, vector<16xf32>,
      %swap3A_434 = arith.constant 480 : index
      %swap3A_435 = tpu.vector_load %arg14[%swap3A_434] {strides = array<i32>} : memref<768xf32, #tpu.memory_space<vmem>>, vector<16xf32>,
      tpu.vector_store %arg14[%swap3A_434], %scan3A_372#30 {strides = array<i32>} : memref<768xf32, #tpu.memory_space<vmem>>, vector<16xf32>,
      %swap3A_436 = arith.constant 496 : index
      %swap3A_437 = tpu.vector_load %arg14[%swap3A_436] {strides = array<i32>} : memref<768xf32, #tpu.memory_space<vmem>>, vector<16xf32>,
      tpu.vector_store %arg14[%swap3A_436], %scan3A_372#31 {strides = array<i32>} : memref<768xf32, #tpu.memory_space<vmem>>, vector<16xf32>,
      %swap3A_438 = arith.constant 512 : index
      %swap3A_439 = tpu.vector_load %arg14[%swap3A_438] {strides = array<i32>} : memref<768xf32, #tpu.memory_space<vmem>>, vector<16xf32>,
      tpu.vector_store %arg14[%swap3A_438], %scan3A_372#32 {strides = array<i32>} : memref<768xf32, #tpu.memory_space<vmem>>, vector<16xf32>,
      %swap3A_440 = arith.constant 528 : index
      %swap3A_441 = tpu.vector_load %arg14[%swap3A_440] {strides = array<i32>} : memref<768xf32, #tpu.memory_space<vmem>>, vector<16xf32>,
      tpu.vector_store %arg14[%swap3A_440], %scan3A_372#33 {strides = array<i32>} : memref<768xf32, #tpu.memory_space<vmem>>, vector<16xf32>,
      %swap3A_442 = arith.constant 544 : index
      %swap3A_443 = tpu.vector_load %arg14[%swap3A_442] {strides = array<i32>} : memref<768xf32, #tpu.memory_space<vmem>>, vector<16xf32>,
      tpu.vector_store %arg14[%swap3A_442], %scan3A_372#34 {strides = array<i32>} : memref<768xf32, #tpu.memory_space<vmem>>, vector<16xf32>,
      %swap3A_444 = arith.constant 560 : index
      %swap3A_445 = tpu.vector_load %arg14[%swap3A_444] {strides = array<i32>} : memref<768xf32, #tpu.memory_space<vmem>>, vector<16xf32>,
      tpu.vector_store %arg14[%swap3A_444], %scan3A_372#35 {strides = array<i32>} : memref<768xf32, #tpu.memory_space<vmem>>, vector<16xf32>,
      %swap3A_446 = arith.constant 576 : index
      %swap3A_447 = tpu.vector_load %arg14[%swap3A_446] {strides = array<i32>} : memref<768xf32, #tpu.memory_space<vmem>>, vector<16xf32>,
      tpu.vector_store %arg14[%swap3A_446], %scan3A_372#36 {strides = array<i32>} : memref<768xf32, #tpu.memory_space<vmem>>, vector<16xf32>,
      %swap3A_448 = arith.constant 592 : index
      %swap3A_449 = tpu.vector_load %arg14[%swap3A_448] {strides = array<i32>} : memref<768xf32, #tpu.memory_space<vmem>>, vector<16xf32>,
      tpu.vector_store %arg14[%swap3A_448], %scan3A_372#37 {strides = array<i32>} : memref<768xf32, #tpu.memory_space<vmem>>, vector<16xf32>,
      %swap3A_450 = arith.constant 608 : index
      %swap3A_451 = tpu.vector_load %arg14[%swap3A_450] {strides = array<i32>} : memref<768xf32, #tpu.memory_space<vmem>>, vector<16xf32>,
      tpu.vector_store %arg14[%swap3A_450], %scan3A_372#38 {strides = array<i32>} : memref<768xf32, #tpu.memory_space<vmem>>, vector<16xf32>,
      %swap3A_452 = arith.constant 624 : index
      %swap3A_453 = tpu.vector_load %arg14[%swap3A_452] {strides = array<i32>} : memref<768xf32, #tpu.memory_space<vmem>>, vector<16xf32>,
      tpu.vector_store %arg14[%swap3A_452], %scan3A_372#39 {strides = array<i32>} : memref<768xf32, #tpu.memory_space<vmem>>, vector<16xf32>,
      %swap3A_454 = arith.constant 640 : index
      %swap3A_455 = tpu.vector_load %arg14[%swap3A_454] {strides = array<i32>} : memref<768xf32, #tpu.memory_space<vmem>>, vector<16xf32>,
      tpu.vector_store %arg14[%swap3A_454], %scan3A_372#40 {strides = array<i32>} : memref<768xf32, #tpu.memory_space<vmem>>, vector<16xf32>,
      %swap3A_456 = arith.constant 656 : index
      %swap3A_457 = tpu.vector_load %arg14[%swap3A_456] {strides = array<i32>} : memref<768xf32, #tpu.memory_space<vmem>>, vector<16xf32>,
      tpu.vector_store %arg14[%swap3A_456], %scan3A_372#41 {strides = array<i32>} : memref<768xf32, #tpu.memory_space<vmem>>, vector<16xf32>,
      %swap3A_458 = arith.constant 672 : index
      %swap3A_459 = tpu.vector_load %arg14[%swap3A_458] {strides = array<i32>} : memref<768xf32, #tpu.memory_space<vmem>>, vector<16xf32>,
      tpu.vector_store %arg14[%swap3A_458], %scan3A_372#42 {strides = array<i32>} : memref<768xf32, #tpu.memory_space<vmem>>, vector<16xf32>,
      %swap3A_460 = arith.constant 688 : index
      %swap3A_461 = tpu.vector_load %arg14[%swap3A_460] {strides = array<i32>} : memref<768xf32, #tpu.memory_space<vmem>>, vector<16xf32>,
      tpu.vector_store %arg14[%swap3A_460], %scan3A_372#43 {strides = array<i32>} : memref<768xf32, #tpu.memory_space<vmem>>, vector<16xf32>,
      %swap3A_462 = arith.constant 704 : index
      %swap3A_463 = tpu.vector_load %arg14[%swap3A_462] {strides = array<i32>} : memref<768xf32, #tpu.memory_space<vmem>>, vector<16xf32>,
      tpu.vector_store %arg14[%swap3A_462], %scan3A_372#44 {strides = array<i32>} : memref<768xf32, #tpu.memory_space<vmem>>, vector<16xf32>,
      %swap3A_464 = arith.constant 720 : index
      %swap3A_465 = tpu.vector_load %arg14[%swap3A_464] {strides = array<i32>} : memref<768xf32, #tpu.memory_space<vmem>>, vector<16xf32>,
      tpu.vector_store %arg14[%swap3A_464], %scan3A_372#45 {strides = array<i32>} : memref<768xf32, #tpu.memory_space<vmem>>, vector<16xf32>,
      %swap3A_466 = arith.constant 736 : index
      %swap3A_467 = tpu.vector_load %arg14[%swap3A_466] {strides = array<i32>} : memref<768xf32, #tpu.memory_space<vmem>>, vector<16xf32>,
      tpu.vector_store %arg14[%swap3A_466], %scan3A_372#46 {strides = array<i32>} : memref<768xf32, #tpu.memory_space<vmem>>, vector<16xf32>,
      %swap3A_468 = arith.constant 752 : index
      %swap3A_469 = tpu.vector_load %arg14[%swap3A_468] {strides = array<i32>} : memref<768xf32, #tpu.memory_space<vmem>>, vector<16xf32>,
      tpu.vector_store %arg14[%swap3A_468], %scan3A_372#47 {strides = array<i32>} : memref<768xf32, #tpu.memory_space<vmem>>, vector<16xf32>,
      "tpu.region"() ({
        %run_scoped3A = tpu.sem_alloc : memref<!tpu.dma_semaphore, #tpu.memory_space<semaphore_mem>>
        %dma_start3A_471 = arith.constant 0 : i32
        %dma_start3A_472 = tpu.memref_slice %arg5[%add3A_26, %dma_start3A_471] : memref<8192x768xf32, #tpu.memory_space<hbm>> -> memref<1x768xf32, #tpu.memory_space<hbm>>
        %dma_start3A_473 = tpu.memref_squeeze %dma_start3A_472 : memref<1x768xf32, #tpu.memory_space<hbm>> -> memref<768xf32, #tpu.memory_space<hbm>>
        %dma_start3A_474 = arith.constant 0 : i32
        %dma_start3A_475 = tpu.memref_slice %arg5[%add3A_26, %dma_start3A_474] : memref<8192x768xf32, #tpu.memory_space<hbm>> -> memref<1x768xf32, #tpu.memory_space<hbm>>
        %dma_start3A_476 = tpu.memref_squeeze %dma_start3A_475 : memref<1x768xf32, #tpu.memory_space<hbm>> -> memref<768xf32, #tpu.memory_space<hbm>>
        tpu.enqueue_dma source(%arg14 : memref<768xf32, #tpu.memory_space<vmem>>) target(%dma_start3A_476 : memref<768xf32, #tpu.memory_space<hbm>>) target_semaphore(%run_scoped3A : memref<!tpu.dma_semaphore, #tpu.memory_space<semaphore_mem>>)
        %dma_wait3A_477 = arith.constant 0 : i32
        %dma_wait3A_478 = tpu.memref_slice %arg5[%add3A_26, %dma_wait3A_477] : memref<8192x768xf32, #tpu.memory_space<hbm>> -> memref<1x768xf32, #tpu.memory_space<hbm>>
        %dma_wait3A_479 = tpu.memref_squeeze %dma_wait3A_478 : memref<1x768xf32, #tpu.memory_space<hbm>> -> memref<768xf32, #tpu.memory_space<hbm>>
        %dma_wait3A_480 = arith.constant 0 : i32
        %dma_wait3A_481 = tpu.memref_slice %arg5[%add3A_26, %dma_wait3A_480] : memref<8192x768xf32, #tpu.memory_space<hbm>> -> memref<1x768xf32, #tpu.memory_space<hbm>>
        %dma_wait3A_482 = tpu.memref_squeeze %dma_wait3A_481 : memref<1x768xf32, #tpu.memory_space<hbm>> -> memref<768xf32, #tpu.memory_space<hbm>>
        tpu.wait_dma2 semaphore(%run_scoped3A : memref<!tpu.dma_semaphore, #tpu.memory_space<semaphore_mem>>) src(%arg14 : memref<768xf32, #tpu.memory_space<vmem>>) dst(%dma_wait3A_482 : memref<768xf32, #tpu.memory_space<hbm>>)
        tpu.yield
      }) : () -> ()
      %scan3A_470 = arith.constant 0 : i32
      scf.yield %scan3A_470 : i32
    }
    %scan3A_23 = arith.constant 256 : i32
    return
  }
}

module attributes {stable_mosaic.version = 14 : i64} {
  func.func @_encode_body(%arg0: i32, %arg1: i32, %arg2: memref<512x768xf32, #tpu.memory_space<vmem>>, %arg3: memref<768x2048xf32, #tpu.memory_space<vmem>>, %arg4: memref<1x2048xf32, #tpu.memory_space<vmem>>, %arg5: memref<512x2048xf32, #tpu.memory_space<vmem>>) attributes {dimension_semantics = [#tpu.dimension_semantics<arbitrary>, #tpu.dimension_semantics<arbitrary>], iteration_bounds = array<i64: 16, 12>, scalar_prefetch = 0 : i64, scratch_operands = 0 : i64, tpu.core_type = #tpu.core_type<tc>, window_params = [{transform_indices = @transform_0, window_bounds = array<i64: 512, 768>}, {transform_indices = @transform_1, window_bounds = array<i64: 768, 2048>}, {transform_indices = @transform_2, window_bounds = array<i64: 1, 2048>}, {transform_indices = @transform_3, window_bounds = array<i64: 512, 2048>}]} {
    %get3A = arith.constant 0 : index
    %get3A_0 = arith.constant 0 : index
    %get3A_1 = vector.load %arg2[%get3A, %get3A_0] : memref<512x768xf32, #tpu.memory_space<vmem>>, vector<512x768xf32>
    %get3A_2 = arith.constant 0 : index
    %get3A_3 = arith.constant 0 : index
    %get3A_4 = vector.load %arg3[%get3A_2, %get3A_3] : memref<768x2048xf32, #tpu.memory_space<vmem>>, vector<768x2048xf32>
    %dot_general3A = arith.constant dense<0.000000e+00> : vector<512x2048xf32>
    %dot_general3A_5 = tpu.matmul %get3A_1, %get3A_4, %dot_general3A {dimension_numbers = #tpu.dot_dimension_numbers<[1], [0], [0], [1], [0, 0, 1, 1], [], []>, transpose_lhs_hint = false} : vector<512x768xf32>, vector<768x2048xf32>, vector<512x2048xf32> -> vector<512x2048xf32>
    %get3A_6 = arith.constant 0 : index
    %get3A_7 = arith.constant 0 : index
    %get3A_8 = vector.load %arg4[%get3A_6, %get3A_7] : memref<1x2048xf32, #tpu.memory_space<vmem>>, vector<1x2048xf32>
    %add3A = vector.broadcast %get3A_8 : vector<1x2048xf32> to vector<512x2048xf32>
    %add3A_9 = arith.addf %dot_general3A_5, %add3A : vector<512x2048xf32>
    %swap3A = arith.constant 0 : index
    %swap3A_10 = arith.constant 0 : index
    %swap3A_11 = vector.load %arg5[%swap3A, %swap3A_10] : memref<512x2048xf32, #tpu.memory_space<vmem>>, vector<512x2048xf32>
    tpu.vector_store %arg5[%swap3A, %swap3A_10], %add3A_9 {strides = array<i32>} : memref<512x2048xf32, #tpu.memory_space<vmem>>, vector<512x2048xf32>,
    return
  }
  func.func @transform_0(%arg0: i32, %arg1: i32) -> (i32, i32) {
    %c0_i32 = arith.constant 0 : i32
    %c0_i32_0 = arith.constant 0 : i32
    return %arg0, %c0_i32 : i32, i32
  }
  func.func @transform_1(%arg0: i32, %arg1: i32) -> (i32, i32) {
    %c0_i32 = arith.constant 0 : i32
    %c0_i32_0 = arith.constant 0 : i32
    return %c0_i32, %arg1 : i32, i32
  }
  func.func @transform_2(%arg0: i32, %arg1: i32) -> (i32, i32) {
    %c0_i32 = arith.constant 0 : i32
    %c0_i32_0 = arith.constant 0 : i32
    return %c0_i32, %arg1 : i32, i32
  }
  func.func @transform_3(%arg0: i32, %arg1: i32) -> (i32, i32) {
    %c0_i32 = arith.constant 0 : i32
    return %arg0, %arg1 : i32, i32
  }
}

</mosaic_0001>

<sc_bundles>
// kernel: kernel.4.cloned.1.call-start
scs
__scs_entry_jumppad:
0x0: {  	(pc) =	sbr.rel $0x88, $3  }
0x1: {  	(tag) =	ssettag $0x0;
	lr =	simm.s32 $0x1  }
0x2: {  	[smem:$0x3F9C] =	sst lr;
	_ =	strace $0xD0000000  }
0x3: {  	_ = 	snop  }
0x4: {  	_ = 	snop  }
0x5: {  	_ = 	snop  }
0x6: {  	_ = 	snop  }
0x7: {  	_ = 	snop  }
__scs_overlays_trampoline_lowered:
0x8: {  	[smem:$0x3FAB] =	sst s0  }
0x9: {  	[smem:$0x3FAC] =	sst s1  }
0xa: {  	[smem:$0x3FAD] =	sst s2  }
0xb: {  	[smem:$0x3FAE] =	sst s3  }
0xc: {  	[smem:$0x3FAF] =	sst s4  }
0xd: {  	[smem:$0x3FB0] =	sst s5  }
0xe: {  	[smem:$0x3FB1] =	sst s6  }
0xf: {  	[smem:$0x3FB2] =	sst s7  }
0x10: {  	[smem:$0x3FB3] =	sst s8  }
0x11: {  	[smem:$0x3FB4] =	sst s9;
	s0 =	simm.s32 @!p0 $0x0  }
0x12: {  	s1 =	sld [smem:$0x3F9A];
	s0 =	simm.s32 @p0 $0x1  }
0x13: {  	[smem:$0x3FB5] =	sst s0;
	s0 =	simm.s32 @!p1 $0x0  }
0x14: {  	s2 =	sld [smem:$0x3F99];
	s0 =	simm.s32 @p1 $0x1  }
0x15: {  	[smem:$0x3FB6] =	sst s0;
	s0 =	simm.s32 @!p2 $0x0  }
0x16: {  	s3 =	sld [smem:$0x3FDB];
	s0 =	simm.s32 @p2 $0x1  }
0x17: {  	s4 =	simm.s32 $0x1BF5;
	[smem:$0x3FB8] =	sst s0  }
0x18: {  	s0 =	sld [smem:$0x3F9B];
	_ =	swait.ge [sflag:s4], $0x0  }
0x19: {  	s7 =	sld [smem:$0x3F9C]  }
0x1a: {  	s8 =	sadd.s32 $0xFFFFE003, lr  }
0x1b: {  	s9 =	sadd.s32 $0xFFFFFEF7, lr;
	s5 =	simm.s32 $0xFFFFFFFF;
	p2 =	slt.u32 s8, $0xFFFFF086  }
0x1c: {  	p1 =	slt.u32 s9, $0xF7A;
	s5 =	simm.s32 @!p2 $0x0  }
0x1d: {  	s5 =	simm.s32 @p1 $0x1;
	p0 =	seq.s32 s7, s2  }
0x1e: {  	s7 =	smul.u32 @!p0 $0xF7A, s2;
	p2 =	seq.s32 @!p0 s5, $0x0  }
0x1f: {  	s9 =	smul.u32 $0xF7A, s1;
	s8 =	simm.s32 @!p0 $0x1BF5;
	p2 =	por !p2, p0  }
0x20: {  	[sflag:s8] =	ssyncset.s32 @!p0 $0xFFFFF086;
	s6 =	sadd.s32 @!p0 s3, s7;
	s7 =	simm.s32 @!p0 $0x108  }
0x21: {  	s3 =	sadd.s32 s3, s9;
	s6 =	sadd.s32 @!p0 $0x88, s6;
	s7 =	simm.s32 @p2 $0x1082  }
0x22: {  	[simem:s7], [sflag:s8] =	dma.local @!p0 [hbm:s6], $0xF7A  }
0x23: {  	s9 =	sor.u32 $0xD0000000, s2;
	s6 =	simm.s32 $0x108;
	_ =	swait.ge @!p0 [sflag:s8], $0x0  }
0x24: {  	s3 =	sadd.s32 $0x88, s3;
	s6 =	simm.s32 @!p1 $0x1082;
	[sflag:s4] =	ssyncset.s32 $0xFFFFF086  }
0x25: {  	[simem:s6], [sflag:s4] =	dma.local [hbm:s3], $0xF7A  }
0x26: {  	[smem:$0x3F9C] =	sst s1;
	(tag) =	ssettag s2;
	_ =	strace s9  }
0x27: {  	s1 =	sld [smem:$0x3FAC]  }
0x28: {  	s2 =	sld [smem:$0x3FAD]  }
0x29: {  	s4 =	sld [smem:$0x3FAF]  }
0x2a: {  	p0 =	seq.s32 s5, $0x0;
	s5 =	sld [smem:$0x3FB0]  }
0x2b: {  	s6 =	sld [smem:$0x3FB1]  }
0x2c: {  	s7 =	sld [smem:$0x3FB2]  }
0x2d: {  	s3 =	simm.s32 $0x108;
	s8 =	sld [smem:$0x3FB3]  }
0x2e: {  	s3 =	simm.s32 @!p0 $0x1082;
	s9 =	sld [smem:$0x3FB4]  }
0x2f: {  	lr =	sadd.s32 s0, s3;
	s0 =	sld [smem:$0x3FAB]  }
0x30: {  	s3 =	sld [smem:$0x3FAE]  }
0x31: {  	[smem:$0x3FB7] =	sst s10  }
0x32: {  	s10 =	sld [smem:$0x3FB5];
	_ =	sdelay $0x3  }
0x33: {  	p0 =	seq.s32 s10, $0x1;
	s10 =	sld [smem:$0x3FB7];
	_ =	sdelay $0x3  }
0x34: {  	[smem:$0x3FB7] =	sst s10  }
0x35: {  	s10 =	sld [smem:$0x3FB6];
	_ =	sdelay $0x3  }
0x36: {  	p1 =	seq.s32 s10, $0x1;
	s10 =	sld [smem:$0x3FB7];
	_ =	sdelay $0x3  }
0x37: {  	[smem:$0x3FB7] =	sst s10  }
0x38: {  	s10 =	sld [smem:$0x3FB8]  }
0x39: {  	_ = 	snop;
	(pc) =	sbr.ind lr, $3  }
0x3a: {  	_ = 	snop  }
0x3b: {  	_ = 	snop  }
0x3c: {  	p2 =	seq.s32 s10, $0x1;
	s10 =	sld [smem:$0x3FB7]  }
0x3d: {  	_ =	shalt  }
0x3e: {  	_ =	shalt  }
0x3f: {  	_ =	shalt  }
0x40: {  	_ =	shalt  }
0x41: {  	_ =	shalt  }
0x42: {  	_ =	shalt  }
0x43: {  	_ =	shalt  }
0x44: {  	_ =	shalt  }
0x45: {  	_ =	shalt  }
0x46: {  	_ =	shalt  }
0x47: {  	_ =	shalt  }
0x48: {  	_ =	shalt  }
0x49: {  	_ =	shalt  }
0x4a: {  	_ =	shalt  }
0x4b: {  	_ =	shalt  }
0x4c: {  	_ =	shalt  }
0x4d: {  	_ =	shalt  }
0x4e: {  	_ =	shalt  }
0x4f: {  	_ =	shalt  }
0x50: {  	_ =	shalt  }
0x51: {  	_ =	shalt  }
0x52: {  	_ =	shalt  }
0x53: {  	_ =	shalt  }
0x54: {  	_ =	shalt  }
0x55: {  	_ =	shalt  }
0x56: {  	_ =	shalt  }
0x57: {  	_ =	shalt  }
0x58: {  	_ =	shalt  }
0x59: {  	_ =	shalt  }
0x5a: {  	_ =	shalt  }
0x5b: {  	_ =	shalt  }
0x5c: {  	_ =	shalt  }
0x5d: {  	_ =	shalt  }
0x5e: {  	_ =	shalt  }
0x5f: {  	_ =	shalt  }
0x60: {  	_ =	shalt  }
0x61: {  	_ =	shalt  }
0x62: {  	_ =	shalt  }
0x63: {  	_ =	shalt  }
0x64: {  	_ =	shalt  }
0x65: {  	_ =	shalt  }
0x66: {  	_ =	shalt  }
0x67: {  	_ =	shalt  }
0x68: {  	_ =	shalt  }
0x69: {  	_ =	shalt  }
0x6a: {  	_ =	shalt  }
0x6b: {  	_ =	shalt  }
0x6c: {  	_ =	shalt  }
0x6d: {  	_ =	shalt  }
0x6e: {  	_ =	shalt  }
0x6f: {  	_ =	shalt  }
0x70: {  	_ =	shalt  }
0x71: {  	_ =	shalt  }
0x72: {  	_ =	shalt  }
0x73: {  	_ =	shalt  }
0x74: {  	_ =	shalt  }
0x75: {  	_ =	shalt  }
0x76: {  	_ =	shalt  }
0x77: {  	_ =	shalt  }
0x78: {  	_ =	shalt  }
0x79: {  	_ =	shalt  }
0x7a: {  	_ =	shalt  }
0x7b: {  	_ =	shalt  }
0x7c: {  	_ =	shalt  }
0x7d: {  	_ =	shalt  }
0x7e: {  	_ =	shalt  }
0x7f: {  	_ =	shalt  }
0x80: {  	_ =	shalt  }
0x81: {  	_ =	shalt  }
0x82: {  	_ =	shalt  }
0x83: {  	_ =	shalt  }
0x84: {  	_ =	shalt  }
0x85: {  	_ =	shalt  }
0x86: {  	_ =	shalt  }
0x87: {  	_ =	shalt  }
.Lfunc_end0:
.L_simem_size_0:
called_computation_lowered:
.L_overlay_start_0:
0x88: {  	s2 =	sld [smem:$0x3FD9]  }
0x89: {  	s3 =	sld [smem:$0x3FFE];
	_ =	sdelay $0x1  }
0x8a: {  	s1 =	srdreg.scid  }
0x8b: {  	s0 =	sand.u32 $0x1, s1  }
0x8c: {  	s17 =	sshll.u32 s0, $0xA;
	s2 =	sadd.s32 s3, s2  }
0x8d: {  	s2 =	sadd.s32 s2, s17  }
0x8e: {  	[smem:$0x3FC3] =	sst s2  }
0x8f: {  	_ = 	snop  }
0x90: {  	s2 =	sld [smem:$0x3FC6]  }
0x91: {  	s18 =	sld [smem:$0x3FC5]  }
0x92: {  	s4 =	sld [smem:$0x3FD0];
	(tm) =	ssettm $0x1  }
0x93: {  	s5 =	sld [smem:$0x3FFB];
	_ =	sdelay $0x3  }
0x94: {  	_ =	strace s5  }
0x95: {  	s5 =	sld [smem:$0x3FFC];
	_ =	sdelay $0x3  }
0x96: {  	_ =	strace s5  }
0x97: {  	s5 =	sld [smem:$0x3FFD];
	_ =	sdelay $0x3  }
0x98: {  	_ =	strace s5  }
0x99: {  	_ =	strace $0x8FFFFFFF  }
0x9a: {  	s19 =	sld [smem:$0x3FDB];
	_ =	sdelay $0x1  }
0x9b: {  	s6 =	simm.s32 $_scs_section_size  }
0x9c: {  	s7 =	simm.s32 $_size__tile_overlayer_lowered;
	s8 =	simm.s32 $_tile_overlayer_lowered  }
0x9d: {  	s22 =	simm.s32 $0x1BFF;
	s21 =	sshll.u32 s8, $0x1;
	s5 =	sadd.s32 s6, s19  }
0x9e: {  	s9 =	simm.s32 $0x0;
	s20 =	sshll.u32 s7, $0x1;
	s7 =	sadd.s32 s21, s5  }
0x9f: {  	[timem:s9], [sflag:s22] =	dma.local [hbm:s7], s20  }
0xa0: {  	_ =	swait.ge [sflag:s22], s20  }
0xa1: {  	s6 =	ssub.s32 $0x0, s20;
	[sflag:s22] =	ssyncset.done $0x0  }
0xa2: {  	[sflag:s22] =	ssyncadd.s32 s6;
	_ =	sdelay $0x1  }
0xa3: {  	s23 =	simm.s32 $0x1B8B  }
0xa4: {  	_ =	swait.ge [sflag:s23], $0x1  }
0xa5: {  	[sflag:s23] =	ssyncset.done $0x0  }
0xa6: {  	s25 =	simm.s32 $0x1B8E;
	s24 =	sld [smem:$0x3FFE];
	[sflag:s23] =	ssyncadd.s32 $0xFFFFFFFF  }
0xa7: {  	s26 =	simm.s32 $execute0_lowered;
	[smem:$0x3FD2] =	sst s25  }
0xa8: {  	s7 =	sshll.u32 s26, $0x1;
	_ =	strace $0x80000046;
	[dreg:$0x1] =	wrdreg $0xFFFFFFFF  }
0xa9: {  	s28 =	simm.s32 $_size_execute0_lowered;
	s5 =	sadd.s32 s5, s7;
	[dreg:$0x0] =	wrdreg $0x0  }
0xaa: {  	s7 =	sshll.u32 s28, $0x1;
	[dreg:$0x2] =	wrdreg s5  }
0xab: {  	[dreg:$0x3] =	wrdreg s7  }
0xac: {  	[dreg:$0x4] =	wrdreg $0xC0  }
0xad: {  	_ =	task [dreg:s9], $0x5FFFF  }
0xae: {  	[dreg:$0x1] =	wrdreg $0xFFFFFFFF  }
0xaf: {  	[dreg:$0x0] =	wrdreg $0x60  }
0xb0: {  	[dreg:$0x2] =	wrdreg s24  }
0xb1: {  	[dreg:$0x3] =	wrdreg s2  }
0xb2: {  	[dreg:$0x4] =	wrdreg s18  }
0xb3: {  	[dreg:$0x5] =	wrdreg s4  }
0xb4: {  	[dreg:$0x6] =	wrdreg $0x9  }
0xb5: {  	_ =	task.clear_ibuf [dreg:s9], $0x7FFFF;
	_ =	strace $0x90000046  }
0xb6: {  	s29 =	simm.s32 $0x9;
	_ =	strace $0x80000048  }
0xb7: {  	_ =	swait.ge [sflag:s29], $0x1  }
0xb8: {  	[sflag:s29] =	ssyncadd.s32 $0xFFFFFFFF  }
0xb9: {  	_ =	strace $0x90000048  }
0xba: {  	_ =	sfence  }
0xbb: {  	s30 =	sld [smem:$0x0];
	_ =	sdelay $0x2  }
0xbc: {  	s31 =	sshll.u32 s1, $0xD;
	s1 =	sshrl.u32 s1, $0x2  }
0xbd: {  	s3 =	sand.u32 $0x4000, s31;
	s1 =	sadd.s32 s1, s30  }
0xbe: {  	s0 =	sor.u32 s3, s0;
	s1 =	sshll.u32 s1, $0x11  }
0xbf: {  	s0 =	sor.u32 s1, s0  }
0xc0: {  	s0 =	sadd.s32 $0x8F2B, s0  }
0xc1: {  	[sflag:s0] =	ssyncadd.remote.s32 $0x1  }
0xc2: {  	_ =	sfence.sel $0xFFFF  }
0xc3: {  	[dreg:$0x0] =	wrdreg $0xFFFFFFFF;
	(pc) =	sbr.abs _section_cstart, $3  }
0xc4: {  	[dreg:$0x1] =	wrdreg $0xFFFFFFFF  }
0xc5: {  	_ =	task.clear_ibuf [dreg:s9], $0x2FFFF;
	_ =	strace $0x9FFFFFFF  }
0xc6: {  	(tm) =	ssettm $0x7FFFFFFF  }
0xc7: {  	_ =	shalt  }
tec
execute0_lowered:
.L_overlay_start_1:
0x0: {  	(tag) =	ssettag $0x1  }
0x1: {  	s0 =	rddreg [dreg:$0x0]  }
0x2: {  	s1 =	rddreg [dreg:$0x1]  }
0x3: {  	s2 =	srdreg.scid;
	s3 =	stileid.u32;
	s6 =	simm.s32 $0x0  }
0x4: {  	s13 =	simm.s32 $0x3;
	s15 =	simm.s32 $0xC000;
	s16 =	simm.s32 $0xC200  }
0x5: {  	s17 =	simm.s32 $0xC400;
	s18 =	simm.s32 $0xC600;
	v6 =	vlaneseq.u32;
	s2 =	sand.u32 $0x1, s2  }
0x6: {  	s19 =	simm.s32 $0xC800;
	s3 =	sshll.u32 s3, $0x9;
	v0 =	vmul.u32 $0xFFFFFFFF, v6;
	s4 =	sshll.u32 s2, $0x8  }
0x7: {  	s20 =	simm.s32 $0xD800;
	[smem:$0x7FF] =	sst s6;
	s3 =	sor.u32 s4, s3  }
0x8: {  	s21 =	simm.s32 $0xE800;
	s22 =	simm.s32 $0xE880;
	v0 =	vadd.s32 $0xF, v0;
	[dreg:$0x5] =	wrdreg s3  }
0x9: {  	s5 =	sadd.s32 $0x600, s0;
	s2 =	ssub.s32 $0x2, s2;
	_ =	strace $0x80000047;
	[tilespmem:$0x1FFC0] =	vst v0;
	v0 =	vand.u32 $0x7, v6  }
.Ltmp0:
0xa: {  	s30 =	sshrl.u32 s2, $0x1;
	s3 =	sshrl.u32 s3, $0x3;
	[tilespmem:$0x1FFD0] =	vst v0;
	v0 =	vshrl.u32 v6, $0x3;
	(pc) =	sbr.rel .LBB2_1-.Ltmp0, $4  }
0xb: {  	s9 =	sadd.s32 $0x100, s1;
	s31 =	ssub.s32 s2, s30;
	s3 =	smul.u32 $0x6000, s3;
	v0 =	vmul.u32 $0x8, v0  }
0xc: {  	s10 =	sadd.s32 $0x200, s1;
	[dreg:$0x6] =	wrdreg s5;
	s0 =	smax.u32 s31, $0x1  }
0xd: {  	s4 =	simm.s32 $0x0;
	[dreg:$0x8] =	wrdreg s0;
	s8 =	sadd.s32 s5, s3;
	[tilespmem:$0x1FFE0] =	vst v0;
	v0 =	vor.u32 $0x8, v6  }
0xe: {  	v7 =	vimm.s32 $0x0;
	v1 =	vimm.s32 $0x1;
	vm0 =	vmmov $0xffff;
	s0 =	simm.s32 $0x2;
	s3 =	simm.s32 $0xE900;
	[dreg:$0x7] =	wrdreg s8;
	[tilespmem:$0x1FFF0] =	vst v0  }
.LBB2_32:
0xf: {  	s4 =	rddreg [dreg:$0x9]  }
0x10: {  	s2 =	rddreg [dreg:$0x8];
	s4 =	sadd.s32 $0x1, s4  }
0x11: {  	p0 =	sne.s32 s4, s2  }
.Ltmp1:
0x12: {  	_ = 	snop;
	(pc) =	sbr.rel @!p0 .LBB2_33-.Ltmp1, $2  }
0x13: {  	_ =	sdelay $0x2  }
0x14: {  	s8 =	rddreg [dreg:$0x7]  }
.LBB2_1:
0x15: {  	[dreg:$0x9] =	wrdreg s4  }
0x16: {  	s2 =	rddreg [dreg:$0x2];
	s31 =	simm.s32 $0x1AC80  }
0x17: {  	[tilespmem:s31], [sflag:$0x3] =	stream.linear.gather [hbm4b:s2+s6], $0x300, $0x38;
	[tilespmem:$0x1AF80] =	vst v63  }
0x18: {  	_ =	swait.ge [sflag:s13], $0x300  }
0x19: {  	[sflag:s13] =	ssyncset.done $0x0  }
0x1a: {  	s4 =	simm.s32 $0x0;
	s2 =	simm.s32 $0x0;
	[sflag:s13] =	ssyncadd.s32 $0xFFFFFD00  }
.LBB2_2:
0x1b: {  	p0 =	sne.s32 s4, $0x5F80  }
.Ltmp2:
0x1c: {  	_ = 	snop;
	(pc) =	sbr.rel @p0 .LBB2_2-.Ltmp2, $4  }
0x1d: {  	_ = 	snop  }
0x1e: {  	s5 =	sadd.s32 s4, s8;
	s7 =	simm.s32 $0x0  }
0x1f: {  	[tilespmem:s2], [sflag:$0x1] =	stream.linear.gather [hbm4b:s5+s7], $0x80, $0x38;
	[tilespmem:$0x1AF80] =	vst v63  }
0x20: {  	s4 =	sadd.s32 $0x80, s4;
	s2 =	sadd.s32 $0x100, s2  }
0x21: {  	p1 =	por $0x0, $0x0  }
.LBB2_4:
0x22: {  	p0 =	sne.s32 s7, $0xFF  }
.Ltmp3:
0x23: {  	_ = 	snop;
	(pc) =	sbr.rel @!p0 .LBB2_5-.Ltmp3, $4  }
0x24: {  	s5 =	simm.s32 $0x1  }
0x25: {  	_ =	swait.ge [sflag:s5], $0x6000  }
0x26: {  	[sflag:s5] =	ssyncset.done $0x0;
	s2 =	rddreg [dreg:$0x5]  }
0x27: {  	s4 =	sshll.u32 s7, $0x7;
	s2 =	sor.u32 s2, s7;
	[sflag:s5] =	ssyncadd.s32 $0xFFFFA000  }
0x28: {  	s5 =	sadd.s32 $0x1, s2  }
0x29: {  	s11 =	sshrl.u32 s5, $0x3  }
0x2a: {  	s5 =	sshll.u32 s5, $0x7;
	s11 =	smul.u32 $0x30000, s11  }
0x2b: {  	s5 =	sand.u32 $0x380, s5  }
0x2c: {  	s5 =	sor.u32 s5, s11  }
0x2d: {  	s31 =	sxor.u32 $0xFFFFFFFF, s4;
	s8 =	rddreg [dreg:$0x6];
	s12 =	sshrl.u32 s5, $0x3  }
0x2e: {  	s5 =	sand.u32 $0x80, s31;
	s11 =	sadd.s32 s8, s12  }
0x2f: {  	s12 =	simm.s32 $0x80;
	s23 =	sadd.s32 $0x100, s5;
	s24 =	sadd.s32 $0x0, s11  }
.LBB2_23:
0x30: {  	[tilespmem:s5], [sflag:$0x1] =	stream.linear.gather [hbm4b:s24+s6], $0x80, $0x38;
	[tilespmem:$0x1AF80] =	vst v63  }
0x31: {  	s24 =	smov.u32 s12;
	s5 =	smov.u32 s23;
	p0 =	seq.s32 s12, $0x5F80  }
.Ltmp4:
0x32: {  	s12 =	sadd.s32 $0x80, s12;
	(pc) =	sbr.rel @!p0 .LBB2_23-.Ltmp4, $2  }
0x33: {  	_ =	sdelay $0x2  }
0x34: {  	s23 =	sadd.s32 $0x100, s23;
	s24 =	sadd.s32 s24, s11  }
0x35: {  	[tilespmem:s5], [sflag:$0x1] =	stream.linear.gather [hbm4b:s24+s6], $0x80, $0x38;
	[tilespmem:$0x1AF80] =	vst v63  }
.LBB2_5:
0x36: {  	s23 =	sand.u32 $0x380, s4;
	s4 =	simm.s32 $0xC040  }
0x37: {  	[tilespmem:s4+$0xFFFFFFC0] =	vst v7  }
0x38: {  	[tilespmem:s4+$0x30] =	vst v7  }
0x39: {  	[tilespmem:s4+$0x20] =	vst v7  }
0x3a: {  	s5 =	simm.s32 $0x1;
	[tilespmem:s4+$0x10] =	vst v7  }
0x3b: {  	s5 =	simm.s32 @!p1 $0x0;
	[tilespmem:s4+$0x0] =	vst v7  }
0x3c: {  	s24 =	sshrl.u32 s2, $0x3;
	[tilespmem:s4+$0xFFFFFFF0] =	vst v7;
	s5 =	sshll.u32 s5, $0x7  }
0x3d: {  	s7 =	sadd.s32 $0x1, s7;
	[tilespmem:s4+$0xFFFFFFE0] =	vst v7;
	s26 =	sor.u32 $0x40, s5;
	s5 =	simm.s32 $0x0  }
.LBB2_6:
0x3e: {  	s5 =	sadd.s32 $0x8, s5;
	[tilespmem:s4+$0xFFFFFFD0] =	vst v7;
	s4 =	sadd.s32 $0x80, s4;
	s2 =	simm.s32 $0xFFFFFFFE  }
0x3f: {  	[tilespmem:s4+$0xFFFFFFC0] =	vst v7;
	p0 =	slt.u32 s5, $0x78  }
0x40: {  	[tilespmem:s4+$0x30] =	vst v7  }
.Ltmp5:
0x41: {  	[tilespmem:s4+$0x20] =	vst v7;
	(pc) =	sbr.rel @p0 .LBB2_6-.Ltmp5, $4  }
0x42: {  	[tilespmem:s4+$0x10] =	vst v7  }
0x43: {  	[tilespmem:s4+$0x0] =	vst v7  }
0x44: {  	[tilespmem:s4+$0xFFFFFFF0] =	vst v7  }
0x45: {  	[tilespmem:s4+$0xFFFFFFE0] =	vst v7  }
0x46: {  	s5 =	simm.s32 @!p1 $0x0  }
0x47: {  	s5 =	simm.s32 @p1 $0x1  }
0x48: {  	[tilespmem:s4+$0xFFFFFFD0] =	vst v7;
	s4 =	smov.u32 s26;
	[smem:$0x7FD] =	sst s5  }
.LBB2_8:
0x49: {  	v0 =	vld [tilespmem:s4+$0xFFFFFFC0];
	_ =	sdelay $0x4  }
0x4a: {  	vm1 =	vgt.s32 v0, $0x0  }
0x4b: {  	v0 =	vshra.s32 v0, $0x16;
	_ =	sdelay $0x4  }
0x4c: {  	[tilespmem:v0+s15+$0x0] =	vst.idx.add.s32.msk vm1, v1  }
0x4d: {  	v0 =	vld [tilespmem:s4+$0xFFFFFFD0];
	_ =	sdelay $0x4  }
0x4e: {  	vm1 =	vgt.s32 v0, $0x0  }
0x4f: {  	v0 =	vshra.s32 v0, $0x16;
	_ =	sdelay $0x4  }
0x50: {  	[tilespmem:v0+s16+$0x0] =	vst.idx.add.s32.msk vm1, v1  }
0x51: {  	v0 =	vld [tilespmem:s4+$0xFFFFFFE0];
	_ =	sdelay $0x4  }
0x52: {  	vm1 =	vgt.s32 v0, $0x0  }
0x53: {  	v0 =	vshra.s32 v0, $0x16;
	_ =	sdelay $0x4  }
0x54: {  	[tilespmem:v0+s17+$0x0] =	vst.idx.add.s32.msk vm1, v1  }
0x55: {  	v0 =	vld [tilespmem:s4+$0xFFFFFFF0];
	_ =	sdelay $0x4  }
0x56: {  	vm1 =	vgt.s32 v0, $0x0  }
0x57: {  	v0 =	vshra.s32 v0, $0x16;
	_ =	sdelay $0x4  }
0x58: {  	[tilespmem:v0+s18+$0x0] =	vst.idx.add.s32.msk vm1, v1  }
0x59: {  	v0 =	vld [tilespmem:s4+$0x0];
	_ =	sdelay $0x4  }
0x5a: {  	vm1 =	vgt.s32 v0, $0x0  }
0x5b: {  	v0 =	vshra.s32 v0, $0x16;
	_ =	sdelay $0x4  }
0x5c: {  	[tilespmem:v0+s15+$0x0] =	vst.idx.add.s32.msk vm1, v1  }
0x5d: {  	v0 =	vld [tilespmem:s4+$0x10];
	_ =	sdelay $0x4  }
0x5e: {  	vm1 =	vgt.s32 v0, $0x0  }
0x5f: {  	v0 =	vshra.s32 v0, $0x16;
	_ =	sdelay $0x4  }
0x60: {  	[tilespmem:v0+s16+$0x0] =	vst.idx.add.s32.msk vm1, v1  }
0x61: {  	v0 =	vld [tilespmem:s4+$0x20];
	_ =	sdelay $0x4  }
0x62: {  	vm1 =	vgt.s32 v0, $0x0  }
0x63: {  	v0 =	vshra.s32 v0, $0x16;
	_ =	sdelay $0x4  }
0x64: {  	[tilespmem:v0+s17+$0x0] =	vst.idx.add.s32.msk vm1, v1  }
0x65: {  	v0 =	vld [tilespmem:s4+$0x30];
	_ =	sdelay $0x4  }
0x66: {  	s2 =	sadd.s32 $0x2, s2;
	vm1 =	vgt.s32 v0, $0x0  }
0x67: {  	p0 =	slt.u32 s2, $0x17E;
	v0 =	vshra.s32 v0, $0x16  }
.Ltmp6:
0x68: {  	_ = 	snop;
	(pc) =	sbr.rel @p0 .LBB2_8-.Ltmp6, $3  }
0x69: {  	_ =	sdelay $0x1  }
0x6a: {  	s25 =	simm.s32 $0xFFFFFFFF;
	s28 =	simm.s32 $0x0;
	s11 =	simm.s32 $0x1F0  }
0x6b: {  	s5 =	simm.s32 $0xC1F0;
	s29 =	simm.s32 $0x1F;
	s4 =	sadd.s32 $0x100, s4;
	[tilespmem:v0+s18+$0x0] =	vst.idx.add.s32.msk vm1, v1  }
0x6c: {  	s2 =	sand.u32 $0x1F0, s11;
	v1 =	vld [tilespmem:s5+$0x0]  }
0x6d: {  	v0 =	vld [tilespmem:s2+$0xC200]  }
0x6e: {  	v2 =	vld [tilespmem:s2+$0xC400]  }
0x6f: {  	v3 =	vld [tilespmem:s2+$0xC600];
	_ =	sdelay $0x2  }
0x70: {  	v0 =	vadd.s32 v1, v0  }
0x71: {  	v0 =	vadd.s32 v2, v0  }
0x72: {  	s4 =	simm.s32 $0x1E0;
	v0 =	vadd.s32 v3, v0  }
0x73: {  	s2 =	sand.u32 $0x1F0, s4;
	[tilespmem:s5+$0x0] =	vst v0  }
0x74: {  	s4 =	simm.s32 $0xC1E0;
	v1 =	vld [tilespmem:s2+$0xC200]  }
0x75: {  	v2 =	vld [tilespmem:s4+$0x0]  }
0x76: {  	v3 =	vld [tilespmem:s2+$0xC400]  }
0x77: {  	v4 =	vld [tilespmem:s2+$0xC600];
	_ =	sdelay $0x1  }
0x78: {  	(xrf0) =	vadd.scan.msk.s32 $0xffff, v0  }
0x79: {  	v0 =	vadd.s32 v2, v1  }
0x7a: {  	v0 =	vadd.s32 v3, v0  }
0x7b: {  	s8 =	simm.s32 $0x1D0;
	v0 =	vadd.s32 v4, v0  }
0x7c: {  	s2 =	sand.u32 $0x1F0, s8;
	[tilespmem:s4+$0x0] =	vst v0  }
0x7d: {  	s11 =	simm.s32 $0xC1D0;
	(xrf0) =	vadd.scan.msk.s32 $0xffff, v0;
	v0 =	vld [tilespmem:s2+$0xC200]  }
0x7e: {  	v1, _, _ =	vpop (xrf0);
	v2 =	vld [tilespmem:s11+$0x0]  }
0x7f: {  	(v2sf) =	vpush v1, $0xF;
	v1 =	vld [tilespmem:s2+$0xC400]  }
0x80: {  	v3 =	vld [tilespmem:s2+$0xC600];
	_ =	sdelay $0x2  }
0x81: {  	v0 =	vadd.s32 v2, v0  }
0x82: {  	v0 =	vadd.s32 v1, v0  }
0x83: {  	s12 =	simm.s32 $0x1C0;
	v4, _, _ =	vpop (xrf0);
	v0 =	vadd.s32 v3, v0  }
0x84: {  	s2 =	sand.u32 $0x1F0, s12;
	(v2sf) =	vpush v4, $0xF;
	[tilespmem:s11+$0x0] =	vst v0  }
0x85: {  	s14 =	simm.s32 $0xC1C0;
	v1 =	vld [tilespmem:s2+$0xC200]  }
0x86: {  	v2 =	vld [tilespmem:s14+$0x0]  }
0x87: {  	(xrf0) =	vadd.scan.msk.s32 $0xffff, v0;
	v3 =	vld [tilespmem:s2+$0xC400]  }
0x88: {  	v4 =	vld [tilespmem:s2+$0xC600];
	_ =	sdelay $0x2  }
0x89: {  	v0 =	vadd.s32 v2, v1  }
0x8a: {  	v0 =	vadd.s32 v3, v0  }
0x8b: {  	v3 =	vadd.s32 v4, v0;
	v4, _, _ =	vpop (xrf0)  }
0x8c: {  	s12 =	spop (v2sf);
	(v2sf) =	vpush v4, $0xF  }
0x8d: {  	s31 =	simm.s32 $0x1A0;
	p0 =	por $0x1, $0x1;
	s30 =	simm.s32 $0x190  }
0x8e: {  	p0 =	por p0, p0;
	s8 =	simm.s32 $0x1B0;
	s2 =	sadd.s32 $0x0, s12  }
0x8f: {  	s5 =	simm.s32 $0x170;
	s8 =	sand.u32 $0x1F0, s8;
	p1 =	sgt.s32 s2, $0x3F;
	[tilespmem:s14+$0x0] =	vst v3;
	(xrf0) =	vadd.scan.msk.s32 $0xffff, v3  }
0x90: {  	s4 =	simm.s32 $0xC1B0;
	s11 =	simm.s32 $0x180;
	p0 =	por !p0, !p1;
	v0 =	vld [tilespmem:s8+$0xC200]  }
0x91: {  	p2 =	slt.s32 s2, $0x40;
	p0 =	por !p0, !p0;
	v1 =	vld [tilespmem:s4+$0x0];
	s14 =	spop (v2sf)  }
0x92: {  	p1 =	por p2, p2;
	s25 =	smov.u32 @p0 s29;
	v2 =	vld [tilespmem:s8+$0xC400];
	s12 =	sadd.s32 s2, s14  }
0x93: {  	s28 =	smov.u32 @p0 s28;
	v3 =	vld [tilespmem:s8+$0xC600];
	p2 =	slt.s32 s12, $0x40;
	p3 =	sgt.s32 s12, $0x3F  }
.LBB2_10:
0x94: {  	p4 =	sne.s32 s5, $0x0;
	p0 =	por !p1, !p3;
	p1 =	por p2, p2  }
0x95: {  	s29 =	sadd.s32 $0xFFFFFFFF, s29;
	v4, _, _ =	vpop (xrf0);
	p0 =	por !p0, !p0  }
0x96: {  	v0 =	vadd.s32 v1, v0;
	(v2sf) =	vpush v4, $0xF;
	s25 =	smov.u32 @p0 s29;
	s28 =	smov.u32 @p0 s2;
	s2 =	smov.u32 s12  }
0x97: {  	v0 =	vadd.s32 v2, v0  }
0x98: {  	v0 =	vadd.s32 v3, v0  }
.Ltmp7:
0x99: {  	s8 =	sand.u32 $0x1F0, s31;
	s31 =	smov.u32 s30;
	[tilespmem:s4+$0x0] =	vst v0;
	(xrf0) =	vadd.scan.msk.s32 $0xffff, v0;
	(pc) =	sbr.rel @p4 .LBB2_10-.Ltmp7, $4  }
0x9a: {  	s30 =	smov.u32 s11;
	s11 =	smov.u32 s5;
	s4 =	sadd.s32 $0xFFFFFFF0, s4;
	v0 =	vld [tilespmem:s8+$0xC200]  }
0x9b: {  	v1 =	vld [tilespmem:s4+$0x0];
	s14 =	spop (v2sf)  }
0x9c: {  	v2 =	vld [tilespmem:s8+$0xC400];
	s12 =	sadd.s32 s12, s14  }
0x9d: {  	s5 =	sadd.s32 $0xFFFFFFF0, s5;
	v3 =	vld [tilespmem:s8+$0xC600];
	p2 =	slt.s32 s12, $0x40;
	p3 =	sgt.s32 s12, $0x3F  }
0x9e: {  	_ =	sdelay $0x1  }
0x9f: {  	v0 =	vadd.s32 v1, v0  }
0xa0: {  	v0 =	vadd.s32 v2, v0  }
0xa1: {  	v0 =	vadd.s32 v3, v0  }
0xa2: {  	s5 =	sand.u32 $0x1F0, s31;
	[tilespmem:s4+$0x0] =	vst v0  }
0xa3: {  	s31 =	sadd.s32 $0xFFFFFFF0, s4;
	v1 =	vld [tilespmem:s5+$0xC200]  }
0xa4: {  	v2 =	vld [tilespmem:s31+$0x0]  }
0xa5: {  	v3 =	vld [tilespmem:s5+$0xC400]  }
0xa6: {  	v4 =	vld [tilespmem:s5+$0xC600];
	_ =	sdelay $0x2  }
0xa7: {  	v1 =	vadd.s32 v2, v1  }
0xa8: {  	v1 =	vadd.s32 v3, v1  }
0xa9: {  	v1 =	vadd.s32 v4, v1  }
0xaa: {  	s8 =	sand.u32 $0x1F0, s30;
	[tilespmem:s31+$0x0] =	vst v1  }
0xab: {  	s4 =	sadd.s32 $0xFFFFFFF0, s31;
	v2 =	vld [tilespmem:s8+$0xC200]  }
0xac: {  	v3 =	vld [tilespmem:s4+$0x0]  }
0xad: {  	v4 =	vld [tilespmem:s8+$0xC400]  }
0xae: {  	v5 =	vld [tilespmem:s8+$0xC600];
	_ =	sdelay $0x2  }
0xaf: {  	v2 =	vadd.s32 v3, v2  }
0xb0: {  	v2 =	vadd.s32 v4, v2  }
0xb1: {  	v2 =	vadd.s32 v5, v2  }
0xb2: {  	s14 =	sand.u32 $0x1F0, s11;
	[tilespmem:s4+$0x0] =	vst v2  }
0xb3: {  	(xrf0) =	vadd.scan.msk.s32 $0xffff, v0;
	s11 =	sadd.s32 $0xFFFFFFF0, s4;
	v0 =	vld [tilespmem:s14+$0xC200]  }
0xb4: {  	(xrf0) =	vadd.scan.msk.s32 $0xffff, v1;
	v1 =	vld [tilespmem:s11+$0x0]  }
0xb5: {  	v3 =	vld [tilespmem:s14+$0xC400]  }
0xb6: {  	v4 =	vld [tilespmem:s14+$0xC600];
	_ =	sdelay $0x2  }
0xb7: {  	v0 =	vadd.s32 v1, v0  }
0xb8: {  	v5, _, _ =	vpop (xrf0);
	(xrf0) =	vadd.scan.msk.s32 $0xffff, v2;
	v0 =	vadd.s32 v3, v0  }
0xb9: {  	v0 =	vadd.s32 v4, v0  }
0xba: {  	(v2sf) =	vpush v5, $0xF;
	v1, _, _ =	vpop (xrf0);
	(xrf0) =	vadd.scan.msk.s32 $0xffff, v0;
	_ =	sdelay $0x1  }
0xbb: {  	(v2sf) =	vpush v1, $0xF  }
0xbc: {  	v1, _, _ =	vpop (xrf0)  }
0xbd: {  	(v2sf) =	vpush v1, $0xF;
	v1, _, _ =	vpop (xrf0)  }
0xbe: {  	(v2sf) =	vpush v1, $0xF  }
0xbf: {  	v1, _, _ =	vpop (xrf0)  }
0xc0: {  	(v2sf) =	vpush v1, $0xF;
	_ =	sdelay $0x4  }
0xc1: {  	p0 =	por !p1, !p3;
	s30 =	spop (v2sf)  }
0xc2: {  	s4 =	sadd.s32 s12, s30;
	s30 =	simm.s32 @!p0 $0x0  }
0xc3: {  	p5 =	por p2, p2;
	s30 =	simm.s32 @p0 $0x1;
	p6 =	sgt.s32 s4, $0x3F  }
0xc4: {  	p1 =	slt.s32 s4, $0x40;
	[smem:$0x7FB] =	sst s30;
	s31 =	spop (v2sf)  }
0xc5: {  	p2 =	por !p5, !p6;
	p3 =	por p1, p1;
	s5 =	sadd.s32 s4, s31  }
0xc6: {  	p4 =	slt.s32 s5, $0x40;
	p5 =	sgt.s32 s5, $0x3F;
	s8 =	spop (v2sf)  }
0xc7: {  	p3 =	por !p3, !p5;
	p6 =	por p4, p4;
	s8 =	sadd.s32 s5, s8  }
0xc8: {  	s14 =	spop (v2sf);
	p5 =	slt.s32 s8, $0x40;
	p1 =	sgt.s32 s8, $0x3F  }
0xc9: {  	s14 =	sadd.s32 s8, s14;
	s31 =	spop (v2sf);
	p4 =	por !p6, !p1  }
0xca: {  	p5 =	por p5, p5;
	p1 =	sgt.s32 s14, $0x3F;
	p6 =	slt.s32 s14, $0x40  }
0xcb: {  	s30 =	sadd.s32 s14, s31;
	p5 =	por !p5, !p1;
	s31 =	spop (v2sf)  }
0xcc: {  	p6 =	por p6, p6;
	p1 =	sgt.s32 s30, $0x3F;
	s31 =	sadd.s32 s30, s31  }
0xcd: {  	p6 =	por !p6, !p1;
	p1 =	sgt.s32 s31, $0x3F;
	s31 =	sld [smem:$0x7FB]  }
0xce: {  	p0 =	slt.s32 s30, $0x40  }
0xcf: {  	p0 =	por p0, p0  }
0xd0: {  	p0 =	por !p0, !p1;
	p1 =	seq.s32 s31, $0x1  }
0xd1: {  	s29 =	sadd.s32 $0xFFFFFFFF, s29;
	p1 =	por !p1, !p1  }
0xd2: {  	p2 =	por !p2, !p2;
	s25 =	smov.u32 @p1 s29;
	s29 =	sadd.s32 $0xFFFFFFFF, s29  }
0xd3: {  	p3 =	por !p3, !p3;
	s25 =	smov.u32 @p2 s29;
	s29 =	sadd.s32 $0xFFFFFFFF, s29  }
0xd4: {  	p4 =	por !p4, !p4;
	s25 =	smov.u32 @p3 s29;
	s29 =	sadd.s32 $0xFFFFFFFF, s29  }
0xd5: {  	p5 =	por !p5, !p5;
	s25 =	smov.u32 @p4 s29;
	s29 =	sadd.s32 $0xFFFFFFFF, s29  }
0xd6: {  	p6 =	por !p6, !p6;
	s25 =	smov.u32 @p5 s29;
	s29 =	sadd.s32 $0xFFFFFFFF, s29  }
0xd7: {  	p0 =	por !p0, !p0;
	s25 =	smov.u32 @p6 s29;
	s29 =	sadd.s32 $0xFFFFFFFF, s29  }
0xd8: {  	s31 =	simm.s32 @!p1 $0x0;
	s25 =	smov.u32 @p0 s29  }
0xd9: {  	s31 =	simm.s32 @p1 $0x1;
	s29 =	smov.u32 s25;
	p1 =	sgt.s32 s25, $0x0  }
0xda: {  	s29 =	simm.s32 @!p1 $0x0  }
0xdb: {  	[tilespmem:s11+$0x0] =	vst v0;
	v1 =	vld [tilespmem:$0x1FFC0];
	s11 =	sshll.u32 s29, $0x4  }
0xdc: {  	v0 =	vld [tilespmem:s11+$0xC000];
	_ =	sdelay $0x3  }
0xdd: {  	[smem:$0x7FC] =	sst s31  }
0xde: {  	s31 =	sld [smem:$0x7FC];
	v0 =	vperm.xlane v0, v1;
	_ =	sdelay $0x1  }
0xdf: {  	(xrf0) =	vadd.scan.msk.s32 $0xffff, v0  }
0xe0: {  	p1 =	seq.s32 s31, $0x1  }
0xe1: {  	s28 =	smov.u32 @p1 s2  }
0xe2: {  	s28 =	smov.u32 @p2 s12  }
0xe3: {  	s28 =	smov.u32 @p3 s4  }
0xe4: {  	s28 =	smov.u32 @p4 s5  }
0xe5: {  	s28 =	smov.u32 @p5 s8;
	v0, _, _ =	vpop (xrf0)  }
0xe6: {  	s28 =	smov.u32 @p6 s14;
	v0 =	vperm.xlane v0, v1  }
0xe7: {  	s28 =	smov.u32 @p0 s30  }
0xe8: {  	v0 =	vadd.s32 s28, v0  }
0xe9: {  	vm1 =	vgt.s32 v0, $0x3F  }
0xea: {  	v0 =	vmpcnt.ones.xlane vm1;
	_ =	sdelay $0x1  }
0xeb: {  	(v2sf) =	vpush v0, $0x0;
	_ =	sdelay $0xe  }
0xec: {  	s31 =	spop (v2sf)  }
0xed: {  	s2 =	sadd.s32 $0xFFFFFFFF, s31  }
0xee: {  	p0 =	sgt.s32 s2, $0x0  }
0xef: {  	s2 =	simm.s32 @!p0 $0x0  }
0xf0: {  	s2 =	sadd.s32 s11, s2  }
0xf1: {  	s28 =	sshll.u32 s2, $0x16  }
0xf2: {  	s12 =	simm.s32 $0x0;
	v1 =	vimm.s32 $0x0;
	s2 =	simm.s32 $0xFFFFFFF8;
	v0 =	vmov s28  }
.LBB2_12:
0xf3: {  	v2 =	vld [tilespmem:s26+$0xFFFFFFC0];
	_ =	sdelay $0x4  }
0xf4: {  	vm1 =	vge.s32 v2, v0;
	vm2 =	vgt.s32 v2, $0x0  }
0xf5: {  	vm1 =	vmand vm1, vm2  }
0xf6: {  	v3 =	vsel vm1, $0x1, v7  }
0xf7: {  	(xrf0) =	vadd.scan.msk.s32 $0xffff, v3;
	_ =	sdelay $0x5  }
0xf8: {  	v3, _, _ =	vpop (xrf0)  }
0xf9: {  	v3 =	vadd.s32 v3, v1  }
0xfa: {  	v3 =	vadd.s32 $0xFFFFFFFF, v3  }
0xfb: {  	vm2 =	vlt.s32 v3, $0x1000  }
0xfc: {  	vm2 =	vmand vm1, vm2;
	_ =	sdelay $0x5  }
0xfd: {  	[tilespmem:v3+s19+$0x0] =	vst.idx.msk vm2, v2;
	v2 =	vor.u32 s12, v6  }
0xfe: {  	[tilespmem:v3+s20+$0x0] =	vst.idx.msk vm2, v2  }
0xff: {  	v2 =	vld [tilespmem:s26+$0xFFFFFFD0];
	_ =	sdelay $0x4  }
0x100: {  	vm2 =	vge.s32 v2, v0;
	vm3 =	vgt.s32 v2, $0x0  }
0x101: {  	vm2 =	vmand vm2, vm3  }
0x102: {  	v3 =	vsel vm2, $0x1, v7  }
0x103: {  	(xrf0) =	vadd.scan.msk.s32 $0xffff, v3;
	_ =	sdelay $0x1  }
0x104: {  	v3 =	vmpcnt.ones.xlane vm1;
	_ =	sdelay $0x3  }
0x105: {  	v1 =	vadd.s32 v1, v3;
	v3, _, _ =	vpop (xrf0)  }
0x106: {  	v3 =	vadd.s32 v3, v1  }
0x107: {  	v3 =	vadd.s32 $0xFFFFFFFF, v3  }
0x108: {  	vm1 =	vlt.s32 v3, $0x1000  }
0x109: {  	vm1 =	vmand vm2, vm1;
	_ =	sdelay $0x4  }
0x10a: {  	s4 =	sadd.s32 $0x10, s12  }
0x10b: {  	[tilespmem:v3+s19+$0x0] =	vst.idx.msk vm1, v2;
	v2 =	vor.u32 s4, v6  }
0x10c: {  	[tilespmem:v3+s20+$0x0] =	vst.idx.msk vm1, v2  }
0x10d: {  	v2 =	vld [tilespmem:s26+$0xFFFFFFE0];
	_ =	sdelay $0x4  }
0x10e: {  	vm1 =	vge.s32 v2, v0;
	vm3 =	vgt.s32 v2, $0x0  }
0x10f: {  	vm1 =	vmand vm1, vm3  }
0x110: {  	v3 =	vsel vm1, $0x1, v7  }
0x111: {  	(xrf0) =	vadd.scan.msk.s32 $0xffff, v3;
	_ =	sdelay $0x1  }
0x112: {  	v3 =	vmpcnt.ones.xlane vm2;
	_ =	sdelay $0x3  }
0x113: {  	v1 =	vadd.s32 v1, v3;
	v3, _, _ =	vpop (xrf0)  }
0x114: {  	v3 =	vadd.s32 v3, v1  }
0x115: {  	v3 =	vadd.s32 $0xFFFFFFFF, v3  }
0x116: {  	vm2 =	vlt.s32 v3, $0x1000  }
0x117: {  	vm2 =	vmand vm1, vm2;
	_ =	sdelay $0x4  }
0x118: {  	s8 =	sadd.s32 $0x20, s12  }
0x119: {  	[tilespmem:v3+s19+$0x0] =	vst.idx.msk vm2, v2;
	v2 =	vor.u32 s8, v6  }
0x11a: {  	[tilespmem:v3+s20+$0x0] =	vst.idx.msk vm2, v2  }
0x11b: {  	v2 =	vld [tilespmem:s26+$0xFFFFFFF0];
	_ =	sdelay $0x4  }
0x11c: {  	vm2 =	vge.s32 v2, v0;
	vm3 =	vgt.s32 v2, $0x0  }
0x11d: {  	vm2 =	vmand vm2, vm3  }
0x11e: {  	v3 =	vsel vm2, $0x1, v7  }
0x11f: {  	(xrf0) =	vadd.scan.msk.s32 $0xffff, v3;
	_ =	sdelay $0x1  }
0x120: {  	v3 =	vmpcnt.ones.xlane vm1;
	_ =	sdelay $0x3  }
0x121: {  	v1 =	vadd.s32 v1, v3;
	v3, _, _ =	vpop (xrf0)  }
0x122: {  	v3 =	vadd.s32 v3, v1  }
0x123: {  	v3 =	vadd.s32 $0xFFFFFFFF, v3  }
0x124: {  	vm1 =	vlt.s32 v3, $0x1000  }
0x125: {  	vm1 =	vmand vm2, vm1;
	_ =	sdelay $0x4  }
0x126: {  	s11 =	sadd.s32 $0x30, s12  }
0x127: {  	[tilespmem:v3+s19+$0x0] =	vst.idx.msk vm1, v2;
	v2 =	vor.u32 s11, v6  }
0x128: {  	[tilespmem:v3+s20+$0x0] =	vst.idx.msk vm1, v2  }
0x129: {  	v2 =	vld [tilespmem:s26+$0x0];
	_ =	sdelay $0x4  }
0x12a: {  	vm1 =	vge.s32 v2, v0;
	vm3 =	vgt.s32 v2, $0x0  }
0x12b: {  	vm1 =	vmand vm1, vm3  }
0x12c: {  	v3 =	vsel vm1, $0x1, v7  }
0x12d: {  	(xrf0) =	vadd.scan.msk.s32 $0xffff, v3;
	_ =	sdelay $0x1  }
0x12e: {  	v3 =	vmpcnt.ones.xlane vm2;
	_ =	sdelay $0x3  }
0x12f: {  	v1 =	vadd.s32 v1, v3;
	v3, _, _ =	vpop (xrf0)  }
0x130: {  	v3 =	vadd.s32 v3, v1  }
0x131: {  	v3 =	vadd.s32 $0xFFFFFFFF, v3  }
0x132: {  	vm2 =	vlt.s32 v3, $0x1000  }
0x133: {  	vm2 =	vmand vm1, vm2;
	_ =	sdelay $0x4  }
0x134: {  	s14 =	sadd.s32 $0x40, s12  }
0x135: {  	[tilespmem:v3+s19+$0x0] =	vst.idx.msk vm2, v2;
	v2 =	vor.u32 s14, v6  }
0x136: {  	[tilespmem:v3+s20+$0x0] =	vst.idx.msk vm2, v2  }
0x137: {  	v2 =	vld [tilespmem:s26+$0x10];
	_ =	sdelay $0x4  }
0x138: {  	vm2 =	vge.s32 v2, v0;
	vm3 =	vgt.s32 v2, $0x0  }
0x139: {  	vm2 =	vmand vm2, vm3  }
0x13a: {  	v3 =	vsel vm2, $0x1, v7  }
0x13b: {  	(xrf0) =	vadd.scan.msk.s32 $0xffff, v3;
	_ =	sdelay $0x1  }
0x13c: {  	v3 =	vmpcnt.ones.xlane vm1;
	_ =	sdelay $0x3  }
0x13d: {  	v1 =	vadd.s32 v1, v3;
	v3, _, _ =	vpop (xrf0)  }
0x13e: {  	v3 =	vadd.s32 v3, v1  }
0x13f: {  	v3 =	vadd.s32 $0xFFFFFFFF, v3  }
0x140: {  	vm1 =	vlt.s32 v3, $0x1000  }
0x141: {  	vm1 =	vmand vm2, vm1;
	_ =	sdelay $0x4  }
0x142: {  	s29 =	sadd.s32 $0x50, s12  }
0x143: {  	[tilespmem:v3+s19+$0x0] =	vst.idx.msk vm1, v2;
	v2 =	vor.u32 s29, v6  }
0x144: {  	[tilespmem:v3+s20+$0x0] =	vst.idx.msk vm1, v2  }
0x145: {  	v2 =	vld [tilespmem:s26+$0x20];
	_ =	sdelay $0x4  }
0x146: {  	vm1 =	vge.s32 v2, v0;
	vm3 =	vgt.s32 v2, $0x0  }
0x147: {  	vm1 =	vmand vm1, vm3  }
0x148: {  	v3 =	vsel vm1, $0x1, v7  }
0x149: {  	(xrf0) =	vadd.scan.msk.s32 $0xffff, v3;
	_ =	sdelay $0x1  }
0x14a: {  	v3 =	vmpcnt.ones.xlane vm2;
	_ =	sdelay $0x3  }
0x14b: {  	v1 =	vadd.s32 v1, v3;
	v3, _, _ =	vpop (xrf0)  }
0x14c: {  	v3 =	vadd.s32 v3, v1  }
0x14d: {  	v3 =	vadd.s32 $0xFFFFFFFF, v3  }
0x14e: {  	vm2 =	vlt.s32 v3, $0x1000  }
0x14f: {  	vm2 =	vmand vm1, vm2;
	_ =	sdelay $0x4  }
0x150: {  	s30 =	sadd.s32 $0x60, s12  }
0x151: {  	[tilespmem:v3+s19+$0x0] =	vst.idx.msk vm2, v2;
	v2 =	vor.u32 s30, v6  }
0x152: {  	[tilespmem:v3+s20+$0x0] =	vst.idx.msk vm2, v2  }
0x153: {  	v2 =	vld [tilespmem:s26+$0x30];
	_ =	sdelay $0x4  }
0x154: {  	vm2 =	vge.s32 v2, v0;
	vm3 =	vgt.s32 v2, $0x0  }
0x155: {  	vm2 =	vmand vm2, vm3  }
0x156: {  	v3 =	vsel vm2, $0x1, v7  }
0x157: {  	(xrf0) =	vadd.scan.msk.s32 $0xffff, v3;
	_ =	sdelay $0x1  }
0x158: {  	v3 =	vmpcnt.ones.xlane vm1;
	_ =	sdelay $0x3  }
0x159: {  	v1 =	vadd.s32 v1, v3;
	v3, _, _ =	vpop (xrf0)  }
0x15a: {  	v3 =	vadd.s32 v3, v1  }
0x15b: {  	v3 =	vadd.s32 $0xFFFFFFFF, v3  }
0x15c: {  	vm1 =	vlt.s32 v3, $0x1000  }
0x15d: {  	vm1 =	vmand vm2, vm1  }
0x15e: {  	s2 =	sadd.s32 $0x8, s2  }
0x15f: {  	p0 =	slt.u32 s2, $0x5F8  }
.Ltmp8:
0x160: {  	_ = 	snop;
	(pc) =	sbr.rel @p0 .LBB2_12-.Ltmp8, $4  }
0x161: {  	_ = 	snop  }
0x162: {  	s31 =	sadd.s32 $0x70, s12;
	v4 =	vmpcnt.ones.xlane vm2  }
0x163: {  	[tilespmem:v3+s19+$0x0] =	vst.idx.msk vm1, v2;
	v2 =	vor.u32 s31, v6  }
0x164: {  	s12 =	sadd.s32 $0x80, s12;
	s26 =	sadd.s32 $0x100, s26;
	v1 =	vadd.s32 v1, v4;
	[tilespmem:v3+s20+$0x0] =	vst.idx.msk vm1, v2  }
0x165: {  	(v2sf) =	vpush v1, $0x0;
	_ =	sdelay $0xe  }
0x166: {  	s5 =	spop (v2sf)  }
0x167: {  	p0 =	slt.s32 s5, $0xFF0  }
0x168: {  	p1 =	slt.s32 s5, $0xFFFFFFF2;
	s5 =	simm.s32 @!p0 $0xFF0  }
0x169: {  	s2 =	sadd.s32 $0xF, s5  }
0x16a: {  	s4 =	sand.u32 $0xF, s2  }
0x16b: {  	s8 =	sshra.s32 s2, $0x1F;
	p6 =	sne.s32 s4, $0x0  }
.Ltmp9:
0x16c: {  	s31 =	sshrl.u32 s8, $0x1C;
	p0 =	por !p1, !p6;
	(pc) =	sbr.rel .LBB2_14-.Ltmp9, $4  }
0x16d: {  	s4 =	simm.s32 $0x1;
	s2 =	sadd.s32 s31, s2;
	p0 =	por !p0, !p0  }
0x16e: {  	s2 =	sshra.s32 s2, $0x4;
	s4 =	simm.s32 @!p0 $0x0  }
0x16f: {  	s12 =	simm.s32 $0xFFFFFFFF;
	s2 =	ssub.s32 s2, s4  }
0x170: {  	s11 =	simm.s32 $0x400000;
	[tilespmem:s5+$0xC800] =	vst v7;
	s4 =	simm.s32 $0x0;
	p1 =	slt.s32 s2, $0x1  }
.LBB2_17:
0x171: {  	v1 =	vmpcnt.ones.xlane vm1;
	_ =	sdelay $0x1  }
0x172: {  	v0 =	vadd.s32 v0, v1  }
.LBB2_18:
0x173: {  	(v2sf) =	vpush v0, $0x0;
	_ =	sdelay $0xb  }
0x174: {  	s4 =	sadd.s32 $0x1, s4  }
0x175: {  	p2 =	sne.s32 s4, $0x17  }
.Ltmp10:
0x176: {  	_ = 	snop;
	(pc) =	sbr.rel @!p2 .LBB2_19-.Ltmp10, $4  }
0x177: {  	s8 =	spop (v2sf)  }
0x178: {  	p0 =	slt.s32 s8, $0x41;
	s8 =	smov.u32 s5  }
0x179: {  	s8 =	smov.u32 @p0 s12  }
0x17a: {  	s11 =	smov.u32 @p0 s5;
	s12 =	smov.u32 s8  }
.LBB2_14:
0x17b: {  	s5 =	sadd.s32 s12, s11  }
0x17c: {  	s8 =	sand.u32 $0x1, s5  }
.Ltmp11:
0x17d: {  	p0 =	slt.s32 s5, $0x1;
	p2 =	seq.s32 s8, $0x1;
	(pc) =	sbr.rel @p1 .LBB2_18-.Ltmp11, $4  }
0x17e: {  	s31 =	sshrl.u32 s5, $0x1F;
	p0 =	por !p0, !p2  }
0x17f: {  	s5 =	sadd.s32 s31, s5;
	s8 =	simm.s32 $0x1;
	p0 =	por !p0, !p0  }
0x180: {  	s5 =	sshra.s32 s5, $0x1;
	s8 =	simm.s32 @!p0 $0x0  }
0x181: {  	v0 =	vimm.s32 $0x0;
	s5 =	ssub.s32 s5, s8  }
0x182: {  	s8 =	simm.s32 $0xC800  }
0x183: {  	p0 =	sne.s32 s2, $0x1;
	v2 =	vld [tilespmem:s8+$0x0]  }
.Ltmp12:
0x184: {  	_ = 	snop;
	(pc) =	sbr.rel @!p0 .LBB2_17-.Ltmp12, $4  }
0x185: {  	_ = 	snop  }
0x186: {  	s31 =	sadd.s32 s28, s5  }
0x187: {  	v1 =	vmov s31  }
0x188: {  	s26 =	sadd.s32 $0xFFFFFFFF, s2;
	s29 =	simm.s32 $0xC810;
	vm1 =	vge.s32 v2, v1  }
.LBB2_16:
0x189: {  	v2 =	vld [tilespmem:s29+$0x0];
	p0 =	sne.s32 s26, $0x1;
	s26 =	sadd.s32 $0xFFFFFFFF, s26;
	v3 =	vmpcnt.ones.xlane vm1  }
.Ltmp13:
0x18a: {  	(pc) =	sbr.rel @p0 .LBB2_16-.Ltmp13, $2  }
0x18b: {  	v0 =	vadd.s32 v0, v3;
	_ =	sdelay $0x2  }
0x18c: {  	s29 =	sadd.s32 $0x10, s29;
	vm1 =	vge.s32 v2, v1  }
.Ltmp14:
0x18d: {  	_ = 	snop;
	(pc) =	sbr.rel .LBB2_17-.Ltmp14, $1  }
0x18e: {  	_ =	sdelay $0x3  }
.LBB2_19:
0x18f: {  	v2 =	vimm.s32 $0x0  }
0x190: {  	[tilespmem:$0xE800] =	vst v2  }
0x191: {  	[tilespmem:$0xE880] =	vst v2  }
0x192: {  	[tilespmem:$0xE810] =	vst v2  }
0x193: {  	[tilespmem:$0xE890] =	vst v2  }
0x194: {  	[tilespmem:$0xE820] =	vst v2  }
.Ltmp15:
0x195: {  	[tilespmem:$0xE8A0] =	vst v2;
	(pc) =	sbr.rel @p1 .LBB2_29-.Ltmp15, $4  }
0x196: {  	[tilespmem:$0xE830] =	vst v2  }
0x197: {  	[tilespmem:$0xE8B0] =	vst v2  }
0x198: {  	[tilespmem:$0xE840] =	vst v2  }
0x199: {  	[tilespmem:$0xE8C0] =	vst v2  }
0x19a: {  	p0 =	slt.s32 s25, $0x0;
	s4 =	sadd.s32 s28, s11  }
0x19b: {  	s4 =	simm.s32 @p0 $0x1;
	p0 =	sne.s32 s2, $0x1  }
.Ltmp16:
0x19c: {  	_ = 	snop;
	(pc) =	sbr.rel @!p0 .LBB2_21-.Ltmp16, $3  }
0x19d: {  	_ =	sdelay $0x1  }
0x19e: {  	s5 =	simm.s32 $0xC800  }
0x19f: {  	s11 =	simm.s32 $0xD800;
	p1 =	por $0x0, $0x0;
	v1 =	vld [tilespmem:s5+$0x0];
	s2 =	sadd.s32 $0xFFFFFFFF, s2;
	v0 =	vmov s4  }
0x1a0: {  	_ =	sdelay $0x3  }
0x1a1: {  	vm1 =	vge.s32 v1, v0  }
0x1a2: {  	v3 =	vsel vm1, $0x1, v7  }
0x1a3: {  	(xrf0) =	vadd.scan.msk.s32 $0xffff, v3;
	_ =	sdelay $0x5  }
0x1a4: {  	v3, _, _ =	vpop (xrf0)  }
0x1a5: {  	v3 =	vadd.s32 v3, v2  }
0x1a6: {  	v3 =	vadd.s32 $0xFFFFFFFF, v3  }
0x1a7: {  	v4 =	vld [tilespmem:s11+$0x0];
	_ =	sdelay $0x1  }
0x1a8: {  	p0 =	sne.s32 s2, $0x1  }
.Ltmp17:
0x1a9: {  	_ = 	snop;
	(pc) =	sbr.rel @!p0 .LBB2_26-.Ltmp17, $4  }
0x1aa: {  	v5 =	vmpcnt.ones.xlane vm1;
	[tilespmem:v3+s21+$0x0] =	vst.idx.msk vm1, v1  }
0x1ab: {  	s4 =	simm.s32 $0xC810;
	[tilespmem:v3+s22+$0x0] =	vst.idx.msk vm1, v4  }
0x1ac: {  	v2 =	vadd.s32 v2, v5;
	v1 =	vld [tilespmem:s4+$0x0]  }
0x1ad: {  	s5 =	sadd.s32 $0xFFFFFFFF, s2;
	p1 =	por $0x1, $0x1;
	s2 =	simm.s32 $0xD800;
	v3 =	vmov v2  }
.LBB2_27:
0x1ae: {  	p2 =	sne.s32 s5, $0x1;
	_ =	sdelay $0x2  }
0x1af: {  	vm1 =	vge.s32 v1, v0  }
0x1b0: {  	v4 =	vsel vm1, $0x1, v7;
	v5 =	vmpcnt.ones.xlane vm1  }
0x1b1: {  	(xrf0) =	vadd.scan.msk.s32 $0xffff, v4  }
0x1b2: {  	v3 =	vadd.s32 v3, v5;
	_ =	sdelay $0x4  }
0x1b3: {  	v4, _, _ =	vpop (xrf0)  }
0x1b4: {  	v4 =	vadd.s32 v4, v2;
	v2 =	vmov v3  }
0x1b5: {  	s2 =	sadd.s32 $0x10, s2;
	v4 =	vadd.s32 $0xFFFFFFFF, v4  }
0x1b6: {  	v5 =	vld [tilespmem:s2+$0x0];
	_ =	sdelay $0x2  }
.Ltmp18:
0x1b7: {  	(pc) =	sbr.rel @p2 .LBB2_27-.Ltmp18, $4  }
0x1b8: {  	[tilespmem:v4+s21+$0x0] =	vst.idx.msk vm1, v1  }
0x1b9: {  	s4 =	sadd.s32 $0x10, s4;
	[tilespmem:v4+s22+$0x0] =	vst.idx.msk vm1, v5  }
0x1ba: {  	v1 =	vld [tilespmem:s4+$0x0]  }
0x1bb: {  	s5 =	sadd.s32 $0xFFFFFFFF, s5  }
.LBB2_28:
0x1bc: {  	_ =	sdelay $0x2  }
0x1bd: {  	vm1 =	vge.s32 v1, v0  }
0x1be: {  	v0 =	vsel vm1, $0x1, v7  }
0x1bf: {  	(xrf0) =	vadd.scan.msk.s32 $0xffff, v0;
	_ =	sdelay $0x5  }
0x1c0: {  	v0, _, _ =	vpop (xrf0)  }
0x1c1: {  	s2 =	sadd.s32 @p1 $0x10, s2;
	v0 =	vadd.s32 v0, v2  }
0x1c2: {  	s11 =	smov.u32 @p1 s2;
	v0 =	vadd.s32 $0xFFFFFFFF, v0  }
0x1c3: {  	v63 =	vld [tilespmem:s11+$0x0];
	_ =	sdelay $0x3  }
0x1c4: {  	[tilespmem:v0+s21+$0x0] =	vst.idx.msk vm1, v1  }
0x1c5: {  	[tilespmem:v0+s22+$0x0] =	vst.idx.msk vm1, v63  }
.LBB2_29:
0x1c6: {  	v0 =	vld [tilespmem:$0xE880];
	_ =	sdelay $0x2  }
0x1c7: {  	v2 =	vld [tilespmem:$0xE800]  }
0x1c8: {  	v6 =	vld [tilespmem:$0x1FFD0]  }
0x1c9: {  	v1 =	vshrl.u32 v0, $0x3  }
0x1ca: {  	v7 =	vld [tilespmem:$0x1FFE0];
	v1 =	vmul.u32 $0x30, v1  }
0x1cb: {  	v3 =	vld [tilespmem:$0xE810];
	v0 =	vand.u32 $0x7, v0  }
0x1cc: {  	v5 =	vld [tilespmem:$0xE830];
	v0 =	vor.u32 v0, v1  }
0x1cd: {  	[tilespmem:$0xE910] =	vst v2;
	v2 =	vld [tilespmem:$0x1FFF0];
	v4 =	vperm.xlane v0, v6  }
0x1ce: {  	v1 =	vld [tilespmem:$0xE820]  }
0x1cf: {  	v4 =	vadd.s32 v7, v4;
	_ =	sdelay $0x1  }
0x1d0: {  	[tilespmem:$0xE920] =	vst v3  }
0x1d1: {  	[tilespmem:$0xE940] =	vst v5  }
0x1d2: {  	s11 =	simm.s32 $0x0;
	s2 =	simm.s32 $0xE980;
	v0 =	vperm.xlane v0, v2;
	[tilespmem:$0xE930] =	vst v1  }
0x1d3: {  	[tilespmem:s2], [sflag:$0x2] =	stream.indirect_vreg.gather [hbm4b:s1+s11], $0x80, v4, vm0, $0xb8;
	[tilespmem:$0x1AF80] =	vst v63  }
0x1d4: {  	s25 =	simm.s32 $0xF180;
	v0 =	vadd.s32 v7, v0  }
0x1d5: {  	[tilespmem:s25], [sflag:$0x2] =	stream.indirect_vreg.gather [hbm4b:s9+s11], $0x80, v4, vm0, $0xb8;
	[tilespmem:$0x1AF80] =	vst v63  }
0x1d6: {  	s26 =	simm.s32 $0xF980  }
0x1d7: {  	[tilespmem:s26], [sflag:$0x2] =	stream.indirect_vreg.gather [hbm4b:s10+s11], $0x80, v4, vm0, $0xb8;
	[tilespmem:$0x1AF80] =	vst v63  }
0x1d8: {  	s31 =	simm.s32 $0x10180  }
0x1d9: {  	[tilespmem:s31], [sflag:$0x2] =	stream.indirect_vreg.gather [hbm4b:s1+s11], $0x80, v0, vm0, $0xb8;
	[tilespmem:$0x1AF80] =	vst v63  }
0x1da: {  	s4 =	simm.s32 $0x10980  }
0x1db: {  	[tilespmem:s4], [sflag:$0x2] =	stream.indirect_vreg.gather [hbm4b:s9+s11], $0x80, v0, vm0, $0xb8;
	[tilespmem:$0x1AF80] =	vst v63  }
0x1dc: {  	s5 =	simm.s32 $0x11180  }
0x1dd: {  	[tilespmem:s5], [sflag:$0x2] =	stream.indirect_vreg.gather [hbm4b:s10+s11], $0x80, v0, vm0, $0xb8;
	[tilespmem:$0x1AF80] =	vst v63  }
0x1de: {  	v0 =	vld [tilespmem:$0xE890];
	_ =	sdelay $0x4  }
0x1df: {  	v1 =	vshrl.u32 v0, $0x3  }
0x1e0: {  	v1 =	vmul.u32 $0x30, v1  }
0x1e1: {  	v0 =	vand.u32 $0x7, v0  }
0x1e2: {  	v0 =	vor.u32 v0, v1  }
0x1e3: {  	v1 =	vperm.xlane v0, v6;
	_ =	sdelay $0x1  }
0x1e4: {  	v1 =	vadd.s32 v7, v1;
	_ =	sdelay $0x3  }
0x1e5: {  	s8 =	simm.s32 $0x11980;
	v0 =	vperm.xlane v0, v2  }
0x1e6: {  	[tilespmem:s8], [sflag:$0x2] =	stream.indirect_vreg.gather [hbm4b:s1+s11], $0x80, v1, vm0, $0xb8;
	[tilespmem:$0x1AF80] =	vst v63  }
0x1e7: {  	s12 =	simm.s32 $0x12180;
	v0 =	vadd.s32 v7, v0  }
0x1e8: {  	[tilespmem:s12], [sflag:$0x2] =	stream.indirect_vreg.gather [hbm4b:s9+s11], $0x80, v1, vm0, $0xb8;
	[tilespmem:$0x1AF80] =	vst v63  }
0x1e9: {  	s14 =	simm.s32 $0x12980  }
0x1ea: {  	[tilespmem:s14], [sflag:$0x2] =	stream.indirect_vreg.gather [hbm4b:s10+s11], $0x80, v1, vm0, $0xb8;
	[tilespmem:$0x1AF80] =	vst v63  }
0x1eb: {  	s25 =	simm.s32 $0x13180  }
0x1ec: {  	[tilespmem:s25], [sflag:$0x2] =	stream.indirect_vreg.gather [hbm4b:s1+s11], $0x80, v0, vm0, $0xb8;
	[tilespmem:$0x1AF80] =	vst v63  }
0x1ed: {  	s26 =	simm.s32 $0x13980  }
0x1ee: {  	[tilespmem:s26], [sflag:$0x2] =	stream.indirect_vreg.gather [hbm4b:s9+s11], $0x80, v0, vm0, $0xb8;
	[tilespmem:$0x1AF80] =	vst v63  }
0x1ef: {  	s31 =	simm.s32 $0x14180  }
0x1f0: {  	[tilespmem:s31], [sflag:$0x2] =	stream.indirect_vreg.gather [hbm4b:s10+s11], $0x80, v0, vm0, $0xb8;
	[tilespmem:$0x1AF80] =	vst v63  }
0x1f1: {  	v0 =	vld [tilespmem:$0xE8A0];
	_ =	sdelay $0x4  }
0x1f2: {  	v1 =	vshrl.u32 v0, $0x3  }
0x1f3: {  	v1 =	vmul.u32 $0x30, v1  }
0x1f4: {  	v0 =	vand.u32 $0x7, v0  }
0x1f5: {  	v0 =	vor.u32 v0, v1  }
0x1f6: {  	v1 =	vperm.xlane v0, v6;
	_ =	sdelay $0x1  }
0x1f7: {  	v1 =	vadd.s32 v7, v1;
	_ =	sdelay $0x3  }
0x1f8: {  	s4 =	simm.s32 $0x14980;
	v0 =	vperm.xlane v0, v2  }
0x1f9: {  	[tilespmem:s4], [sflag:$0x2] =	stream.indirect_vreg.gather [hbm4b:s1+s11], $0x80, v1, vm0, $0xb8;
	[tilespmem:$0x1AF80] =	vst v63  }
0x1fa: {  	s5 =	simm.s32 $0x15180;
	v0 =	vadd.s32 v7, v0  }
0x1fb: {  	[tilespmem:s5], [sflag:$0x2] =	stream.indirect_vreg.gather [hbm4b:s9+s11], $0x80, v1, vm0, $0xb8;
	[tilespmem:$0x1AF80] =	vst v63  }
0x1fc: {  	s8 =	simm.s32 $0x15980  }
0x1fd: {  	[tilespmem:s8], [sflag:$0x2] =	stream.indirect_vreg.gather [hbm4b:s10+s11], $0x80, v1, vm0, $0xb8;
	[tilespmem:$0x1AF80] =	vst v63  }
0x1fe: {  	s12 =	simm.s32 $0x16180  }
0x1ff: {  	[tilespmem:s12], [sflag:$0x2] =	stream.indirect_vreg.gather [hbm4b:s1+s11], $0x80, v0, vm0, $0xb8;
	[tilespmem:$0x1AF80] =	vst v63  }
0x200: {  	s14 =	simm.s32 $0x16980  }
0x201: {  	[tilespmem:s14], [sflag:$0x2] =	stream.indirect_vreg.gather [hbm4b:s9+s11], $0x80, v0, vm0, $0xb8;
	[tilespmem:$0x1AF80] =	vst v63  }
0x202: {  	s25 =	simm.s32 $0x17180  }
0x203: {  	[tilespmem:s25], [sflag:$0x2] =	stream.indirect_vreg.gather [hbm4b:s10+s11], $0x80, v0, vm0, $0xb8;
	[tilespmem:$0x1AF80] =	vst v63  }
0x204: {  	v0 =	vld [tilespmem:$0xE8B0];
	_ =	sdelay $0x4  }
0x205: {  	v1 =	vshrl.u32 v0, $0x3  }
0x206: {  	v1 =	vmul.u32 $0x30, v1  }
0x207: {  	v0 =	vand.u32 $0x7, v0  }
0x208: {  	v0 =	vor.u32 v0, v1  }
0x209: {  	v1 =	vperm.xlane v0, v6;
	_ =	sdelay $0x1  }
0x20a: {  	v1 =	vadd.s32 v7, v1;
	_ =	sdelay $0x3  }
0x20b: {  	s26 =	simm.s32 $0x17980;
	v0 =	vperm.xlane v0, v2  }
0x20c: {  	[tilespmem:s26], [sflag:$0x2] =	stream.indirect_vreg.gather [hbm4b:s1+s11], $0x80, v1, vm0, $0xb8;
	[tilespmem:$0x1AF80] =	vst v63  }
0x20d: {  	s31 =	simm.s32 $0x18180;
	v0 =	vadd.s32 v7, v0  }
0x20e: {  	[tilespmem:s31], [sflag:$0x2] =	stream.indirect_vreg.gather [hbm4b:s9+s11], $0x80, v1, vm0, $0xb8;
	[tilespmem:$0x1AF80] =	vst v63  }
0x20f: {  	s4 =	simm.s32 $0x18980  }
0x210: {  	[tilespmem:s4], [sflag:$0x2] =	stream.indirect_vreg.gather [hbm4b:s10+s11], $0x80, v1, vm0, $0xb8;
	[tilespmem:$0x1AF80] =	vst v63  }
0x211: {  	s5 =	simm.s32 $0x19180  }
0x212: {  	[tilespmem:s5], [sflag:$0x2] =	stream.indirect_vreg.gather [hbm4b:s1+s11], $0x80, v0, vm0, $0xb8;
	[tilespmem:$0x1AF80] =	vst v63  }
0x213: {  	s8 =	simm.s32 $0x19980;
	s12 =	simm.s32 $0x0  }
0x214: {  	[tilespmem:s8], [sflag:$0x2] =	stream.indirect_vreg.gather [hbm4b:s9+s11], $0x80, v0, vm0, $0xb8;
	[tilespmem:$0x1AF80] =	vst v63  }
0x215: {  	s2 =	smul.u32 $0x6000, s12;
	s4 =	simm.s32 $0x1A180  }
0x216: {  	[tilespmem:s4], [sflag:$0x2] =	stream.indirect_vreg.gather [hbm4b:s10+s11], $0x80, v0, vm0, $0xb8;
	[tilespmem:$0x1AF80] =	vst v63  }
0x217: {  	s30 =	sshra.s32 s2, $0x2;
	s25 =	simm.s32 $0x80;
	_ =	swait.ge [sflag:s0], $0xC000  }
0x218: {  	s29 =	sand.u32 $0x380, s25;
	s4 =	sadd.s32 $0xE980, s30;
	[sflag:s0] =	ssyncset.done $0x0  }
0x219: {  	s14 =	sadd.s32 s29, s4;
	[sflag:s0] =	ssyncadd.s32 $0xFFFF4000  }
0x21a: {  	v0 =	vld [tilespmem:s14+$0x450];
	_ =	sdelay $0x4  }
0x21b: {  	[tilespmem:$0x1FD60] =	vst v0;
	v0 =	vld [tilespmem:s14+$0x470];
	_ =	sdelay $0x2  }
0x21c: {  	s5 =	sadd.s32 $0xF180, s30  }
0x21d: {  	s8 =	sadd.s32 s29, s5  }
0x21e: {  	[tilespmem:$0x1FD80] =	vst v0;
	v0 =	vld [tilespmem:s8+$0x0];
	_ =	sdelay $0x4  }
0x21f: {  	[tilespmem:$0x1FDC0] =	vst v0;
	v0 =	vld [tilespmem:s8+$0x10];
	_ =	sdelay $0x4  }
0x220: {  	[tilespmem:$0x1FDD0] =	vst v0;
	v0 =	vld [tilespmem:s8+$0x20];
	_ =	sdelay $0x4  }
0x221: {  	[tilespmem:$0x1FDE0] =	vst v0;
	v0 =	vld [tilespmem:s8+$0x30];
	_ =	sdelay $0x4  }
0x222: {  	[tilespmem:$0x1FE00] =	vst v0;
	v0 =	vld [tilespmem:s8+$0x40];
	_ =	sdelay $0x4  }
0x223: {  	[tilespmem:$0x1FE40] =	vst v0;
	v0 =	vld [tilespmem:s8+$0x50];
	_ =	sdelay $0x4  }
0x224: {  	[tilespmem:$0x1FE50] =	vst v0;
	v0 =	vld [tilespmem:s8+$0x60];
	_ =	sdelay $0x4  }
0x225: {  	[tilespmem:$0x1FE60] =	vst v0;
	v0 =	vld [tilespmem:s8+$0x70];
	_ =	sdelay $0x2  }
0x226: {  	s2 =	sadd.s32 $0xF580, s30  }
0x227: {  	s26 =	sadd.s32 s29, s2  }
0x228: {  	[tilespmem:$0x1FE70] =	vst v0;
	v0 =	vld [tilespmem:s26+$0x0];
	_ =	sdelay $0x4  }
0x229: {  	[tilespmem:$0x1FE80] =	vst v0;
	v0 =	vld [tilespmem:s26+$0x10];
	_ =	sdelay $0x4  }
0x22a: {  	[tilespmem:$0x1FE90] =	vst v0;
	v0 =	vld [tilespmem:s26+$0x20];
	_ =	sdelay $0x4  }
0x22b: {  	[tilespmem:$0x1FEA0] =	vst v0;
	v0 =	vld [tilespmem:s26+$0x30];
	_ =	sdelay $0x4  }
0x22c: {  	[tilespmem:$0x1FEB0] =	vst v0;
	v0 =	vld [tilespmem:s26+$0x40];
	_ =	sdelay $0x4  }
0x22d: {  	[tilespmem:$0x1FEC0] =	vst v0;
	v0 =	vld [tilespmem:s26+$0x50];
	_ =	sdelay $0x4  }
0x22e: {  	[tilespmem:$0x1FEE0] =	vst v0;
	v0 =	vld [tilespmem:s26+$0x60];
	_ =	sdelay $0x4  }
0x22f: {  	[tilespmem:$0x1FEF0] =	vst v0;
	v0 =	vld [tilespmem:s26+$0x70];
	_ =	sdelay $0x2  }
0x230: {  	s28 =	sadd.s32 $0xF980, s30  }
0x231: {  	s31 =	sadd.s32 s29, s28  }
0x232: {  	[tilespmem:$0x1FF00] =	vst v0;
	v0 =	vld [tilespmem:s31+$0x0];
	_ =	sdelay $0x4  }
0x233: {  	[tilespmem:$0x1FF10] =	vst v0;
	v0 =	vld [tilespmem:s31+$0x10]  }
0x234: {  	v57 =	vld [tilespmem:s14+$0x0]  }
0x235: {  	v28 =	vld [tilespmem:s14+$0x10]  }
0x236: {  	v29 =	vld [tilespmem:s14+$0x20]  }
0x237: {  	v30 =	vld [tilespmem:s14+$0x30]  }
0x238: {  	[tilespmem:$0x1FF20] =	vst v0;
	v0 =	vld [tilespmem:s31+$0x20]  }
0x239: {  	v31 =	vld [tilespmem:s14+$0x40]  }
0x23a: {  	v32 =	vld [tilespmem:s14+$0x50]  }
0x23b: {  	v33 =	vld [tilespmem:s14+$0x60]  }
0x23c: {  	v47 =	vld [tilespmem:s14+$0x70]  }
0x23d: {  	[tilespmem:$0x1FF30] =	vst v0;
	v0 =	vld [tilespmem:s31+$0x30]  }
0x23e: {  	v50 =	vld [tilespmem:s14+$0x400]  }
0x23f: {  	v46 =	vld [tilespmem:s14+$0x410]  }
0x240: {  	v52 =	vld [tilespmem:s14+$0x420]  }
0x241: {  	v54 =	vld [tilespmem:s14+$0x430]  }
0x242: {  	[tilespmem:$0x1FF40] =	vst v0;
	v0 =	vld [tilespmem:s31+$0x40]  }
0x243: {  	v55 =	vld [tilespmem:s14+$0x440]  }
0x244: {  	v49 =	vld [tilespmem:s14+$0x460]  }
0x245: {  	v1 =	vld [tilespmem:$0x1AC90]  }
0x246: {  	v2 =	vld [tilespmem:$0x1ACA0]  }
0x247: {  	[tilespmem:$0x1FF50] =	vst v0;
	v0 =	vld [tilespmem:s31+$0x50]  }
0x248: {  	v3 =	vld [tilespmem:$0x1ACB0]  }
0x249: {  	s12 =	simm.s32 $0x0;
	v4 =	vld [tilespmem:$0x1ACC0]  }
0x24a: {  	v5 =	vld [tilespmem:$0x1ACD0];
	s26 =	sand.u32 $0x300, s12;
	s12 =	simm.s32 $0x1  }
0x24b: {  	v7 =	vmov s11;
	v6 =	vld [tilespmem:$0x1ACE0];
	v8 =	vmov s12  }
0x24c: {  	v7 =	vadd.s32 $0x10, v7;
	v8 =	vadd.s32 $0x10, v8;
	[tilespmem:$0x1FF60] =	vst v0;
	v0 =	vld [tilespmem:s31+$0x60]  }
0x24d: {  	v7 =	vand.u32 $0xFFFFFFFE, v7;
	v9 =	vld [tilespmem:$0x1ACF0];
	v8 =	vbroadcast v8, $0x0  }
0x24e: {  	v25 =	vbroadcast v7, $0x0;
	v10 =	vld [tilespmem:$0x1AD00]  }
0x24f: {  	v11 =	vld [tilespmem:$0x1AD10]  }
0x250: {  	v12 =	vld [tilespmem:$0x1AD20]  }
0x251: {  	s4 =	sadd.s32 s26, s4;
	[tilespmem:$0x1FF70] =	vst v0;
	v0 =	vld [tilespmem:s31+$0x70]  }
0x252: {  	v27 =	vld [tilespmem:s4+$0x0]  }
0x253: {  	v7 =	vld.idx.msk [tilespmem:v8+s3+$0x0], $0xffff  }
0x254: {  	v8 =	vld.idx.msk [tilespmem:v25+s3+$0x0], $0xffff  }
0x255: {  	v13 =	vld [tilespmem:$0x1AD30]  }
0x256: {  	[tilespmem:$0x1FF80] =	vst v0;
	v0 =	vld [tilespmem:$0x1AC80]  }
0x257: {  	v35 =	vld [tilespmem:s4+$0x20]  }
0x258: {  	v36 =	vld [tilespmem:s4+$0x30]  }
0x259: {  	v14 =	vld [tilespmem:$0x1AD40];
	v27 =	vmul.f32 v27, v8  }
0x25a: {  	v15 =	vld [tilespmem:$0x1AD50]  }
0x25b: {  	v16 =	vld [tilespmem:$0x1AD60];
	v53 =	vmul.f32 v57, v7;
	v0 =	vadd.f32 v27, v0  }
0x25c: {  	v37 =	vld [tilespmem:s4+$0x40];
	v35 =	vmul.f32 v35, v8  }
0x25d: {  	v17 =	vld [tilespmem:$0x1AD70];
	v36 =	vmul.f32 v36, v8;
	v0 =	vadd.f32 v53, v0  }
0x25e: {  	v38 =	vld [tilespmem:s4+$0x50];
	v57 =	vmul.f32 v29, v7;
	v2 =	vadd.f32 v35, v2  }
0x25f: {  	v18 =	vld [tilespmem:$0x1AD80];
	v3 =	vadd.f32 v36, v3;
	[tilespmem:$0x1FC80] =	vst v0;
	v0 =	vmul.f32 v30, v7  }
0x260: {  	v40 =	vld [tilespmem:s4+$0x70];
	v2 =	vadd.f32 v57, v2  }
0x261: {  	v19 =	vld [tilespmem:$0x1AD90];
	v53 =	vmul.f32 v37, v8;
	v0 =	vadd.f32 v0, v3  }
0x262: {  	v39 =	vld [tilespmem:s4+$0x60];
	[tilespmem:$0x1FCA0] =	vst v2  }
0x263: {  	v20 =	vld [tilespmem:$0x1ADA0];
	v2 =	vmul.f32 v38, v8;
	[tilespmem:$0x1FCB0] =	vst v0;
	v0 =	vadd.f32 v53, v4;
	v4 =	vmul.f32 v31, v7  }
0x264: {  	v21 =	vld [tilespmem:$0x1ADB0]  }
0x265: {  	v22 =	vld [tilespmem:$0x1ADC0];
	v2 =	vadd.f32 v2, v5;
	v5 =	vmul.f32 v40, v8;
	v0 =	vadd.f32 v4, v0  }
0x266: {  	v42 =	vld [tilespmem:s4+$0x410]  }
0x267: {  	v24 =	vld [tilespmem:$0x1ADD0];
	v5 =	vadd.f32 v5, v9;
	v3 =	vmul.f32 v39, v8;
	[tilespmem:$0x1FCD0] =	vst v0;
	v0 =	vmul.f32 v47, v7  }
0x268: {  	v34 =	vld [tilespmem:s4+$0x10]  }
0x269: {  	v41 =	vld [tilespmem:s4+$0x400];
	v3 =	vadd.f32 v3, v6;
	v6 =	vmul.f32 v32, v7;
	v0 =	vadd.f32 v0, v5  }
0x26a: {  	v44 =	vld [tilespmem:s4+$0x430]  }
0x26b: {  	v40 =	vmul.f32 v33, v7;
	v4 =	vld [tilespmem:$0x1AE70];
	v2 =	vadd.f32 v6, v2;
	[tilespmem:$0x1FD10] =	vst v0;
	v0 =	vmul.f32 v42, v8  }
0x26c: {  	v43 =	vld [tilespmem:s4+$0x420]  }
0x26d: {  	v45 =	vld [tilespmem:s4+$0x440];
	v6 =	vmul.f32 v46, v7;
	[tilespmem:$0x1FCF0] =	vst v2;
	v2 =	vadd.f32 v40, v3;
	v0 =	vadd.f32 v0, v11  }
0x26e: {  	v59 =	vld [tilespmem:s4+$0x450]  }
0x26f: {  	v60 =	vld [tilespmem:s4+$0x460];
	[tilespmem:$0x1FD00] =	vst v2;
	v2 =	vmul.f32 v41, v8;
	v5 =	vmul.f32 v44, v8;
	v0 =	vadd.f32 v6, v0  }
0x270: {  	s14 =	sadd.s32 s26, s5;
	v61 =	vld [tilespmem:s4+$0x470];
	[tilespmem:$0x1FCE0] =	vst v4;
	v4 =	vmul.f32 v50, v7  }
0x271: {  	v62 =	vld [tilespmem:s14+$0x0];
	v2 =	vadd.f32 v2, v10;
	v5 =	vadd.f32 v5, v13;
	[tilespmem:$0x1FD30] =	vst v0;
	v0 =	vmul.f32 v54, v7  }
0x272: {  	v63 =	vld [tilespmem:s14+$0x10]  }
0x273: {  	v23 =	vld [tilespmem:s14+$0x20];
	v2 =	vadd.f32 v4, v2;
	v4 =	vmul.f32 v45, v8;
	v0 =	vadd.f32 v0, v5  }
0x274: {  	v26 =	vld [tilespmem:s14+$0x30]  }
0x275: {  	v51 =	vld [tilespmem:s14+$0x40];
	v5 =	vmul.f32 v55, v7;
	[tilespmem:$0x1FD50] =	vst v0;
	v0 =	vadd.f32 v4, v14  }
0x276: {  	v58 =	vld [tilespmem:s14+$0x50]  }
0x277: {  	v48 =	vld [tilespmem:s14+$0x60];
	v0 =	vadd.f32 v5, v0  }
0x278: {  	v56 =	vld [tilespmem:s14+$0x70]  }
0x279: {  	[tilespmem:$0x1FD70] =	vst v0;
	v0 =	vld [tilespmem:$0x1FD80]  }
0x27a: {  	v25 =	vld [tilespmem:$0x1ADE0];
	v34 =	vmul.f32 v34, v8  }
0x27b: {  	v29 =	vld [tilespmem:$0x1AE20];
	v3 =	vmul.f32 v43, v8  }
0x27c: {  	v34 =	vadd.f32 v34, v1;
	v1 =	vld [tilespmem:$0x1AE00];
	v4 =	vmul.f32 v61, v8  }
0x27d: {  	v36 =	vmul.f32 v28, v7;
	v28 =	vld [tilespmem:$0x1AE10];
	v3 =	vadd.f32 v3, v12  }
0x27e: {  	v35 =	vld [tilespmem:$0x1AF00];
	[tilespmem:$0x1FD20] =	vst v2;
	v2 =	vmul.f32 v52, v7;
	v4 =	vadd.f32 v4, v17;
	v0 =	vmul.f32 v0, v7  }
0x27f: {  	v6 =	vld [tilespmem:$0x1FD60]  }
0x280: {  	v2 =	vadd.f32 v2, v3;
	v0 =	vadd.f32 v0, v4;
	v4 =	vld [tilespmem:$0x1FDC0]  }
0x281: {  	v57 =	vld [tilespmem:$0x1AE60]  }
0x282: {  	v38 =	vld [tilespmem:$0x1AF30];
	[tilespmem:$0x1FD40] =	vst v2;
	v2 =	vmul.f32 v59, v8  }
0x283: {  	v33 =	vld [tilespmem:$0x1AF50];
	v5 =	vmul.f32 v62, v8  }
0x284: {  	v27 =	vld [tilespmem:$0x1ADF0];
	v37 =	vadd.f32 v36, v34;
	v6 =	vmul.f32 v6, v7;
	v2 =	vadd.f32 v2, v15  }
0x285: {  	v34 =	vld [tilespmem:$0x1AE50];
	v3 =	vmul.f32 v60, v8;
	[tilespmem:$0x1FDB0] =	vst v0;
	v0 =	vadd.f32 v5, v18;
	v4 =	vmul.f32 v4, v7  }
0x286: {  	v36 =	vld [tilespmem:$0x1AF10];
	v2 =	vadd.f32 v6, v2  }
0x287: {  	v9 =	vmul.f32 v49, v7;
	v30 =	vld [tilespmem:$0x1AE30];
	v3 =	vadd.f32 v3, v16;
	v0 =	vadd.f32 v4, v0  }
0x288: {  	v6 =	vld [tilespmem:$0x1FDD0];
	[tilespmem:$0x1FD90] =	vst v2  }
0x289: {  	v2 =	vadd.f32 v9, v3;
	[tilespmem:$0x1FDF0] =	vst v0;
	v0 =	vld [tilespmem:$0x1FE00]  }
0x28a: {  	[tilespmem:$0x1FC90] =	vst v37;
	v9 =	vld [tilespmem:$0x1FDE0]  }
0x28b: {  	v37 =	vld [tilespmem:$0x1AF20];
	[tilespmem:$0x1FDA0] =	vst v2;
	v2 =	vmul.f32 v63, v8  }
0x28c: {  	v39 =	vld [tilespmem:$0x1AF40];
	v5 =	vmul.f32 v26, v8  }
0x28d: {  	v53 =	vld [tilespmem:$0x1AE40];
	v3 =	vmul.f32 v23, v8;
	v6 =	vmul.f32 v6, v7;
	v2 =	vadd.f32 v2, v19  }
0x28e: {  	s31 =	sadd.s32 s26, s2;
	s2 =	sadd.s32 s26, s28;
	v31 =	vld [tilespmem:$0x1FF70];
	v5 =	vadd.f32 v5, v21;
	v0 =	vmul.f32 v0, v7  }
0x28f: {  	v32 =	vld [tilespmem:s2+$0x0];
	v3 =	vadd.f32 v3, v20;
	v9 =	vmul.f32 v9, v7;
	v2 =	vadd.f32 v6, v2  }
0x290: {  	v49 =	vadd.f32 v0, v5;
	v0 =	vld [tilespmem:$0x1FE40]  }
0x291: {  	v46 =	vld [tilespmem:$0x1AEB0];
	[tilespmem:$0x1FE20] =	vst v2;
	v2 =	vadd.f32 v9, v3  }
0x292: {  	v40 =	vld [tilespmem:$0x1AE80]  }
0x293: {  	v43 =	vld [tilespmem:$0x1AED0];
	[tilespmem:$0x1FE30] =	vst v2;
	v2 =	vmul.f32 v51, v8  }
0x294: {  	v47 =	vld [tilespmem:$0x1AF60];
	v9 =	vmul.f32 v56, v8  }
0x295: {  	v2 =	vadd.f32 v2, v22;
	v4 =	vld [tilespmem:$0x1AF70];
	v0 =	vmul.f32 v0, v7  }
0x296: {  	v18 =	vadd.f32 v9, v27;
	v9 =	vld [tilespmem:$0x1FE90]  }
0x297: {  	v5 =	vmul.f32 v48, v8;
	v48 =	vadd.f32 v0, v2;
	v0 =	vld [tilespmem:$0x1FEB0]  }
0x298: {  	v41 =	vld [tilespmem:$0x1AE90]  }
0x299: {  	v44 =	vld [tilespmem:$0x1AEE0]  }
0x29a: {  	[tilespmem:$0x1FE10] =	vst v4;
	v4 =	vld [tilespmem:$0x1FE50]  }
0x29b: {  	v19 =	vmul.f32 v9, v7;
	v9 =	vld [tilespmem:$0x1FEA0]  }
0x29c: {  	s30 =	sadd.s32 $0xFD80, s30;
	v22 =	vmul.f32 v0, v7;
	v0 =	vld [tilespmem:$0x1FEC0]  }
0x29d: {  	s29 =	sadd.s32 s29, s30;
	v10 =	vld [tilespmem:$0x1FE70];
	v3 =	vmul.f32 v58, v8  }
0x29e: {  	v12 =	vld [tilespmem:s29+$0x10]  }
0x29f: {  	v50 =	vld [tilespmem:$0x1AEA0];
	v3 =	vadd.f32 v3, v24;
	v4 =	vmul.f32 v4, v7  }
0x2a0: {  	v42 =	vld [tilespmem:$0x1AEC0]  }
0x2a1: {  	v13 =	vld [tilespmem:s29+$0x20];
	v20 =	vmul.f32 v9, v7;
	v9 =	vmul.f32 v0, v7;
	v0 =	vadd.f32 v4, v3  }
0x2a2: {  	v15 =	vmul.f32 v10, v7;
	v10 =	vld [tilespmem:$0x1FE80]  }
0x2a3: {  	[tilespmem:$0x1FED0] =	vst v0;
	v0 =	vld [tilespmem:$0x1FEE0]  }
0x2a4: {  	v45 =	vld [tilespmem:$0x1AEF0]  }
0x2a5: {  	v11 =	vld [tilespmem:s29+$0x0]  }
0x2a6: {  	v14 =	vld [tilespmem:s31+$0x0]  }
0x2a7: {  	v17 =	vld [tilespmem:s31+$0x10]  }
0x2a8: {  	v16 =	vmul.f32 v10, v7;
	v10 =	vmul.f32 v0, v7;
	v0 =	vld [tilespmem:$0x1FEF0]  }
0x2a9: {  	v6 =	vld [tilespmem:$0x1FE60]  }
0x2aa: {  	v23 =	vld [tilespmem:s31+$0x30]  }
0x2ab: {  	v2 =	vld [tilespmem:$0x1FF10]  }
0x2ac: {  	v24 =	vld [tilespmem:s29+$0x30]  }
0x2ad: {  	v56 =	vmul.f32 v0, v7;
	v0 =	vld [tilespmem:$0x1FF00]  }
0x2ae: {  	v27 =	vld [tilespmem:s31+$0x70];
	v6 =	vmul.f32 v6, v7;
	v5 =	vadd.f32 v5, v25  }
0x2af: {  	v21 =	vld [tilespmem:s31+$0x20]  }
0x2b0: {  	v54 =	vadd.f32 v15, v18;
	v18 =	vld [tilespmem:s29+$0x50];
	v52 =	vadd.f32 v6, v5;
	v5 =	vmul.f32 v2, v7  }
0x2b1: {  	v15 =	vld [tilespmem:s31+$0x40];
	v2 =	vmul.f32 v17, v8;
	v4 =	vmul.f32 v23, v8  }
0x2b2: {  	v6 =	vld [tilespmem:$0x1FF50];
	v55 =	vmul.f32 v0, v7;
	v0 =	vmul.f32 v14, v8  }
0x2b3: {  	v17 =	vadd.f32 v2, v28;
	v2 =	vld [tilespmem:$0x1FF30]  }
0x2b4: {  	v26 =	vadd.f32 v4, v30;
	v4 =	vld [tilespmem:$0x1FF60];
	v3 =	vadd.f32 v0, v1  }
0x2b5: {  	v14 =	vld [tilespmem:s29+$0x40]  }
0x2b6: {  	v1 =	vmul.f32 v21, v8;
	v58 =	vadd.f32 v16, v3;
	v3 =	vld [tilespmem:$0x1FF80]  }
0x2b7: {  	[tilespmem:$0x1FCC0] =	vst v57;
	v57 =	vmul.f32 v11, v7;
	v59 =	vmul.f32 v13, v7;
	v0 =	vld [tilespmem:$0x1FF20]  }
0x2b8: {  	v13 =	vmul.f32 v32, v8;
	v63 =	vmul.f32 v31, v7;
	v21 =	vld [tilespmem:s31+$0x50];
	v23 =	vadd.f32 v1, v29  }
0x2b9: {  	v62 =	vmul.f32 v24, v7;
	v6 =	vmul.f32 v6, v7;
	v60 =	vadd.f32 v19, v17;
	v1 =	vld [tilespmem:$0x1FF40]  }
0x2ba: {  	v25 =	vld [tilespmem:s31+$0x60];
	v2 =	vmul.f32 v2, v7;
	v4 =	vmul.f32 v4, v7;
	v11 =	vadd.f32 v20, v23  }
0x2bb: {  	v17 =	vld [tilespmem:s2+$0x20];
	v51 =	vmul.f32 v3, v7;
	v3 =	vmul.f32 v12, v7;
	v12 =	vadd.f32 v22, v26  }
0x2bc: {  	v16 =	vld [tilespmem:s2+$0x10];
	v61 =	vmul.f32 v14, v7;
	[tilespmem:$0x1FFA0] =	vst v11;
	v11 =	vmul.f32 v15, v8  }
0x2bd: {  	v20 =	vmul.f32 v27, v8;
	v15 =	vld [tilespmem:s2+$0x30];
	[tilespmem:$0x1FFB0] =	vst v12;
	v12 =	vmul.f32 v21, v8  }
0x2be: {  	v0 =	vmul.f32 v0, v7;
	v1 =	vmul.f32 v1, v7;
	v14 =	vadd.f32 v11, v53;
	v11 =	vld [tilespmem:s2+$0x40]  }
0x2bf: {  	s28 =	simm.s32 $0x2;
	v53 =	vmul.f32 v18, v7;
	v18 =	vmul.f32 v25, v8;
	[tilespmem:$0x1FF90] =	vst v3;
	v19 =	vadd.f32 v12, v34;
	v12 =	vld [tilespmem:s2+$0x50]  }
.LBB2_30:
0x2c0: {  	v21 =	vld [tilespmem:$0x1FCC0];
	_ =	sdelay $0x4  }
0x2c1: {  	v9 =	vadd.f32 v9, v14;
	v18 =	vadd.f32 v18, v21;
	v21 =	vld [tilespmem:$0x1FCE0];
	_ =	sdelay $0x1  }
0x2c2: {  	[tilespmem:$0x1FC60] =	vst v9;
	v9 =	vadd.f32 v10, v19;
	_ =	sdelay $0x1  }
0x2c3: {  	[tilespmem:$0x1FC70] =	vst v9;
	v9 =	vmul.f32 v15, v8  }
0x2c4: {  	v14 =	vadd.f32 v56, v18;
	v20 =	vadd.f32 v20, v21  }
0x2c5: {  	v9 =	vadd.f32 v9, v46;
	v21 =	vld [tilespmem:s2+$0x60]  }
0x2c6: {  	v16 =	vmul.f32 v16, v8;
	v17 =	vmul.f32 v17, v8;
	[tilespmem:$0x1FCC0] =	vst v14;
	v14 =	vadd.f32 v55, v20  }
0x2c7: {  	v11 =	vmul.f32 v11, v8;
	v1 =	vadd.f32 v1, v9  }
0x2c8: {  	s14 =	sadd.s32 s26, s30;
	[tilespmem:$0x1FCE0] =	vst v14;
	v14 =	vadd.f32 v16, v41;
	v16 =	vadd.f32 v17, v50  }
0x2c9: {  	v10 =	vld [tilespmem:s14+$0x0];
	[tilespmem:$0x1FB60] =	vst v1;
	v1 =	vadd.f32 v11, v42  }
0x2ca: {  	v12 =	vmul.f32 v12, v8;
	v18 =	vmul.f32 v21, v8;
	v2 =	vadd.f32 v2, v16  }
0x2cb: {  	v1 =	vadd.f32 v6, v1  }
0x2cc: {  	v22 =	vld [tilespmem:s2+$0x70];
	v11 =	vadd.f32 v18, v44;
	[tilespmem:$0x1FB70] =	vst v2;
	v2 =	vadd.f32 v12, v43  }
0x2cd: {  	v19 =	vld [tilespmem:s14+$0x30]  }
0x2ce: {  	v9 =	vmul.f32 v10, v8;
	[tilespmem:$0x1FB80] =	vst v1;
	v1 =	vadd.f32 v4, v2;
	v2 =	vadd.f32 v63, v11  }
0x2cf: {  	v13 =	vadd.f32 v13, v40;
	v15 =	vld [tilespmem:s14+$0x10];
	v0 =	vadd.f32 v0, v14  }
0x2d0: {  	v17 =	vld [tilespmem:s14+$0x20];
	[tilespmem:$0x1FB90] =	vst v2;
	v2 =	vadd.f32 v9, v35  }
0x2d1: {  	v3 =	vadd.f32 v5, v13;
	v5 =	vld [tilespmem:s14+$0x40];
	[tilespmem:$0x1FBF0] =	vst v0;
	v0 =	vmul.f32 v22, v8  }
0x2d2: {  	[tilespmem:$0x1FBA0] =	vst v1;
	v1 =	vmul.f32 v19, v8;
	v2 =	vadd.f32 v57, v2  }
0x2d3: {  	v10 =	vld [tilespmem:s14+$0x50];
	v0 =	vadd.f32 v0, v45  }
0x2d4: {  	v1 =	vadd.f32 v1, v38;
	[tilespmem:$0x1FC10] =	vst v2;
	v2 =	vld [tilespmem:$0x1FF90]  }
0x2d5: {  	v13 =	vld [tilespmem:s14+$0x60];
	v12 =	vmul.f32 v15, v8;
	v14 =	vmul.f32 v17, v8;
	v0 =	vadd.f32 v51, v0  }
0x2d6: {  	[tilespmem:$0x1FBD0] =	vst v3;
	v4 =	vmul.f32 v5, v8;
	v1 =	vadd.f32 v62, v1  }
0x2d7: {  	v15 =	vld [tilespmem:s14+$0x70];
	v3 =	vadd.f32 v12, v36;
	v6 =	vadd.f32 v14, v37;
	[tilespmem:$0x1FBB0] =	vst v0  }
0x2d8: {  	v0 =	vld [tilespmem:s29+$0x60];
	[tilespmem:$0x1FBC0] =	vst v1;
	v1 =	vadd.f32 v4, v39  }
0x2d9: {  	v5 =	vld [tilespmem:s29+$0x70];
	v9 =	vmul.f32 v10, v8;
	v2 =	vadd.f32 v2, v3;
	v3 =	vadd.f32 v59, v6  }
0x2da: {  	v10 =	vmul.f32 v13, v8;
	v1 =	vadd.f32 v61, v1;
	v6 =	vld [tilespmem:$0x1FE10]  }
0x2db: {  	s31 =	sshrl.u32 s28, $0x3;
	[tilespmem:$0x1FC20] =	vst v3;
	v3 =	vadd.f32 v9, v33  }
0x2dc: {  	s2 =	smul.u32 $0x6000, s31;
	v4 =	vadd.f32 v10, v47;
	[tilespmem:$0x1FBE0] =	vst v1  }
0x2dd: {  	v0 =	vmul.f32 v0, v7;
	[tilespmem:$0x1FC00] =	vst v2;
	v2 =	vmul.f32 v15, v8;
	v1 =	vadd.f32 v53, v3  }
0x2de: {  	s26 =	sadd.s32 $0x1, s28;
	s25 =	sadd.s32 $0x100, s25;
	s29 =	sshra.s32 s2, $0x2;
	v5 =	vmul.f32 v5, v7  }
0x2df: {  	s11 =	sadd.s32 $0xE980, s29;
	v0 =	vadd.f32 v0, v4;
	v2 =	vadd.f32 v2, v6;
	[tilespmem:$0x1FC30] =	vst v1;
	v1 =	vmov s26;
	s26 =	sand.u32 $0x380, s25  }
0x2e0: {  	s4 =	sadd.s32 s26, s11  }
0x2e1: {  	[tilespmem:$0x1FB50] =	vst v0;
	v0 =	vadd.f32 v5, v2;
	v2 =	vld [tilespmem:s4+$0x20]  }
0x2e2: {  	v3 =	vld [tilespmem:s4+$0x30]  }
0x2e3: {  	v4 =	vld [tilespmem:s4+$0x40]  }
0x2e4: {  	v5 =	vld [tilespmem:s4+$0x50]  }
0x2e5: {  	v9 =	vld [tilespmem:s4+$0x70]  }
0x2e6: {  	v10 =	vld [tilespmem:s4+$0x400]  }
0x2e7: {  	v11 =	vld [tilespmem:s4+$0x410]  }
0x2e8: {  	v12 =	vld [tilespmem:s4+$0x420]  }
0x2e9: {  	v13 =	vld [tilespmem:s4+$0x430]  }
0x2ea: {  	v14 =	vld [tilespmem:s4+$0x440]  }
0x2eb: {  	v15 =	vld [tilespmem:s4+$0x450]  }
0x2ec: {  	s5 =	sadd.s32 $0xF580, s29;
	v16 =	vld [tilespmem:s4+$0x460]  }
0x2ed: {  	s8 =	sadd.s32 s26, s5;
	v17 =	vld [tilespmem:s4+$0x470]  }
0x2ee: {  	v6 =	vmov s28;
	v1 =	vadd.s32 $0x10, v1;
	v61 =	vld [tilespmem:s8+$0x10]  }
0x2ef: {  	v1 =	vbroadcast v1, $0x0;
	v62 =	vld [tilespmem:s8+$0x20];
	[tilespmem:$0x1FE10] =	vst v0;
	v0 =	vadd.s32 $0x10, v6  }
0x2f0: {  	s31 =	sadd.s32 $0xF980, s29;
	v53 =	vld [tilespmem:s8+$0x30];
	v0 =	vand.u32 $0xFFFFFFFE, v0  }
0x2f1: {  	s14 =	sadd.s32 s26, s31;
	v51 =	vld [tilespmem:s8+$0x50];
	v0 =	vbroadcast v0, $0x0  }
0x2f2: {  	v41 =	vld [tilespmem:s14+$0x40]  }
0x2f3: {  	v42 =	vld [tilespmem:s14+$0x50]  }
0x2f4: {  	v6 =	vld [tilespmem:s4+$0x60]  }
0x2f5: {  	v7 =	vld.idx.msk [tilespmem:v1+s3+$0x0], $0xffff  }
0x2f6: {  	v1 =	vld [tilespmem:s4+$0x10]  }
0x2f7: {  	s12 =	sadd.s32 $0xF180, s29;
	v8 =	vld.idx.msk [tilespmem:v0+s3+$0x0], $0xffff  }
0x2f8: {  	s30 =	sadd.s32 $0xFD80, s29;
	v0 =	vld [tilespmem:s4+$0x0];
	s4 =	sadd.s32 s26, s12  }
0x2f9: {  	[tilespmem:$0x1FC40] =	vst v58;
	s29 =	sadd.s32 s26, s30;
	v58 =	vld [tilespmem:s4+$0x60]  }
0x2fa: {  	v45 =	vld [tilespmem:s29+$0x30]  }
0x2fb: {  	v35 =	vld [tilespmem:s29+$0x40]  }
0x2fc: {  	v36 =	vld [tilespmem:s29+$0x50]  }
0x2fd: {  	v19 =	vld [tilespmem:s4+$0x10]  }
0x2fe: {  	s26 =	sadd.s32 $0xFFFFFF80, s25;
	v26 =	vmul.f32 v15, v7;
	v15 =	vmul.f32 v58, v7;
	v58 =	vld [tilespmem:s29+$0x10]  }
0x2ff: {  	v20 =	vld [tilespmem:s4+$0x20];
	s26 =	sand.u32 $0x300, s26  }
0x300: {  	v47 =	vld [tilespmem:s4+$0x30];
	s11 =	sadd.s32 s26, s11  }
0x301: {  	v40 =	vmul.f32 v3, v7;
	v27 =	vmul.f32 v12, v7;
	v46 =	vld [tilespmem:s11+$0x0]  }
0x302: {  	v56 =	vld [tilespmem:s4+$0x40];
	v25 =	vmul.f32 v14, v7;
	v12 =	vmul.f32 v61, v7  }
0x303: {  	v14 =	vmul.f32 v53, v7;
	v53 =	vmul.f32 v58, v7;
	v58 =	vld [tilespmem:$0x1FC80]  }
0x304: {  	v3 =	vld [tilespmem:s14+$0x10];
	v61 =	vmul.f32 v35, v7;
	v37 =	vmul.f32 v0, v7  }
0x305: {  	v0 =	vld [tilespmem:s8+$0x60];
	v22 =	vmul.f32 v19, v7;
	v19 =	vmul.f32 v20, v7  }
0x306: {  	v20 =	vmul.f32 v47, v7;
	v47 =	vld [tilespmem:s11+$0x10];
	v35 =	vmul.f32 v46, v8  }
0x307: {  	v38 =	vmul.f32 v1, v7;
	v1 =	vld [tilespmem:s8+$0x70]  }
0x308: {  	v39 =	vmul.f32 v2, v7;
	v31 =	vmul.f32 v6, v7;
	v35 =	vadd.f32 v35, v58;
	v58 =	vld [tilespmem:$0x1FC90]  }
0x309: {  	v2 =	vld [tilespmem:s14+$0x0];
	v24 =	vmul.f32 v17, v7;
	v17 =	vmul.f32 v56, v7  }
0x30a: {  	v6 =	vld [tilespmem:s14+$0x30];
	v56 =	vmul.f32 v0, v7;
	v0 =	vmul.f32 v3, v7  }
0x30b: {  	v3 =	vmov v48;
	v48 =	vld [tilespmem:s11+$0x20];
	[tilespmem:$0x1FF90] =	vst v53;
	v53 =	vmul.f32 v36, v7;
	v36 =	vmul.f32 v47, v8  }
0x30c: {  	v33 =	vmul.f32 v4, v7;
	v34 =	vmul.f32 v5, v7;
	v4 =	vld [tilespmem:s14+$0x20]  }
0x30d: {  	v28 =	vmul.f32 v13, v7;
	v13 =	vmul.f32 v62, v7;
	v36 =	vadd.f32 v36, v58;
	v58 =	vld [tilespmem:$0x1FCA0]  }
0x30e: {  	v62 =	vmul.f32 v45, v7;
	v45 =	vld [tilespmem:s11+$0x70];
	v55 =	vmul.f32 v1, v7  }
0x30f: {  	v44 =	vld [tilespmem:s14+$0x70];
	v5 =	vmul.f32 v2, v7;
	v1 =	vmul.f32 v6, v7  }
0x310: {  	v6 =	vmul.f32 v41, v7;
	v41 =	vld [tilespmem:s11+$0x30];
	v46 =	vmul.f32 v48, v8  }
0x311: {  	v2 =	vmul.f32 v4, v7;
	v4 =	vmul.f32 v42, v7;
	v42 =	vld [tilespmem:s11+$0x40];
	v35 =	vadd.f32 v37, v35  }
0x312: {  	v46 =	vadd.f32 v46, v58;
	v58 =	vld [tilespmem:$0x1FCB0]  }
0x313: {  	[tilespmem:$0x1FC80] =	vst v35;
	v35 =	vmul.f32 v45, v8;
	v45 =	vld [tilespmem:$0x1FCD0];
	_ =	sdelay $0x1  }
0x314: {  	v29 =	vmul.f32 v10, v7;
	v41 =	vmul.f32 v41, v8  }
0x315: {  	[tilespmem:$0x1FC50] =	vst v60;
	v60 =	vld [tilespmem:s8+$0x0];
	v10 =	vmul.f32 v51, v7;
	v42 =	vmul.f32 v42, v8  }
0x316: {  	v51 =	vmul.f32 v44, v7;
	v44 =	vld [tilespmem:s11+$0x60];
	v41 =	vadd.f32 v41, v58;
	v58 =	vadd.f32 v39, v46  }
0x317: {  	v37 =	vadd.f32 v42, v45;
	v45 =	vld [tilespmem:$0x1FD10]  }
0x318: {  	[tilespmem:$0x1FCA0] =	vst v58;
	v58 =	vld [tilespmem:$0x1FD00]  }
0x319: {  	v50 =	vld [tilespmem:s8+$0x40]  }
0x31a: {  	v30 =	vmul.f32 v11, v7;
	v11 =	vmul.f32 v60, v7;
	v60 =	vmovc v52;
	v52 =	vmov v49;
	v49 =	vld [tilespmem:s11+$0x420]  }
0x31b: {  	v44 =	vmul.f32 v44, v8;
	v41 =	vadd.f32 v40, v41  }
0x31c: {  	v43 =	vld [tilespmem:s14+$0x60]  }
0x31d: {  	v32 =	vmul.f32 v9, v7;
	v48 =	vld [tilespmem:s11+$0x410];
	v35 =	vadd.f32 v35, v45;
	[tilespmem:$0x1FCB0] =	vst v41;
	v41 =	vadd.f32 v44, v58  }
0x31e: {  	v9 =	vmul.f32 v50, v7;
	v50 =	vld [tilespmem:s11+$0x430]  }
0x31f: {  	v44 =	vmul.f32 v49, v8;
	v49 =	vld [tilespmem:$0x1FD30];
	v31 =	vadd.f32 v31, v41;
	v41 =	vadd.f32 v32, v35;
	_ =	sdelay $0x1  }
0x320: {  	[tilespmem:$0x1FD10] =	vst v41;
	v41 =	vld [tilespmem:$0x1FD50]  }
0x321: {  	v18 =	vld [tilespmem:s4+$0x0];
	v33 =	vadd.f32 v33, v37;
	v58 =	vmul.f32 v48, v8  }
0x322: {  	v63 =	vmul.f32 v43, v7;
	v43 =	vld [tilespmem:s11+$0x50]  }
0x323: {  	[tilespmem:$0x1FCD0] =	vst v33;
	v33 =	vmul.f32 v50, v8;
	v32 =	vadd.f32 v58, v49;
	v58 =	vld [tilespmem:$0x1FD40]  }
0x324: {  	v38 =	vadd.f32 v38, v36;
	v36 =	vld [tilespmem:s11+$0x440]  }
0x325: {  	v46 =	vld [tilespmem:$0x1FCF0];
	v33 =	vadd.f32 v33, v41  }
0x326: {  	v57 =	vld [tilespmem:s4+$0x50]  }
0x327: {  	v49 =	vadd.f32 v30, v32;
	v32 =	vadd.f32 v28, v33;
	v33 =	vld [tilespmem:$0x1FD70]  }
0x328: {  	v43 =	vmul.f32 v43, v8;
	v47 =	vld [tilespmem:s11+$0x400];
	v37 =	vadd.f32 v44, v58  }
0x329: {  	v40 =	vld [tilespmem:s11+$0x450]  }
0x32a: {  	[tilespmem:$0x1FC90] =	vst v38;
	v38 =	vadd.f32 v43, v46;
	v43 =	vld [tilespmem:s11+$0x460];
	v35 =	vmul.f32 v36, v8;
	v27 =	vadd.f32 v27, v37  }
0x32b: {  	v48 =	vld [tilespmem:$0x1FD20]  }
0x32c: {  	[tilespmem:$0x1FD40] =	vst v27;
	v27 =	vadd.f32 v35, v33;
	v35 =	vld [tilespmem:$0x1FD90]  }
0x32d: {  	v59 =	vld [tilespmem:s4+$0x70];
	v38 =	vadd.f32 v34, v38  }
0x32e: {  	v37 =	vld [tilespmem:$0x1FDA0]  }
0x32f: {  	s4 =	sadd.s32 s26, s12;
	v45 =	vld [tilespmem:s11+$0x470];
	v39 =	vmul.f32 v47, v8;
	[tilespmem:$0x1FCF0] =	vst v38;
	v38 =	vmul.f32 v40, v8  }
0x330: {  	v34 =	vld [tilespmem:s4+$0x0]  }
0x331: {  	v36 =	vld [tilespmem:s4+$0x10];
	[tilespmem:$0x1FD00] =	vst v31;
	v31 =	vadd.f32 v39, v48;
	v48 =	vmul.f32 v43, v8;
	v28 =	vadd.f32 v38, v35  }
0x332: {  	v39 =	vld [tilespmem:s4+$0x20]  }
0x333: {  	[tilespmem:$0x1FD30] =	vst v49;
	v33 =	vadd.f32 v48, v37;
	v48 =	vld [tilespmem:$0x1FDB0];
	v49 =	vadd.f32 v26, v28  }
0x334: {  	v21 =	vmul.f32 v18, v7;
	v18 =	vmul.f32 v57, v7;
	v57 =	vld [tilespmem:s29+$0x0]  }
0x335: {  	v23 =	vmul.f32 v16, v7;
	[tilespmem:$0x1FD90] =	vst v49;
	v49 =	vld [tilespmem:$0x1FE30]  }
0x336: {  	v16 =	vmul.f32 v59, v7;
	v59 =	vld [tilespmem:s29+$0x20];
	v29 =	vadd.f32 v29, v31;
	v58 =	vmul.f32 v45, v8  }
0x337: {  	v30 =	vld [tilespmem:s4+$0x40];
	v31 =	vmul.f32 v34, v8;
	v34 =	vmul.f32 v36, v8  }
0x338: {  	v42 =	vld [tilespmem:$0x1FB80];
	[tilespmem:$0x1FD20] =	vst v29;
	v36 =	vmul.f32 v39, v8;
	v23 =	vadd.f32 v23, v33;
	v29 =	vadd.f32 v58, v48  }
0x339: {  	v50 =	vld [tilespmem:$0x1FB70]  }
0x33a: {  	v41 =	vld [tilespmem:s4+$0x30];
	[tilespmem:$0x1FDA0] =	vst v23;
	v23 =	vadd.f32 v24, v29;
	v29 =	vadd.f32 v36, v49  }
0x33b: {  	[tilespmem:$0x1FD50] =	vst v32;
	v32 =	vld [tilespmem:s4+$0x50]  }
0x33c: {  	v25 =	vadd.f32 v25, v27;
	v27 =	vmul.f32 v30, v8;
	v35 =	vld [tilespmem:s4+$0x60];
	v19 =	vadd.f32 v19, v29  }
0x33d: {  	[tilespmem:$0x1FDB0] =	vst v23;
	v23 =	vld [tilespmem:$0x1FDF0]  }
0x33e: {  	[tilespmem:$0x1FE30] =	vst v19;
	v19 =	vadd.f32 v27, v3;
	v3 =	vld [tilespmem:$0x1FED0]  }
0x33f: {  	v58 =	vmul.f32 v41, v8;
	v48 =	vld [tilespmem:$0x1FE20]  }
0x340: {  	v47 =	vld [tilespmem:$0x1FB50]  }
0x341: {  	v46 =	vld [tilespmem:$0x1FB60];
	[tilespmem:$0x1FD70] =	vst v25;
	v25 =	vadd.f32 v58, v52;
	v52 =	vmul.f32 v32, v8  }
0x342: {  	v40 =	vld [tilespmem:$0x1FBD0];
	v23 =	vadd.f32 v31, v23  }
0x343: {  	s2 =	sadd.s32 s26, s5;
	v37 =	vld [tilespmem:s4+$0x70];
	v49 =	vadd.f32 v20, v25;
	v20 =	vadd.f32 v52, v3  }
0x344: {  	v26 =	vld [tilespmem:s2+$0x0];
	v58 =	vmul.f32 v35, v8;
	v24 =	vadd.f32 v34, v48;
	v21 =	vadd.f32 v21, v23  }
0x345: {  	v31 =	vld [tilespmem:s2+$0x20];
	v3 =	vadd.f32 v18, v20  }
0x346: {  	[tilespmem:$0x1FDF0] =	vst v21;
	v21 =	vadd.f32 v22, v24;
	v22 =	vld [tilespmem:s2+$0x40];
	v52 =	vadd.f32 v58, v60  }
0x347: {  	[tilespmem:$0x1FED0] =	vst v3;
	v3 =	vld [tilespmem:$0x1FC40]  }
0x348: {  	v52 =	vadd.f32 v15, v52;
	v15 =	vld [tilespmem:$0x1FFA0]  }
0x349: {  	v43 =	vld [tilespmem:$0x1FBA0];
	[tilespmem:$0x1FE20] =	vst v21;
	v21 =	vmul.f32 v37, v8  }
0x34a: {  	v28 =	vld [tilespmem:s2+$0x10];
	v23 =	vmul.f32 v26, v8  }
0x34b: {  	v33 =	vld [tilespmem:s2+$0x30];
	v21 =	vadd.f32 v21, v54;
	v60 =	vmul.f32 v31, v8  }
0x34c: {  	v48 =	vadd.f32 v17, v19;
	v19 =	vadd.f32 v23, v3;
	v3 =	vld [tilespmem:$0x1FC50]  }
0x34d: {  	v54 =	vadd.f32 v16, v21;
	v21 =	vmul.f32 v22, v8;
	v22 =	vadd.f32 v60, v15;
	v15 =	vld [tilespmem:$0x1FFB0]  }
0x34e: {  	v44 =	vld [tilespmem:$0x1FB90]  }
0x34f: {  	v45 =	vld [tilespmem:$0x1FBB0];
	v26 =	vmul.f32 v28, v8  }
0x350: {  	v39 =	vld [tilespmem:$0x1FBE0];
	v17 =	vmul.f32 v33, v8  }
0x351: {  	v38 =	vld [tilespmem:$0x1FBC0];
	v20 =	vadd.f32 v26, v3  }
0x352: {  	v41 =	vld [tilespmem:$0x1FBF0];
	v23 =	vadd.f32 v17, v15  }
0x353: {  	v35 =	vld [tilespmem:$0x1FC10];
	v60 =	vadd.f32 v12, v20;
	v12 =	vadd.f32 v13, v22  }
0x354: {  	v36 =	vld [tilespmem:$0x1FC00]  }
0x355: {  	v29 =	vld [tilespmem:s2+$0x70];
	[tilespmem:$0x1FFA0] =	vst v12;
	v12 =	vadd.f32 v14, v23  }
0x356: {  	v24 =	vld [tilespmem:s2+$0x50]  }
0x357: {  	[tilespmem:$0x1FFB0] =	vst v12;
	v12 =	vld [tilespmem:$0x1FC60]  }
0x358: {  	v33 =	vld [tilespmem:$0x1FC30]  }
0x359: {  	v58 =	vld [tilespmem:s2+$0x60]  }
0x35a: {  	v37 =	vld [tilespmem:$0x1FC20];
	s2 =	sadd.s32 s26, s31  }
0x35b: {  	v34 =	vld [tilespmem:s2+$0x0]  }
0x35c: {  	p1 =	slt.u32 s28, $0x3E;
	v14 =	vadd.f32 v21, v12;
	v12 =	vld [tilespmem:$0x1FC70]  }
.Ltmp19:
0x35d: {  	v16 =	vld [tilespmem:s2+$0x10];
	(pc) =	sbr.rel @p1 .LBB2_30-.Ltmp19, $4  }
0x35e: {  	v18 =	vmul.f32 v58, v8;
	v58 =	vadd.f32 v11, v19;
	v11 =	vld [tilespmem:s2+$0x40]  }
0x35f: {  	v24 =	vmul.f32 v24, v8;
	v17 =	vld [tilespmem:s2+$0x20]  }
0x360: {  	v57 =	vmul.f32 v57, v7;
	v59 =	vmul.f32 v59, v7;
	v15 =	vld [tilespmem:s2+$0x30]  }
0x361: {  	s28 =	sadd.s32 $0x2, s28;
	v20 =	vmul.f32 v29, v8;
	v13 =	vmul.f32 v34, v8;
	v19 =	vadd.f32 v24, v12;
	v12 =	vld [tilespmem:s2+$0x50]  }
0x362: {  	v21 =	vld [tilespmem:s2+$0x60]  }
0x363: {  	v22 =	vld [tilespmem:s2+$0x70]  }
0x364: {  	v31 =	vld [tilespmem:s29+$0x60]  }
0x365: {  	v32 =	vld [tilespmem:s29+$0x70]  }
0x366: {  	s4 =	sadd.s32 s26, s30;
	v34 =	vld [tilespmem:$0x1FC80]  }
0x367: {  	v23 =	vld [tilespmem:s4+$0x0]  }
0x368: {  	v24 =	vld [tilespmem:s4+$0x10]  }
0x369: {  	v25 =	vld [tilespmem:s4+$0x20]  }
0x36a: {  	v26 =	vld [tilespmem:s4+$0x30]  }
0x36b: {  	v27 =	vld [tilespmem:s4+$0x40]  }
0x36c: {  	v28 =	vld [tilespmem:s4+$0x50]  }
0x36d: {  	v29 =	vld [tilespmem:s4+$0x60]  }
0x36e: {  	v30 =	vld [tilespmem:s4+$0x70]  }
0x36f: {  	[tilespmem:$0x1A980] =	vst v34;
	v34 =	vld [tilespmem:$0x1FC90];
	_ =	sdelay $0x4  }
0x370: {  	[tilespmem:$0x1A990] =	vst v34;
	v34 =	vld [tilespmem:$0x1FCA0];
	_ =	sdelay $0x4  }
0x371: {  	[tilespmem:$0x1A9A0] =	vst v34;
	v34 =	vld [tilespmem:$0x1FCB0];
	_ =	sdelay $0x4  }
0x372: {  	[tilespmem:$0x1A9B0] =	vst v34;
	v34 =	vld [tilespmem:$0x1FCD0];
	_ =	sdelay $0x4  }
0x373: {  	[tilespmem:$0x1A9C0] =	vst v34;
	v34 =	vld [tilespmem:$0x1FCF0];
	_ =	sdelay $0x4  }
0x374: {  	[tilespmem:$0x1A9D0] =	vst v34;
	v34 =	vld [tilespmem:$0x1FD00];
	_ =	sdelay $0x4  }
0x375: {  	[tilespmem:$0x1A9E0] =	vst v34;
	v34 =	vld [tilespmem:$0x1FD10];
	_ =	sdelay $0x4  }
0x376: {  	[tilespmem:$0x1A9F0] =	vst v34;
	v34 =	vld [tilespmem:$0x1FD20];
	_ =	sdelay $0x4  }
0x377: {  	[tilespmem:$0x1AA00] =	vst v34;
	v34 =	vld [tilespmem:$0x1FD30];
	_ =	sdelay $0x4  }
0x378: {  	[tilespmem:$0x1AA10] =	vst v34;
	v34 =	vld [tilespmem:$0x1FD40];
	_ =	sdelay $0x4  }
0x379: {  	[tilespmem:$0x1AA20] =	vst v34;
	v34 =	vld [tilespmem:$0x1FD50];
	_ =	sdelay $0x3  }
0x37a: {  	[tilespmem:$0x1AAB0] =	vst v49  }
0x37b: {  	[tilespmem:$0x1AA30] =	vst v34;
	v34 =	vld [tilespmem:$0x1FD70]  }
0x37c: {  	[tilespmem:$0x1AAC0] =	vst v48  }
0x37d: {  	[tilespmem:$0x1AAE0] =	vst v52  }
0x37e: {  	v3 =	vld [tilespmem:$0x1FED0];
	[tilespmem:$0x1AAF0] =	vst v54  }
0x37f: {  	[tilespmem:$0x1AB10] =	vst v60;
	v60 =	vld [tilespmem:$0x1FCC0]  }
0x380: {  	v9 =	vadd.f32 v9, v14;
	[tilespmem:$0x1AA40] =	vst v34;
	v34 =	vld [tilespmem:$0x1FD90]  }
0x381: {  	[tilespmem:$0x1AB00] =	vst v58;
	v10 =	vadd.f32 v10, v19  }
0x382: {  	v16 =	vmul.f32 v16, v8;
	v48 =	vld [tilespmem:$0x1FFA0];
	v13 =	vadd.f32 v13, v40;
	[tilespmem:$0x1AB40] =	vst v9  }
0x383: {  	v11 =	vmul.f32 v11, v8;
	[tilespmem:$0x1AB50] =	vst v10  }
0x384: {  	v54 =	vmul.f32 v17, v8;
	v16 =	vadd.f32 v16, v41;
	v5 =	vadd.f32 v5, v13;
	[tilespmem:$0x1AAD0] =	vst v3  }
0x385: {  	v58 =	vadd.f32 v11, v42;
	v18 =	vadd.f32 v18, v60;
	[tilespmem:$0x1AA50] =	vst v34;
	v34 =	vld [tilespmem:$0x1FDA0]  }
0x386: {  	v9 =	vadd.f32 v54, v50;
	v0 =	vadd.f32 v0, v16;
	v12 =	vmul.f32 v12, v8;
	[tilespmem:$0x1AB80] =	vst v5  }
0x387: {  	v6 =	vadd.f32 v6, v58;
	[tilespmem:$0x1AB20] =	vst v48;
	v18 =	vadd.f32 v56, v18;
	v56 =	vmul.f32 v15, v8  }
0x388: {  	v5 =	vmul.f32 v21, v8;
	v60 =	vadd.f32 v12, v43;
	[tilespmem:$0x1AB90] =	vst v0  }
0x389: {  	v2 =	vadd.f32 v2, v9;
	[tilespmem:$0x1ABC0] =	vst v6;
	v10 =	vadd.f32 v56, v46  }
0x38a: {  	v5 =	vadd.f32 v5, v44;
	v6 =	vmul.f32 v25, v8;
	v4 =	vadd.f32 v4, v60;
	[tilespmem:$0x1AA60] =	vst v34;
	v34 =	vld [tilespmem:$0x1FDB0]  }
0x38b: {  	v52 =	vld [tilespmem:$0x1FFB0];
	[tilespmem:$0x1ABA0] =	vst v2;
	v2 =	vmul.f32 v23, v8;
	v1 =	vadd.f32 v1, v10  }
0x38c: {  	v0 =	vmul.f32 v22, v8;
	v5 =	vadd.f32 v63, v5;
	[tilespmem:$0x1ABD0] =	vst v4;
	v4 =	vadd.f32 v6, v37;
	v6 =	vld [tilespmem:$0x1FF90]  }
0x38d: {  	v49 =	vld [tilespmem:$0x1FCE0];
	v2 =	vadd.f32 v2, v35;
	[tilespmem:$0x1ABB0] =	vst v1;
	v1 =	vmul.f32 v24, v8  }
0x38e: {  	v0 =	vadd.f32 v0, v45;
	[tilespmem:$0x1ABE0] =	vst v5  }
0x38f: {  	v5 =	vmul.f32 v27, v8;
	v2 =	vadd.f32 v57, v2;
	v1 =	vadd.f32 v1, v36;
	[tilespmem:$0x1AA70] =	vst v34;
	v34 =	vld [tilespmem:$0x1FDF0]  }
0x390: {  	[tilespmem:$0x1AB30] =	vst v52;
	v3 =	vmul.f32 v26, v8;
	v0 =	vadd.f32 v51, v0  }
0x391: {  	v5 =	vadd.f32 v5, v39;
	[tilespmem:$0x1AC00] =	vst v2;
	v2 =	vmul.f32 v29, v8;
	v1 =	vadd.f32 v6, v1  }
0x392: {  	v14 =	vadd.f32 v20, v49;
	v3 =	vadd.f32 v3, v38;
	[tilespmem:$0x1ABF0] =	vst v0  }
0x393: {  	[tilespmem:$0x1AC10] =	vst v1;
	v1 =	vadd.f32 v2, v47;
	v2 =	vadd.f32 v61, v5;
	v5 =	vld [tilespmem:$0x1FE10]  }
0x394: {  	v14 =	vadd.f32 v55, v14;
	v0 =	vmul.f32 v28, v8;
	[tilespmem:$0x1AA80] =	vst v34;
	v34 =	vld [tilespmem:$0x1FE20]  }
0x395: {  	[tilespmem:$0x1AB60] =	vst v18;
	v3 =	vadd.f32 v62, v3  }
0x396: {  	[tilespmem:$0x1AB70] =	vst v14;
	v4 =	vadd.f32 v59, v4;
	v0 =	vadd.f32 v0, v33  }
0x397: {  	[tilespmem:$0x1AC30] =	vst v3;
	v6 =	vmul.f32 v30, v8  }
0x398: {  	[tilespmem:$0x1AC20] =	vst v4;
	v4 =	vmul.f32 v31, v7;
	v0 =	vadd.f32 v53, v0  }
0x399: {  	v5 =	vadd.f32 v6, v5;
	v6 =	vmul.f32 v32, v7;
	[tilespmem:$0x1AA90] =	vst v34;
	v34 =	vld [tilespmem:$0x1FE30]  }
0x39a: {  	s28 =	smul.u32 $0x1800, s24;
	[tilespmem:$0x1AC50] =	vst v0;
	v1 =	vadd.f32 v4, v1  }
0x39b: {  	[tilespmem:$0x1AC40] =	vst v2;
	v2 =	vadd.f32 v6, v5  }
0x39c: {  	s2 =	sor.u32 s23, s28;
	[tilespmem:$0x1AC60] =	vst v1  }
0x39d: {  	s29 =	rddreg [dreg:$0x3];
	s30 =	simm.s32 $0x80;
	s2 =	sshrl.u32 s2, $0x3;
	[tilespmem:$0x1AC70] =	vst v2  }
0x39e: {  	s5 =	simm.s32 $0x400;
	s8 =	simm.s32 $0x1A980;
	s2 =	sadd.s32 s29, s2;
	[tilespmem:$0x1AAA0] =	vst v34  }
0x39f: {  	[hbm4b:s2+s30] =	stream.strided.scatter [tilespmem:s8], [sflag:$0x3], $0x300, s5, s30, $0x38;
	[tilespmem:$0x1AF80] =	vst v63  }
0x3a0: {  	p0 =	sne.s32 s7, $0x100;
	_ =	swait.ge [sflag:s13], $0x300  }
.Ltmp20:
0x3a1: {  	s31 =	sld [smem:$0x7FD];
	(pc) =	sbr.rel @p0 .LBB2_4-.Ltmp20, $4  }
.Ltmp21:
0x3a2: {  	_ = 	snop;
	(pc) =	sbr.rel @!p0 .LBB2_32-.Ltmp21, $4  }
0x3a3: {  	_ = 	snop  }
0x3a4: {  	[sflag:s13] =	ssyncset.done $0x0;
	p1 =	seq.s32 s31, $0x1  }
0x3a5: {  	v1 =	vimm.s32 $0x1;
	v7 =	vimm.s32 $0x0;
	v6 =	vlaneseq.u32;
	[sflag:s13] =	ssyncadd.s32 $0xFFFFFD00;
	p1 =	por !p1, !p1  }
0x3a6: {  	_ = 	snop  }
.LBB2_21:
.Ltmp22:
0x3a7: {  	(pc) =	sbr.rel .LBB2_28-.Ltmp22, $2  }
0x3a8: {  	_ =	sdelay $0x2  }
0x3a9: {  	s2 =	simm.s32 $0xD800  }
.LBB2_26:
.Ltmp23:
0x3aa: {  	(pc) =	sbr.rel .LBB2_28-.Ltmp23, $2  }
0x3ab: {  	_ =	sdelay $0x2  }
0x3ac: {  	s2 =	simm.s32 $0xD800  }
.LBB2_33:
0x3ad: {  	_ =	sfence.sel $0x180000  }
0x3ae: {  	[bflag:$0x0] =	sbarrier.arrive $0xFFFF  }
0x3af: {  	_ =	strace $0x90000047  }
0x3b0: {  	s0 =	stileid.u32;
	[bflag:$0x2] =	sbarrier.arrive $0xFFFF  }
0x3b1: {  	p0 =	sne.s32 s0, $0x0;
	s0 =	rddreg [dreg:$0x4]  }
0x3b2: {  	s0 =	sadd.s32 @!p0 $0x100000, s0  }
0x3b3: {  	[sflag:s0] =	ssyncadd.tile.s32 @!p0 $0x1;
	_ =	shalt  }
.Lfunc_end2:
_tile_overlayer_lowered:
.L_overlay_start_2:
0x3b4: {  	(tag) =	ssettag $0x2  }
0x3b5: {  	s0 =	rddreg [dreg:$0x0];
	s2 =	stileid.u32  }
0x3b6: {  	s1 =	rddreg [dreg:$0x1];
	p0 =	sne.s32 s2, $0x0  }
0x3b7: {  	s3 =	rddreg [dreg:$0x2];
	[bflag:$0x3] =	sbarrier.arrive $0xFFFF;
	s2 =	simm.s32 @!p0 $0x1C03  }
0x3b8: {  	[timem:s3], [sflag:s2] =	dma.local @!p0 [hbm:s0], s1  }
0x3b9: {  	s0 =	simm.s32 @!p0 $0x3  }
0x3ba: {  	_ =	swait.ge @!p0 [sflag:s0], s1  }
0x3bb: {  	s1 =	ssub.s32 @!p0 $0x0, s1;
	[sflag:s0] =	ssyncset.done @!p0 $0x0  }
0x3bc: {  	[sflag:s0] =	ssyncadd.s32 @!p0 s1  }
0x3bd: {  	[bflag:$0x3] =	sbarrier.arrive $0xFFFF  }
0x3be: {  	_ =	shalt  }

</sc_bundles>
